<compile_context>
chip_gen: v7x
topology: tpu7x:2x2x1
jax: 0.10.2.dev20260603
libtpu: 0.0.44.dev20260713+nightly
codegen_flags: <defaults>
</compile_context>

<pallas_src>
import functools

import jax
import jax.numpy as jnp
from jax import lax
from jax.experimental import pallas as pl
from jax.experimental.pallas import tpu as pltpu
from jax.experimental.pallas import tpu_sc as plsc

NUM_USERS = 100000
NUM_ITEMS = 100000
K = 64
BATCH = 16384
CHUNK = 128
NPACK = 51200
PBLK = 2560


def _tc_pack(Wt, eye):
    grid = NPACK // PBLK
    off = NPACK // PBLK
    nblk_in = -(-NUM_USERS // PBLK)

    def body(a_r, b_r, eye_r, o_r):
        ident = eye_r[...]
        for g in range(4):
            left = lax.dot_general(a_r[g], ident, (((0,), (0,)), ((), ())),
                                   preferred_element_type=jnp.float32)
            right = lax.dot_general(b_r[g], ident, (((0,), (0,)), ((), ())),
                                    preferred_element_type=jnp.float32)
            o_r[g] = jnp.concatenate([left, right], axis=1)

    return pl.pallas_call(
        body,
        grid=(grid,),
        in_specs=[
            pl.BlockSpec((4, K, PBLK), lambda m: (0, 0, m)),
            pl.BlockSpec((4, K, PBLK),
                         lambda m: (0, 0, jnp.minimum(m + off, nblk_in - 1))),
            pl.BlockSpec((K, K), lambda m: (0, 0)),
        ],
        out_specs=pl.BlockSpec((4, PBLK, 2 * K), lambda m: (0, m, 0)),
        out_shape=jax.ShapeDtypeStruct((4, NPACK, 2 * K), jnp.float32),
    )(Wt, Wt, eye)


def _sc_gather(P, idx):
    info = plsc.get_sparse_core_info()
    NC, NS = info.num_cores, info.num_subcores
    NW = NC * NS
    n = BATCH // NW
    nch = n // CHUNK
    f32 = jnp.float32

    mesh = plsc.VectorSubcoreMesh(core_axis_name="c", subcore_axis_name="s")
    out_type = jax.ShapeDtypeStruct((4, BATCH, 2 * K), f32)
    scratch = [
        pltpu.VMEM((nch, CHUNK), jnp.int32),
        pltpu.VMEM((CHUNK, 2 * K), f32),
        pltpu.VMEM((CHUNK, 2 * K), f32),
        pltpu.VMEM((CHUNK, 2 * K), f32),
        pltpu.VMEM((CHUNK, 2 * K), f32),
        pltpu.SemaphoreType.DMA,
        pltpu.SemaphoreType.DMA,
    ]

    @functools.partial(pl.kernel, mesh=mesh, out_type=out_type,
                       scratch_types=scratch,
                       compiler_params=pltpu.CompilerParams(
                           use_tc_tiling_on_sc=False))
    def gather_kernel(P_h, idx_h, G_o, idx_v, buf0, buf1, buf2, buf3,
                      gsem, wsem):
        wid = lax.axis_index("s") * NC + lax.axis_index("c")
        base = wid * n
        pltpu.sync_copy(idx_h.at[pl.ds(wid * nch, nch), :], idx_v)
        bufs = [buf0, buf1, buf2, buf3]
        nb = len(bufs)
        units = []
        for g in range(4):
            for c in range(nch):
                units.append((g, c,
                              G_o.at[g, pl.ds(base + c * CHUNK, CHUNK)]))
        nu = len(units)
        gathers = [None] * nu
        writes = [None] * nu
        for t in range(nu + 1):
            if t < nu:
                if t >= nb:
                    writes[t - nb].wait()
                g, c, _ = units[t]
                gathers[t] = pltpu.async_copy(
                    P_h.at[g].at[idx_v.at[c]], bufs[t % nb], gsem)
            if t >= 1:
                _, _, o = units[t - 1]
                gathers[t - 1].wait()
                writes[t - 1] = pltpu.async_copy(
                    bufs[(t - 1) % nb], o, wsem)
        for t in range(nu - nb, nu):
            writes[t].wait()

    return gather_kernel(P, idx)


def _swap(v):
    return pltpu.roll(v, K, axis=v.ndim - 1)


def _cell(wx, h, C, Uw_ref, Ub_ref):
    z = [lax.dot_general(h, Uw_ref[g], (((1,), (0,)), ((), ())),
                         preferred_element_type=jnp.float32)
         + wx[g] + Ub_ref[g]
         for g in range(4)]
    f = jax.nn.sigmoid(z[0])
    i = jax.nn.sigmoid(z[1])
    s = jnp.tanh(z[2])
    o = jax.nn.sigmoid(z[3])
    new_C = f * C + i * s
    new_h = o * jnp.tanh(new_C)
    return new_h, new_C


def _tc_compute(uG, iG, halves, Uw_blk, Ub_cat):
    blk = 2048
    grid = BATCH // blk

    def body(uG_r, iG_r, hv_r, Uw_r, Ub_r, o_r):
        lane = lax.broadcasted_iota(jnp.int32, (1, 2 * K), 1)
        maskL = (lane < K).astype(jnp.float32)
        mu = hv_r[0][:, None]
        mi = hv_r[1][:, None]
        wx = []
        for g in range(4):
            u = uG_r[g]
            i = iG_r[g]
            p = jnp.where(mu > 0.0, _swap(u), u)
            q = jnp.where(mi > 0.0, i, _swap(i))
            wx.append(jnp.where(maskL > 0.0, p, q))
        z0 = jnp.zeros((blk, 2 * K), jnp.float32)
        h, C = _cell(wx, z0, z0, Uw_r, Ub_r)
        h, _ = _cell(wx, h, C, Uw_r, Ub_r)
        o_r[...] = jnp.sum(h * _swap(h) * maskL, axis=1)

    return pl.pallas_call(
        body,
        grid=(grid,),
        in_specs=[
            pl.BlockSpec((4, blk, 2 * K), lambda b: (0, b, 0)),
            pl.BlockSpec((4, blk, 2 * K), lambda b: (0, b, 0)),
            pl.BlockSpec((2, blk), lambda b: (0, b)),
            pl.BlockSpec((4, 2 * K, 2 * K), lambda b: (0, 0, 0)),
            pl.BlockSpec((4, 2 * K), lambda b: (0, 0)),
        ],
        out_specs=pl.BlockSpec((blk,), lambda b: (b,)),
        out_shape=jax.ShapeDtypeStruct((BATCH,), jnp.float32),
    )(uG, iG, halves, Uw_blk, Ub_cat)


def kernel(x, uW, uUw, uUb, iW, iUw, iUb, user_h, user_C, item_h, item_C):
    del user_h, user_C, item_h, item_C
    u_id = x[:, 1].astype(jnp.int32)
    i_id = x[:, 2].astype(jnp.int32)
    ju = jnp.where(u_id >= NPACK, u_id - NPACK, u_id).reshape(
        BATCH // CHUNK, CHUNK)
    ji = jnp.where(i_id >= NPACK, i_id - NPACK, i_id).reshape(
        BATCH // CHUNK, CHUNK)
    halves = jnp.stack([(u_id >= NPACK).astype(jnp.float32),
                        (i_id >= NPACK).astype(jnp.float32)])
    eye = jnp.eye(K, dtype=jnp.float32)
    uP = _tc_pack(jnp.transpose(uW, (0, 2, 1)), eye)
    uG = _sc_gather(uP, ju)
    iP = _tc_pack(jnp.transpose(iW, (0, 2, 1)), eye)
    iG = _sc_gather(iP, ji)
    zero = jnp.zeros((4, K, K), jnp.float32)
    Uw_blk = jnp.concatenate([
        jnp.concatenate([jnp.transpose(uUw, (0, 2, 1)), zero], axis=2),
        jnp.concatenate([zero, jnp.transpose(iUw, (0, 2, 1))], axis=2),
    ], axis=1)
    Ub_cat = jnp.concatenate([uUb, iUb], axis=1)
    return _tc_compute(uG, iG, halves, Uw_blk, Ub_cat)

# --- scband reference (transcript-rebuilt; emitter-appended) ---
"""Pipeline reference for scband-personalized-lstmbased-matrix-factorization-22136261443915 (READ-ONLY COPY).

The authoritative reference and input builder live on the scoring server;
editing this copy changes nothing except your own understanding.
"""

import jax, jax.numpy as jnp
import numpy as np

NUM_USERS = 100000
NUM_ITEMS = 100000
K = 64
BATCH = 16384
STEP = 2

# gate order along leading axis: 0=forget, 1=input, 2=state, 3=output

def setup_inputs(seed: int = 0):
    key = jax.random.key(seed)
    ks = jax.random.split(key, 8)
    x = jax.random.randint(ks[0], (BATCH, 3), 0, 100000, dtype=jnp.int32)
    uW = jax.random.normal(ks[1], (4, NUM_USERS, K), dtype=jnp.float32) * 0.02
    uUw = jax.random.normal(ks[2], (4, K, K), dtype=jnp.float32) * 0.1
    uUb = jnp.zeros((4, K), dtype=jnp.float32).at[0].set(1.0)
    iW = jax.random.normal(ks[3], (4, NUM_ITEMS, K), dtype=jnp.float32) * 0.02
    iUw = jax.random.normal(ks[4], (4, K, K), dtype=jnp.float32) * 0.1
    iUb = jnp.zeros((4, K), dtype=jnp.float32).at[0].set(1.0)
    user_h = jnp.zeros((NUM_USERS, K), dtype=jnp.float32)
    user_C = jnp.zeros((NUM_USERS, K), dtype=jnp.float32)
    item_h = jnp.zeros((NUM_ITEMS, K), dtype=jnp.float32)
    item_C = jnp.zeros((NUM_ITEMS, K), dtype=jnp.float32)
    return {"x": x, "uW": uW, "uUw": uUw, "uUb": uUb, "iW": iW, "iUw": iUw, "iUb": iUb,
            "user_h": user_h, "user_C": user_C, "item_h": item_h, "item_C": item_C}


def _lstm_cell(ids, h, C, W, Uw, Ub):
    # Dropout is in eval mode -> identity
    f = jax.nn.sigmoid(jnp.take(W[0], ids, axis=0) + h @ Uw[0].T + Ub[0])
    i = jax.nn.sigmoid(jnp.take(W[1], ids, axis=0) + h @ Uw[1].T + Ub[1])
    s = jnp.tanh(jnp.take(W[2], ids, axis=0) + h @ Uw[2].T + Ub[2])
    new_C = f * C + i * s
    o = jax.nn.sigmoid(jnp.take(W[3], ids, axis=0) + h @ Uw[3].T + Ub[3])
    new_h = o * jnp.tanh(new_C)
    return new_h, new_C


def reference(x, uW, uUw, uUb, iW, iUw, iUb, user_h, user_C, item_h, item_C):
    u_id = x[:, 1]
    i_id = x[:, 2]
    uh = jnp.take(user_h, u_id, axis=0)
    uC = jnp.take(user_C, u_id, axis=0)
    ih = jnp.take(item_h, i_id, axis=0)
    iC = jnp.take(item_C, i_id, axis=0)
    for _ in range(STEP):
        uh, uC = _lstm_cell(u_id, uh, uC, uW, uUw, uUb)
        ih, iC = _lstm_cell(i_id, ih, iC, iW, iUw, iUb)
    return jnp.sum(uh * ih, axis=1)

if __name__ == "__main__":
    import jax
    _d = setup_inputs()
    print(jax.jit(kernel)(*tuple(_d.values())))

</pallas_src>

<mosaic_0001>
#map = affine_map<(d0, d1) -> (0, 0, 0)>
#map1 = affine_map<(d0, d1) -> (0, 0)>
module attributes {stable_mosaic.version = 14 : i64} {
  func.func @gather_kernel(%arg0: i32, %arg1: i32, %arg2: memref<4x51200x128xf32, #tpu.memory_space<hbm>>, %arg3: memref<128x128xi32, #tpu.memory_space<hbm>>, %arg4: memref<4x16384x128xf32, #tpu.memory_space<hbm>>, %arg5: memref<4x128xi32, #tpu.memory_space<vmem>>, %arg6: memref<128x128xf32, #tpu.memory_space<vmem>>, %arg7: memref<128x128xf32, #tpu.memory_space<vmem>>, %arg8: memref<128x128xf32, #tpu.memory_space<vmem>>, %arg9: memref<128x128xf32, #tpu.memory_space<vmem>>, %arg10: memref<!tpu.dma_semaphore, #tpu.memory_space<semaphore_mem>>, %arg11: memref<!tpu.dma_semaphore, #tpu.memory_space<semaphore_mem>>) attributes {dimension_semantics = [#tpu.dimension_semantics<core_parallel>, #tpu.dimension_semantics<subcore_parallel>], iteration_bounds = array<i64: 2, 16>, scalar_prefetch = 0 : i64, scratch_operands = 7 : i64, tpu.core_type = #tpu.core_type<sc_vector_subcore>, window_params = [{transform_indices = #map}, {transform_indices = #map1}, {transform_indices = #map}]} {
    %mul3A = arith.constant 2 : i32
    %mul3A_0 = arith.muli %arg1, %mul3A : i32
    %add3A = arith.addi %mul3A_0, %arg0 : i32
    %mul3A_1 = arith.constant 512 : i32
    %mul3A_2 = arith.muli %add3A, %mul3A_1 : i32
    %mul3A_3 = arith.constant 4 : i32
    %mul3A_4 = arith.muli %add3A, %mul3A_3 : i32
    "tpu.region"() ({
      %run_scoped3A = tpu.sem_alloc : memref<!tpu.dma_semaphore, #tpu.memory_space<semaphore_mem>>
      %dma_start3A_643 = arith.constant 0 : i32
      %dma_start3A_644 = tpu.memref_slice %arg3[%mul3A_4, %dma_start3A_643] : memref<128x128xi32, #tpu.memory_space<hbm>> -> memref<4x128xi32, #tpu.memory_space<hbm>>
      %dma_start3A_645 = arith.constant 0 : i32
      %dma_start3A_646 = tpu.memref_slice %arg3[%mul3A_4, %dma_start3A_645] : memref<128x128xi32, #tpu.memory_space<hbm>> -> memref<4x128xi32, #tpu.memory_space<hbm>>
      tpu.enqueue_dma source(%dma_start3A_646 : memref<4x128xi32, #tpu.memory_space<hbm>>) target(%arg5 : memref<4x128xi32, #tpu.memory_space<vmem>>) target_semaphore(%run_scoped3A : memref<!tpu.dma_semaphore, #tpu.memory_space<semaphore_mem>>)
      %dma_wait3A_647 = arith.constant 0 : i32
      %dma_wait3A_648 = tpu.memref_slice %arg3[%mul3A_4, %dma_wait3A_647] : memref<128x128xi32, #tpu.memory_space<hbm>> -> memref<4x128xi32, #tpu.memory_space<hbm>>
      %dma_wait3A_649 = arith.constant 0 : i32
      %dma_wait3A_650 = tpu.memref_slice %arg3[%mul3A_4, %dma_wait3A_649] : memref<128x128xi32, #tpu.memory_space<hbm>> -> memref<4x128xi32, #tpu.memory_space<hbm>>
      tpu.wait_dma2 semaphore(%run_scoped3A : memref<!tpu.dma_semaphore, #tpu.memory_space<semaphore_mem>>) src(%dma_wait3A_650 : memref<4x128xi32, #tpu.memory_space<hbm>>) dst(%arg5 : memref<4x128xi32, #tpu.memory_space<vmem>>)
      tpu.yield
    }) : () -> ()
    %add3A_5 = arith.constant 0 : i32
    %add3A_6 = arith.addi %mul3A_2, %add3A_5 : i32
    %add3A_7 = arith.constant 128 : i32
    %add3A_8 = arith.addi %mul3A_2, %add3A_7 : i32
    %add3A_9 = arith.constant 256 : i32
    %add3A_10 = arith.addi %mul3A_2, %add3A_9 : i32
    %add3A_11 = arith.constant 384 : i32
    %add3A_12 = arith.addi %mul3A_2, %add3A_11 : i32
    %add3A_13 = arith.constant 0 : i32
    %add3A_14 = arith.addi %mul3A_2, %add3A_13 : i32
    %add3A_15 = arith.constant 128 : i32
    %add3A_16 = arith.addi %mul3A_2, %add3A_15 : i32
    %add3A_17 = arith.constant 256 : i32
    %add3A_18 = arith.addi %mul3A_2, %add3A_17 : i32
    %add3A_19 = arith.constant 384 : i32
    %add3A_20 = arith.addi %mul3A_2, %add3A_19 : i32
    %add3A_21 = arith.constant 0 : i32
    %add3A_22 = arith.addi %mul3A_2, %add3A_21 : i32
    %add3A_23 = arith.constant 128 : i32
    %add3A_24 = arith.addi %mul3A_2, %add3A_23 : i32
    %add3A_25 = arith.constant 256 : i32
    %add3A_26 = arith.addi %mul3A_2, %add3A_25 : i32
    %add3A_27 = arith.constant 384 : i32
    %add3A_28 = arith.addi %mul3A_2, %add3A_27 : i32
    %add3A_29 = arith.constant 0 : i32
    %add3A_30 = arith.addi %mul3A_2, %add3A_29 : i32
    %add3A_31 = arith.constant 128 : i32
    %add3A_32 = arith.addi %mul3A_2, %add3A_31 : i32
    %add3A_33 = arith.constant 256 : i32
    %add3A_34 = arith.addi %mul3A_2, %add3A_33 : i32
    %add3A_35 = arith.constant 384 : i32
    %add3A_36 = arith.addi %mul3A_2, %add3A_35 : i32
    %dma_start3A = arith.constant 0 : i32
    %dma_start3A_37 = arith.constant 0 : i32
    %dma_start3A_38 = arith.constant 0 : i32
    %dma_start3A_39 = tpu.memref_slice %arg5[%dma_start3A_37, %dma_start3A_38] : memref<4x128xi32, #tpu.memory_space<vmem>> -> memref<1x128xi32, #tpu.memory_space<vmem>>
    %dma_start3A_40 = tpu.memref_squeeze %dma_start3A_39 : memref<1x128xi32, #tpu.memory_space<vmem>> -> memref<128xi32, #tpu.memory_space<vmem>>
    %dma_start3A_41 = arith.constant 0 : i32
    %dma_start3A_42 = arith.constant 0 : i32
    %dma_start3A_43 = tpu.memref_slice %arg2[%dma_start3A, %dma_start3A_41, %dma_start3A_42] : memref<4x51200x128xf32, #tpu.memory_space<hbm>> -> memref<1x51200x128xf32, #tpu.memory_space<hbm>>
    %dma_start3A_44 = tpu.memref_squeeze %dma_start3A_43 : memref<1x51200x128xf32, #tpu.memory_space<hbm>> -> memref<51200x128xf32, #tpu.memory_space<hbm>>
    %dma_start3A_45 = arith.constant 0 : i32
    %dma_start3A_46 = arith.constant 0 : i32
    %dma_start3A_47 = tpu.memref_slice %dma_start3A_44[%dma_start3A_45, %dma_start3A_46] : memref<51200x128xf32, #tpu.memory_space<hbm>> -> memref<51200x128xf32, #tpu.memory_space<hbm>>
    tpu.enqueue_indirect_dma source(%dma_start3A_47 : memref<51200x128xf32, #tpu.memory_space<hbm>>) target(%arg6 : memref<128x128xf32, #tpu.memory_space<vmem>>) offsets(%dma_start3A_40 : memref<128xi32, #tpu.memory_space<vmem>>) semaphore(%arg10 : memref<!tpu.dma_semaphore, #tpu.memory_space<semaphore_mem>>)
    %dma_start3A_48 = arith.constant 0 : i32
    %dma_start3A_49 = arith.constant 1 : i32
    %dma_start3A_50 = arith.constant 0 : i32
    %dma_start3A_51 = tpu.memref_slice %arg5[%dma_start3A_49, %dma_start3A_50] : memref<4x128xi32, #tpu.memory_space<vmem>> -> memref<1x128xi32, #tpu.memory_space<vmem>>
    %dma_start3A_52 = tpu.memref_squeeze %dma_start3A_51 : memref<1x128xi32, #tpu.memory_space<vmem>> -> memref<128xi32, #tpu.memory_space<vmem>>
    %dma_start3A_53 = arith.constant 0 : i32
    %dma_start3A_54 = arith.constant 0 : i32
    %dma_start3A_55 = tpu.memref_slice %arg2[%dma_start3A_48, %dma_start3A_53, %dma_start3A_54] : memref<4x51200x128xf32, #tpu.memory_space<hbm>> -> memref<1x51200x128xf32, #tpu.memory_space<hbm>>
    %dma_start3A_56 = tpu.memref_squeeze %dma_start3A_55 : memref<1x51200x128xf32, #tpu.memory_space<hbm>> -> memref<51200x128xf32, #tpu.memory_space<hbm>>
    %dma_start3A_57 = arith.constant 0 : i32
    %dma_start3A_58 = arith.constant 0 : i32
    %dma_start3A_59 = tpu.memref_slice %dma_start3A_56[%dma_start3A_57, %dma_start3A_58] : memref<51200x128xf32, #tpu.memory_space<hbm>> -> memref<51200x128xf32, #tpu.memory_space<hbm>>
    tpu.enqueue_indirect_dma source(%dma_start3A_59 : memref<51200x128xf32, #tpu.memory_space<hbm>>) target(%arg7 : memref<128x128xf32, #tpu.memory_space<vmem>>) offsets(%dma_start3A_52 : memref<128xi32, #tpu.memory_space<vmem>>) semaphore(%arg10 : memref<!tpu.dma_semaphore, #tpu.memory_space<semaphore_mem>>)
    %dma_wait3A = arith.constant 0 : i32
    %dma_wait3A_60 = arith.constant 0 : i32
    %dma_wait3A_61 = arith.constant 0 : i32
    %dma_wait3A_62 = tpu.memref_slice %arg5[%dma_wait3A_60, %dma_wait3A_61] : memref<4x128xi32, #tpu.memory_space<vmem>> -> memref<1x128xi32, #tpu.memory_space<vmem>>
    %dma_wait3A_63 = tpu.memref_squeeze %dma_wait3A_62 : memref<1x128xi32, #tpu.memory_space<vmem>> -> memref<128xi32, #tpu.memory_space<vmem>>
    %dma_wait3A_64 = arith.constant 0 : i32
    %dma_wait3A_65 = arith.constant 0 : i32
    %dma_wait3A_66 = tpu.memref_slice %arg2[%dma_wait3A, %dma_wait3A_64, %dma_wait3A_65] : memref<4x51200x128xf32, #tpu.memory_space<hbm>> -> memref<1x51200x128xf32, #tpu.memory_space<hbm>>
    %dma_wait3A_67 = tpu.memref_squeeze %dma_wait3A_66 : memref<1x51200x128xf32, #tpu.memory_space<hbm>> -> memref<51200x128xf32, #tpu.memory_space<hbm>>
    %dma_wait3A_68 = arith.constant 0 : i32
    %dma_wait3A_69 = arith.constant 0 : i32
    %dma_wait3A_70 = tpu.memref_slice %dma_wait3A_67[%dma_wait3A_68, %dma_wait3A_69] : memref<51200x128xf32, #tpu.memory_space<hbm>> -> memref<51200x128xf32, #tpu.memory_space<hbm>>
    tpu.wait_indirect_dma semaphore(%arg10 : memref<!tpu.dma_semaphore, #tpu.memory_space<semaphore_mem>>) src(%dma_wait3A_70 : memref<51200x128xf32, #tpu.memory_space<hbm>>) dst(%arg6 : memref<128x128xf32, #tpu.memory_space<vmem>>)
    %dma_start3A_71 = arith.constant 0 : i32
    %dma_start3A_72 = arith.constant 0 : i32
    %dma_start3A_73 = tpu.memref_slice %arg4[%dma_start3A_71, %add3A_6, %dma_start3A_72] : memref<4x16384x128xf32, #tpu.memory_space<hbm>> -> memref<1x128x128xf32, #tpu.memory_space<hbm>>
    %dma_start3A_74 = tpu.memref_squeeze %dma_start3A_73 : memref<1x128x128xf32, #tpu.memory_space<hbm>> -> memref<128x128xf32, #tpu.memory_space<hbm>>
    %dma_start3A_75 = arith.constant 0 : i32
    %dma_start3A_76 = tpu.memref_slice %arg4[%dma_start3A_71, %add3A_6, %dma_start3A_75] : memref<4x16384x128xf32, #tpu.memory_space<hbm>> -> memref<1x128x128xf32, #tpu.memory_space<hbm>>
    %dma_start3A_77 = tpu.memref_squeeze %dma_start3A_76 : memref<1x128x128xf32, #tpu.memory_space<hbm>> -> memref<128x128xf32, #tpu.memory_space<hbm>>
    tpu.enqueue_dma source(%arg6 : memref<128x128xf32, #tpu.memory_space<vmem>>) target(%dma_start3A_77 : memref<128x128xf32, #tpu.memory_space<hbm>>) target_semaphore(%arg11 : memref<!tpu.dma_semaphore, #tpu.memory_space<semaphore_mem>>)
    %dma_start3A_78 = arith.constant 0 : i32
    %dma_start3A_79 = arith.constant 2 : i32
    %dma_start3A_80 = arith.constant 0 : i32
    %dma_start3A_81 = tpu.memref_slice %arg5[%dma_start3A_79, %dma_start3A_80] : memref<4x128xi32, #tpu.memory_space<vmem>> -> memref<1x128xi32, #tpu.memory_space<vmem>>
    %dma_start3A_82 = tpu.memref_squeeze %dma_start3A_81 : memref<1x128xi32, #tpu.memory_space<vmem>> -> memref<128xi32, #tpu.memory_space<vmem>>
    %dma_start3A_83 = arith.constant 0 : i32
    %dma_start3A_84 = arith.constant 0 : i32
    %dma_start3A_85 = tpu.memref_slice %arg2[%dma_start3A_78, %dma_start3A_83, %dma_start3A_84] : memref<4x51200x128xf32, #tpu.memory_space<hbm>> -> memref<1x51200x128xf32, #tpu.memory_space<hbm>>
    %dma_start3A_86 = tpu.memref_squeeze %dma_start3A_85 : memref<1x51200x128xf32, #tpu.memory_space<hbm>> -> memref<51200x128xf32, #tpu.memory_space<hbm>>
    %dma_start3A_87 = arith.constant 0 : i32
    %dma_start3A_88 = arith.constant 0 : i32
    %dma_start3A_89 = tpu.memref_slice %dma_start3A_86[%dma_start3A_87, %dma_start3A_88] : memref<51200x128xf32, #tpu.memory_space<hbm>> -> memref<51200x128xf32, #tpu.memory_space<hbm>>
    tpu.enqueue_indirect_dma source(%dma_start3A_89 : memref<51200x128xf32, #tpu.memory_space<hbm>>) target(%arg8 : memref<128x128xf32, #tpu.memory_space<vmem>>) offsets(%dma_start3A_82 : memref<128xi32, #tpu.memory_space<vmem>>) semaphore(%arg10 : memref<!tpu.dma_semaphore, #tpu.memory_space<semaphore_mem>>)
    %dma_wait3A_90 = arith.constant 0 : i32
    %dma_wait3A_91 = arith.constant 1 : i32
    %dma_wait3A_92 = arith.constant 0 : i32
    %dma_wait3A_93 = tpu.memref_slice %arg5[%dma_wait3A_91, %dma_wait3A_92] : memref<4x128xi32, #tpu.memory_space<vmem>> -> memref<1x128xi32, #tpu.memory_space<vmem>>
    %dma_wait3A_94 = tpu.memref_squeeze %dma_wait3A_93 : memref<1x128xi32, #tpu.memory_space<vmem>> -> memref<128xi32, #tpu.memory_space<vmem>>
    %dma_wait3A_95 = arith.constant 0 : i32
    %dma_wait3A_96 = arith.constant 0 : i32
    %dma_wait3A_97 = tpu.memref_slice %arg2[%dma_wait3A_90, %dma_wait3A_95, %dma_wait3A_96] : memref<4x51200x128xf32, #tpu.memory_space<hbm>> -> memref<1x51200x128xf32, #tpu.memory_space<hbm>>
    %dma_wait3A_98 = tpu.memref_squeeze %dma_wait3A_97 : memref<1x51200x128xf32, #tpu.memory_space<hbm>> -> memref<51200x128xf32, #tpu.memory_space<hbm>>
    %dma_wait3A_99 = arith.constant 0 : i32
    %dma_wait3A_100 = arith.constant 0 : i32
    %dma_wait3A_101 = tpu.memref_slice %dma_wait3A_98[%dma_wait3A_99, %dma_wait3A_100] : memref<51200x128xf32, #tpu.memory_space<hbm>> -> memref<51200x128xf32, #tpu.memory_space<hbm>>
    tpu.wait_indirect_dma semaphore(%arg10 : memref<!tpu.dma_semaphore, #tpu.memory_space<semaphore_mem>>) src(%dma_wait3A_101 : memref<51200x128xf32, #tpu.memory_space<hbm>>) dst(%arg7 : memref<128x128xf32, #tpu.memory_space<vmem>>)
    %dma_start3A_102 = arith.constant 0 : i32
    %dma_start3A_103 = arith.constant 0 : i32
    %dma_start3A_104 = tpu.memref_slice %arg4[%dma_start3A_102, %add3A_8, %dma_start3A_103] : memref<4x16384x128xf32, #tpu.memory_space<hbm>> -> memref<1x128x128xf32, #tpu.memory_space<hbm>>
    %dma_start3A_105 = tpu.memref_squeeze %dma_start3A_104 : memref<1x128x128xf32, #tpu.memory_space<hbm>> -> memref<128x128xf32, #tpu.memory_space<hbm>>
    %dma_start3A_106 = arith.constant 0 : i32
    %dma_start3A_107 = tpu.memref_slice %arg4[%dma_start3A_102, %add3A_8, %dma_start3A_106] : memref<4x16384x128xf32, #tpu.memory_space<hbm>> -> memref<1x128x128xf32, #tpu.memory_space<hbm>>
    %dma_start3A_108 = tpu.memref_squeeze %dma_start3A_107 : memref<1x128x128xf32, #tpu.memory_space<hbm>> -> memref<128x128xf32, #tpu.memory_space<hbm>>
    tpu.enqueue_dma source(%arg7 : memref<128x128xf32, #tpu.memory_space<vmem>>) target(%dma_start3A_108 : memref<128x128xf32, #tpu.memory_space<hbm>>) target_semaphore(%arg11 : memref<!tpu.dma_semaphore, #tpu.memory_space<semaphore_mem>>)
    %dma_start3A_109 = arith.constant 0 : i32
    %dma_start3A_110 = arith.constant 3 : i32
    %dma_start3A_111 = arith.constant 0 : i32
    %dma_start3A_112 = tpu.memref_slice %arg5[%dma_start3A_110, %dma_start3A_111] : memref<4x128xi32, #tpu.memory_space<vmem>> -> memref<1x128xi32, #tpu.memory_space<vmem>>
    %dma_start3A_113 = tpu.memref_squeeze %dma_start3A_112 : memref<1x128xi32, #tpu.memory_space<vmem>> -> memref<128xi32, #tpu.memory_space<vmem>>
    %dma_start3A_114 = arith.constant 0 : i32
    %dma_start3A_115 = arith.constant 0 : i32
    %dma_start3A_116 = tpu.memref_slice %arg2[%dma_start3A_109, %dma_start3A_114, %dma_start3A_115] : memref<4x51200x128xf32, #tpu.memory_space<hbm>> -> memref<1x51200x128xf32, #tpu.memory_space<hbm>>
    %dma_start3A_117 = tpu.memref_squeeze %dma_start3A_116 : memref<1x51200x128xf32, #tpu.memory_space<hbm>> -> memref<51200x128xf32, #tpu.memory_space<hbm>>
    %dma_start3A_118 = arith.constant 0 : i32
    %dma_start3A_119 = arith.constant 0 : i32
    %dma_start3A_120 = tpu.memref_slice %dma_start3A_117[%dma_start3A_118, %dma_start3A_119] : memref<51200x128xf32, #tpu.memory_space<hbm>> -> memref<51200x128xf32, #tpu.memory_space<hbm>>
    tpu.enqueue_indirect_dma source(%dma_start3A_120 : memref<51200x128xf32, #tpu.memory_space<hbm>>) target(%arg9 : memref<128x128xf32, #tpu.memory_space<vmem>>) offsets(%dma_start3A_113 : memref<128xi32, #tpu.memory_space<vmem>>) semaphore(%arg10 : memref<!tpu.dma_semaphore, #tpu.memory_space<semaphore_mem>>)
    %dma_wait3A_121 = arith.constant 0 : i32
    %dma_wait3A_122 = arith.constant 2 : i32
    %dma_wait3A_123 = arith.constant 0 : i32
    %dma_wait3A_124 = tpu.memref_slice %arg5[%dma_wait3A_122, %dma_wait3A_123] : memref<4x128xi32, #tpu.memory_space<vmem>> -> memref<1x128xi32, #tpu.memory_space<vmem>>
    %dma_wait3A_125 = tpu.memref_squeeze %dma_wait3A_124 : memref<1x128xi32, #tpu.memory_space<vmem>> -> memref<128xi32, #tpu.memory_space<vmem>>
    %dma_wait3A_126 = arith.constant 0 : i32
    %dma_wait3A_127 = arith.constant 0 : i32
    %dma_wait3A_128 = tpu.memref_slice %arg2[%dma_wait3A_121, %dma_wait3A_126, %dma_wait3A_127] : memref<4x51200x128xf32, #tpu.memory_space<hbm>> -> memref<1x51200x128xf32, #tpu.memory_space<hbm>>
    %dma_wait3A_129 = tpu.memref_squeeze %dma_wait3A_128 : memref<1x51200x128xf32, #tpu.memory_space<hbm>> -> memref<51200x128xf32, #tpu.memory_space<hbm>>
    %dma_wait3A_130 = arith.constant 0 : i32
    %dma_wait3A_131 = arith.constant 0 : i32
    %dma_wait3A_132 = tpu.memref_slice %dma_wait3A_129[%dma_wait3A_130, %dma_wait3A_131] : memref<51200x128xf32, #tpu.memory_space<hbm>> -> memref<51200x128xf32, #tpu.memory_space<hbm>>
    tpu.wait_indirect_dma semaphore(%arg10 : memref<!tpu.dma_semaphore, #tpu.memory_space<semaphore_mem>>) src(%dma_wait3A_132 : memref<51200x128xf32, #tpu.memory_space<hbm>>) dst(%arg8 : memref<128x128xf32, #tpu.memory_space<vmem>>)
    %dma_start3A_133 = arith.constant 0 : i32
    %dma_start3A_134 = arith.constant 0 : i32
    %dma_start3A_135 = tpu.memref_slice %arg4[%dma_start3A_133, %add3A_10, %dma_start3A_134] : memref<4x16384x128xf32, #tpu.memory_space<hbm>> -> memref<1x128x128xf32, #tpu.memory_space<hbm>>
    %dma_start3A_136 = tpu.memref_squeeze %dma_start3A_135 : memref<1x128x128xf32, #tpu.memory_space<hbm>> -> memref<128x128xf32, #tpu.memory_space<hbm>>
    %dma_start3A_137 = arith.constant 0 : i32
    %dma_start3A_138 = tpu.memref_slice %arg4[%dma_start3A_133, %add3A_10, %dma_start3A_137] : memref<4x16384x128xf32, #tpu.memory_space<hbm>> -> memref<1x128x128xf32, #tpu.memory_space<hbm>>
    %dma_start3A_139 = tpu.memref_squeeze %dma_start3A_138 : memref<1x128x128xf32, #tpu.memory_space<hbm>> -> memref<128x128xf32, #tpu.memory_space<hbm>>
    tpu.enqueue_dma source(%arg8 : memref<128x128xf32, #tpu.memory_space<vmem>>) target(%dma_start3A_139 : memref<128x128xf32, #tpu.memory_space<hbm>>) target_semaphore(%arg11 : memref<!tpu.dma_semaphore, #tpu.memory_space<semaphore_mem>>)
    %dma_wait3A_140 = arith.constant 0 : i32
    %dma_wait3A_141 = arith.constant 0 : i32
    %dma_wait3A_142 = tpu.memref_slice %arg4[%dma_wait3A_140, %add3A_6, %dma_wait3A_141] : memref<4x16384x128xf32, #tpu.memory_space<hbm>> -> memref<1x128x128xf32, #tpu.memory_space<hbm>>
    %dma_wait3A_143 = tpu.memref_squeeze %dma_wait3A_142 : memref<1x128x128xf32, #tpu.memory_space<hbm>> -> memref<128x128xf32, #tpu.memory_space<hbm>>
    %dma_wait3A_144 = arith.constant 0 : i32
    %dma_wait3A_145 = tpu.memref_slice %arg4[%dma_wait3A_140, %add3A_6, %dma_wait3A_144] : memref<4x16384x128xf32, #tpu.memory_space<hbm>> -> memref<1x128x128xf32, #tpu.memory_space<hbm>>
    %dma_wait3A_146 = tpu.memref_squeeze %dma_wait3A_145 : memref<1x128x128xf32, #tpu.memory_space<hbm>> -> memref<128x128xf32, #tpu.memory_space<hbm>>
    tpu.wait_dma2 semaphore(%arg11 : memref<!tpu.dma_semaphore, #tpu.memory_space<semaphore_mem>>) src(%arg6 : memref<128x128xf32, #tpu.memory_space<vmem>>) dst(%dma_wait3A_146 : memref<128x128xf32, #tpu.memory_space<hbm>>)
    %dma_start3A_147 = arith.constant 1 : i32
    %dma_start3A_148 = arith.constant 0 : i32
    %dma_start3A_149 = arith.constant 0 : i32
    %dma_start3A_150 = tpu.memref_slice %arg5[%dma_start3A_148, %dma_start3A_149] : memref<4x128xi32, #tpu.memory_space<vmem>> -> memref<1x128xi32, #tpu.memory_space<vmem>>
    %dma_start3A_151 = tpu.memref_squeeze %dma_start3A_150 : memref<1x128xi32, #tpu.memory_space<vmem>> -> memref<128xi32, #tpu.memory_space<vmem>>
    %dma_start3A_152 = arith.constant 0 : i32
    %dma_start3A_153 = arith.constant 0 : i32
    %dma_start3A_154 = tpu.memref_slice %arg2[%dma_start3A_147, %dma_start3A_152, %dma_start3A_153] : memref<4x51200x128xf32, #tpu.memory_space<hbm>> -> memref<1x51200x128xf32, #tpu.memory_space<hbm>>
    %dma_start3A_155 = tpu.memref_squeeze %dma_start3A_154 : memref<1x51200x128xf32, #tpu.memory_space<hbm>> -> memref<51200x128xf32, #tpu.memory_space<hbm>>
    %dma_start3A_156 = arith.constant 0 : i32
    %dma_start3A_157 = arith.constant 0 : i32
    %dma_start3A_158 = tpu.memref_slice %dma_start3A_155[%dma_start3A_156, %dma_start3A_157] : memref<51200x128xf32, #tpu.memory_space<hbm>> -> memref<51200x128xf32, #tpu.memory_space<hbm>>
    tpu.enqueue_indirect_dma source(%dma_start3A_158 : memref<51200x128xf32, #tpu.memory_space<hbm>>) target(%arg6 : memref<128x128xf32, #tpu.memory_space<vmem>>) offsets(%dma_start3A_151 : memref<128xi32, #tpu.memory_space<vmem>>) semaphore(%arg10 : memref<!tpu.dma_semaphore, #tpu.memory_space<semaphore_mem>>)
    %dma_wait3A_159 = arith.constant 0 : i32
    %dma_wait3A_160 = arith.constant 3 : i32
    %dma_wait3A_161 = arith.constant 0 : i32
    %dma_wait3A_162 = tpu.memref_slice %arg5[%dma_wait3A_160, %dma_wait3A_161] : memref<4x128xi32, #tpu.memory_space<vmem>> -> memref<1x128xi32, #tpu.memory_space<vmem>>
    %dma_wait3A_163 = tpu.memref_squeeze %dma_wait3A_162 : memref<1x128xi32, #tpu.memory_space<vmem>> -> memref<128xi32, #tpu.memory_space<vmem>>
    %dma_wait3A_164 = arith.constant 0 : i32
    %dma_wait3A_165 = arith.constant 0 : i32
    %dma_wait3A_166 = tpu.memref_slice %arg2[%dma_wait3A_159, %dma_wait3A_164, %dma_wait3A_165] : memref<4x51200x128xf32, #tpu.memory_space<hbm>> -> memref<1x51200x128xf32, #tpu.memory_space<hbm>>
    %dma_wait3A_167 = tpu.memref_squeeze %dma_wait3A_166 : memref<1x51200x128xf32, #tpu.memory_space<hbm>> -> memref<51200x128xf32, #tpu.memory_space<hbm>>
    %dma_wait3A_168 = arith.constant 0 : i32
    %dma_wait3A_169 = arith.constant 0 : i32
    %dma_wait3A_170 = tpu.memref_slice %dma_wait3A_167[%dma_wait3A_168, %dma_wait3A_169] : memref<51200x128xf32, #tpu.memory_space<hbm>> -> memref<51200x128xf32, #tpu.memory_space<hbm>>
    tpu.wait_indirect_dma semaphore(%arg10 : memref<!tpu.dma_semaphore, #tpu.memory_space<semaphore_mem>>) src(%dma_wait3A_170 : memref<51200x128xf32, #tpu.memory_space<hbm>>) dst(%arg9 : memref<128x128xf32, #tpu.memory_space<vmem>>)
    %dma_start3A_171 = arith.constant 0 : i32
    %dma_start3A_172 = arith.constant 0 : i32
    %dma_start3A_173 = tpu.memref_slice %arg4[%dma_start3A_171, %add3A_12, %dma_start3A_172] : memref<4x16384x128xf32, #tpu.memory_space<hbm>> -> memref<1x128x128xf32, #tpu.memory_space<hbm>>
    %dma_start3A_174 = tpu.memref_squeeze %dma_start3A_173 : memref<1x128x128xf32, #tpu.memory_space<hbm>> -> memref<128x128xf32, #tpu.memory_space<hbm>>
    %dma_start3A_175 = arith.constant 0 : i32
    %dma_start3A_176 = tpu.memref_slice %arg4[%dma_start3A_171, %add3A_12, %dma_start3A_175] : memref<4x16384x128xf32, #tpu.memory_space<hbm>> -> memref<1x128x128xf32, #tpu.memory_space<hbm>>
    %dma_start3A_177 = tpu.memref_squeeze %dma_start3A_176 : memref<1x128x128xf32, #tpu.memory_space<hbm>> -> memref<128x128xf32, #tpu.memory_space<hbm>>
    tpu.enqueue_dma source(%arg9 : memref<128x128xf32, #tpu.memory_space<vmem>>) target(%dma_start3A_177 : memref<128x128xf32, #tpu.memory_space<hbm>>) target_semaphore(%arg11 : memref<!tpu.dma_semaphore, #tpu.memory_space<semaphore_mem>>)
    %dma_wait3A_178 = arith.constant 0 : i32
    %dma_wait3A_179 = arith.constant 0 : i32
    %dma_wait3A_180 = tpu.memref_slice %arg4[%dma_wait3A_178, %add3A_8, %dma_wait3A_179] : memref<4x16384x128xf32, #tpu.memory_space<hbm>> -> memref<1x128x128xf32, #tpu.memory_space<hbm>>
    %dma_wait3A_181 = tpu.memref_squeeze %dma_wait3A_180 : memref<1x128x128xf32, #tpu.memory_space<hbm>> -> memref<128x128xf32, #tpu.memory_space<hbm>>
    %dma_wait3A_182 = arith.constant 0 : i32
    %dma_wait3A_183 = tpu.memref_slice %arg4[%dma_wait3A_178, %add3A_8, %dma_wait3A_182] : memref<4x16384x128xf32, #tpu.memory_space<hbm>> -> memref<1x128x128xf32, #tpu.memory_space<hbm>>
    %dma_wait3A_184 = tpu.memref_squeeze %dma_wait3A_183 : memref<1x128x128xf32, #tpu.memory_space<hbm>> -> memref<128x128xf32, #tpu.memory_space<hbm>>
    tpu.wait_dma2 semaphore(%arg11 : memref<!tpu.dma_semaphore, #tpu.memory_space<semaphore_mem>>) src(%arg7 : memref<128x128xf32, #tpu.memory_space<vmem>>) dst(%dma_wait3A_184 : memref<128x128xf32, #tpu.memory_space<hbm>>)
    %dma_start3A_185 = arith.constant 1 : i32
    %dma_start3A_186 = arith.constant 1 : i32
    %dma_start3A_187 = arith.constant 0 : i32
    %dma_start3A_188 = tpu.memref_slice %arg5[%dma_start3A_186, %dma_start3A_187] : memref<4x128xi32, #tpu.memory_space<vmem>> -> memref<1x128xi32, #tpu.memory_space<vmem>>
    %dma_start3A_189 = tpu.memref_squeeze %dma_start3A_188 : memref<1x128xi32, #tpu.memory_space<vmem>> -> memref<128xi32, #tpu.memory_space<vmem>>
    %dma_start3A_190 = arith.constant 0 : i32
    %dma_start3A_191 = arith.constant 0 : i32
    %dma_start3A_192 = tpu.memref_slice %arg2[%dma_start3A_185, %dma_start3A_190, %dma_start3A_191] : memref<4x51200x128xf32, #tpu.memory_space<hbm>> -> memref<1x51200x128xf32, #tpu.memory_space<hbm>>
    %dma_start3A_193 = tpu.memref_squeeze %dma_start3A_192 : memref<1x51200x128xf32, #tpu.memory_space<hbm>> -> memref<51200x128xf32, #tpu.memory_space<hbm>>
    %dma_start3A_194 = arith.constant 0 : i32
    %dma_start3A_195 = arith.constant 0 : i32
    %dma_start3A_196 = tpu.memref_slice %dma_start3A_193[%dma_start3A_194, %dma_start3A_195] : memref<51200x128xf32, #tpu.memory_space<hbm>> -> memref<51200x128xf32, #tpu.memory_space<hbm>>
    tpu.enqueue_indirect_dma source(%dma_start3A_196 : memref<51200x128xf32, #tpu.memory_space<hbm>>) target(%arg7 : memref<128x128xf32, #tpu.memory_space<vmem>>) offsets(%dma_start3A_189 : memref<128xi32, #tpu.memory_space<vmem>>) semaphore(%arg10 : memref<!tpu.dma_semaphore, #tpu.memory_space<semaphore_mem>>)
    %dma_wait3A_197 = arith.constant 1 : i32
    %dma_wait3A_198 = arith.constant 0 : i32
    %dma_wait3A_199 = arith.constant 0 : i32
    %dma_wait3A_200 = tpu.memref_slice %arg5[%dma_wait3A_198, %dma_wait3A_199] : memref<4x128xi32, #tpu.memory_space<vmem>> -> memref<1x128xi32, #tpu.memory_space<vmem>>
    %dma_wait3A_201 = tpu.memref_squeeze %dma_wait3A_200 : memref<1x128xi32, #tpu.memory_space<vmem>> -> memref<128xi32, #tpu.memory_space<vmem>>
    %dma_wait3A_202 = arith.constant 0 : i32
    %dma_wait3A_203 = arith.constant 0 : i32
    %dma_wait3A_204 = tpu.memref_slice %arg2[%dma_wait3A_197, %dma_wait3A_202, %dma_wait3A_203] : memref<4x51200x128xf32, #tpu.memory_space<hbm>> -> memref<1x51200x128xf32, #tpu.memory_space<hbm>>
    %dma_wait3A_205 = tpu.memref_squeeze %dma_wait3A_204 : memref<1x51200x128xf32, #tpu.memory_space<hbm>> -> memref<51200x128xf32, #tpu.memory_space<hbm>>
    %dma_wait3A_206 = arith.constant 0 : i32
    %dma_wait3A_207 = arith.constant 0 : i32
    %dma_wait3A_208 = tpu.memref_slice %dma_wait3A_205[%dma_wait3A_206, %dma_wait3A_207] : memref<51200x128xf32, #tpu.memory_space<hbm>> -> memref<51200x128xf32, #tpu.memory_space<hbm>>
    tpu.wait_indirect_dma semaphore(%arg10 : memref<!tpu.dma_semaphore, #tpu.memory_space<semaphore_mem>>) src(%dma_wait3A_208 : memref<51200x128xf32, #tpu.memory_space<hbm>>) dst(%arg6 : memref<128x128xf32, #tpu.memory_space<vmem>>)
    %dma_start3A_209 = arith.constant 1 : i32
    %dma_start3A_210 = arith.constant 0 : i32
    %dma_start3A_211 = tpu.memref_slice %arg4[%dma_start3A_209, %add3A_14, %dma_start3A_210] : memref<4x16384x128xf32, #tpu.memory_space<hbm>> -> memref<1x128x128xf32, #tpu.memory_space<hbm>>
    %dma_start3A_212 = tpu.memref_squeeze %dma_start3A_211 : memref<1x128x128xf32, #tpu.memory_space<hbm>> -> memref<128x128xf32, #tpu.memory_space<hbm>>
    %dma_start3A_213 = arith.constant 0 : i32
    %dma_start3A_214 = tpu.memref_slice %arg4[%dma_start3A_209, %add3A_14, %dma_start3A_213] : memref<4x16384x128xf32, #tpu.memory_space<hbm>> -> memref<1x128x128xf32, #tpu.memory_space<hbm>>
    %dma_start3A_215 = tpu.memref_squeeze %dma_start3A_214 : memref<1x128x128xf32, #tpu.memory_space<hbm>> -> memref<128x128xf32, #tpu.memory_space<hbm>>
    tpu.enqueue_dma source(%arg6 : memref<128x128xf32, #tpu.memory_space<vmem>>) target(%dma_start3A_215 : memref<128x128xf32, #tpu.memory_space<hbm>>) target_semaphore(%arg11 : memref<!tpu.dma_semaphore, #tpu.memory_space<semaphore_mem>>)
    %dma_wait3A_216 = arith.constant 0 : i32
    %dma_wait3A_217 = arith.constant 0 : i32
    %dma_wait3A_218 = tpu.memref_slice %arg4[%dma_wait3A_216, %add3A_10, %dma_wait3A_217] : memref<4x16384x128xf32, #tpu.memory_space<hbm>> -> memref<1x128x128xf32, #tpu.memory_space<hbm>>
    %dma_wait3A_219 = tpu.memref_squeeze %dma_wait3A_218 : memref<1x128x128xf32, #tpu.memory_space<hbm>> -> memref<128x128xf32, #tpu.memory_space<hbm>>
    %dma_wait3A_220 = arith.constant 0 : i32
    %dma_wait3A_221 = tpu.memref_slice %arg4[%dma_wait3A_216, %add3A_10, %dma_wait3A_220] : memref<4x16384x128xf32, #tpu.memory_space<hbm>> -> memref<1x128x128xf32, #tpu.memory_space<hbm>>
    %dma_wait3A_222 = tpu.memref_squeeze %dma_wait3A_221 : memref<1x128x128xf32, #tpu.memory_space<hbm>> -> memref<128x128xf32, #tpu.memory_space<hbm>>
    tpu.wait_dma2 semaphore(%arg11 : memref<!tpu.dma_semaphore, #tpu.memory_space<semaphore_mem>>) src(%arg8 : memref<128x128xf32, #tpu.memory_space<vmem>>) dst(%dma_wait3A_222 : memref<128x128xf32, #tpu.memory_space<hbm>>)
    %dma_start3A_223 = arith.constant 1 : i32
    %dma_start3A_224 = arith.constant 2 : i32
    %dma_start3A_225 = arith.constant 0 : i32
    %dma_start3A_226 = tpu.memref_slice %arg5[%dma_start3A_224, %dma_start3A_225] : memref<4x128xi32, #tpu.memory_space<vmem>> -> memref<1x128xi32, #tpu.memory_space<vmem>>
    %dma_start3A_227 = tpu.memref_squeeze %dma_start3A_226 : memref<1x128xi32, #tpu.memory_space<vmem>> -> memref<128xi32, #tpu.memory_space<vmem>>
    %dma_start3A_228 = arith.constant 0 : i32
    %dma_start3A_229 = arith.constant 0 : i32
    %dma_start3A_230 = tpu.memref_slice %arg2[%dma_start3A_223, %dma_start3A_228, %dma_start3A_229] : memref<4x51200x128xf32, #tpu.memory_space<hbm>> -> memref<1x51200x128xf32, #tpu.memory_space<hbm>>
    %dma_start3A_231 = tpu.memref_squeeze %dma_start3A_230 : memref<1x51200x128xf32, #tpu.memory_space<hbm>> -> memref<51200x128xf32, #tpu.memory_space<hbm>>
    %dma_start3A_232 = arith.constant 0 : i32
    %dma_start3A_233 = arith.constant 0 : i32
    %dma_start3A_234 = tpu.memref_slice %dma_start3A_231[%dma_start3A_232, %dma_start3A_233] : memref<51200x128xf32, #tpu.memory_space<hbm>> -> memref<51200x128xf32, #tpu.memory_space<hbm>>
    tpu.enqueue_indirect_dma source(%dma_start3A_234 : memref<51200x128xf32, #tpu.memory_space<hbm>>) target(%arg8 : memref<128x128xf32, #tpu.memory_space<vmem>>) offsets(%dma_start3A_227 : memref<128xi32, #tpu.memory_space<vmem>>) semaphore(%arg10 : memref<!tpu.dma_semaphore, #tpu.memory_space<semaphore_mem>>)
    %dma_wait3A_235 = arith.constant 1 : i32
    %dma_wait3A_236 = arith.constant 1 : i32
    %dma_wait3A_237 = arith.constant 0 : i32
    %dma_wait3A_238 = tpu.memref_slice %arg5[%dma_wait3A_236, %dma_wait3A_237] : memref<4x128xi32, #tpu.memory_space<vmem>> -> memref<1x128xi32, #tpu.memory_space<vmem>>
    %dma_wait3A_239 = tpu.memref_squeeze %dma_wait3A_238 : memref<1x128xi32, #tpu.memory_space<vmem>> -> memref<128xi32, #tpu.memory_space<vmem>>
    %dma_wait3A_240 = arith.constant 0 : i32
    %dma_wait3A_241 = arith.constant 0 : i32
    %dma_wait3A_242 = tpu.memref_slice %arg2[%dma_wait3A_235, %dma_wait3A_240, %dma_wait3A_241] : memref<4x51200x128xf32, #tpu.memory_space<hbm>> -> memref<1x51200x128xf32, #tpu.memory_space<hbm>>
    %dma_wait3A_243 = tpu.memref_squeeze %dma_wait3A_242 : memref<1x51200x128xf32, #tpu.memory_space<hbm>> -> memref<51200x128xf32, #tpu.memory_space<hbm>>
    %dma_wait3A_244 = arith.constant 0 : i32
    %dma_wait3A_245 = arith.constant 0 : i32
    %dma_wait3A_246 = tpu.memref_slice %dma_wait3A_243[%dma_wait3A_244, %dma_wait3A_245] : memref<51200x128xf32, #tpu.memory_space<hbm>> -> memref<51200x128xf32, #tpu.memory_space<hbm>>
    tpu.wait_indirect_dma semaphore(%arg10 : memref<!tpu.dma_semaphore, #tpu.memory_space<semaphore_mem>>) src(%dma_wait3A_246 : memref<51200x128xf32, #tpu.memory_space<hbm>>) dst(%arg7 : memref<128x128xf32, #tpu.memory_space<vmem>>)
    %dma_start3A_247 = arith.constant 1 : i32
    %dma_start3A_248 = arith.constant 0 : i32
    %dma_start3A_249 = tpu.memref_slice %arg4[%dma_start3A_247, %add3A_16, %dma_start3A_248] : memref<4x16384x128xf32, #tpu.memory_space<hbm>> -> memref<1x128x128xf32, #tpu.memory_space<hbm>>
    %dma_start3A_250 = tpu.memref_squeeze %dma_start3A_249 : memref<1x128x128xf32, #tpu.memory_space<hbm>> -> memref<128x128xf32, #tpu.memory_space<hbm>>
    %dma_start3A_251 = arith.constant 0 : i32
    %dma_start3A_252 = tpu.memref_slice %arg4[%dma_start3A_247, %add3A_16, %dma_start3A_251] : memref<4x16384x128xf32, #tpu.memory_space<hbm>> -> memref<1x128x128xf32, #tpu.memory_space<hbm>>
    %dma_start3A_253 = tpu.memref_squeeze %dma_start3A_252 : memref<1x128x128xf32, #tpu.memory_space<hbm>> -> memref<128x128xf32, #tpu.memory_space<hbm>>
    tpu.enqueue_dma source(%arg7 : memref<128x128xf32, #tpu.memory_space<vmem>>) target(%dma_start3A_253 : memref<128x128xf32, #tpu.memory_space<hbm>>) target_semaphore(%arg11 : memref<!tpu.dma_semaphore, #tpu.memory_space<semaphore_mem>>)
    %dma_wait3A_254 = arith.constant 0 : i32
    %dma_wait3A_255 = arith.constant 0 : i32
    %dma_wait3A_256 = tpu.memref_slice %arg4[%dma_wait3A_254, %add3A_12, %dma_wait3A_255] : memref<4x16384x128xf32, #tpu.memory_space<hbm>> -> memref<1x128x128xf32, #tpu.memory_space<hbm>>
    %dma_wait3A_257 = tpu.memref_squeeze %dma_wait3A_256 : memref<1x128x128xf32, #tpu.memory_space<hbm>> -> memref<128x128xf32, #tpu.memory_space<hbm>>
    %dma_wait3A_258 = arith.constant 0 : i32
    %dma_wait3A_259 = tpu.memref_slice %arg4[%dma_wait3A_254, %add3A_12, %dma_wait3A_258] : memref<4x16384x128xf32, #tpu.memory_space<hbm>> -> memref<1x128x128xf32, #tpu.memory_space<hbm>>
    %dma_wait3A_260 = tpu.memref_squeeze %dma_wait3A_259 : memref<1x128x128xf32, #tpu.memory_space<hbm>> -> memref<128x128xf32, #tpu.memory_space<hbm>>
    tpu.wait_dma2 semaphore(%arg11 : memref<!tpu.dma_semaphore, #tpu.memory_space<semaphore_mem>>) src(%arg9 : memref<128x128xf32, #tpu.memory_space<vmem>>) dst(%dma_wait3A_260 : memref<128x128xf32, #tpu.memory_space<hbm>>)
    %dma_start3A_261 = arith.constant 1 : i32
    %dma_start3A_262 = arith.constant 3 : i32
    %dma_start3A_263 = arith.constant 0 : i32
    %dma_start3A_264 = tpu.memref_slice %arg5[%dma_start3A_262, %dma_start3A_263] : memref<4x128xi32, #tpu.memory_space<vmem>> -> memref<1x128xi32, #tpu.memory_space<vmem>>
    %dma_start3A_265 = tpu.memref_squeeze %dma_start3A_264 : memref<1x128xi32, #tpu.memory_space<vmem>> -> memref<128xi32, #tpu.memory_space<vmem>>
    %dma_start3A_266 = arith.constant 0 : i32
    %dma_start3A_267 = arith.constant 0 : i32
    %dma_start3A_268 = tpu.memref_slice %arg2[%dma_start3A_261, %dma_start3A_266, %dma_start3A_267] : memref<4x51200x128xf32, #tpu.memory_space<hbm>> -> memref<1x51200x128xf32, #tpu.memory_space<hbm>>
    %dma_start3A_269 = tpu.memref_squeeze %dma_start3A_268 : memref<1x51200x128xf32, #tpu.memory_space<hbm>> -> memref<51200x128xf32, #tpu.memory_space<hbm>>
    %dma_start3A_270 = arith.constant 0 : i32
    %dma_start3A_271 = arith.constant 0 : i32
    %dma_start3A_272 = tpu.memref_slice %dma_start3A_269[%dma_start3A_270, %dma_start3A_271] : memref<51200x128xf32, #tpu.memory_space<hbm>> -> memref<51200x128xf32, #tpu.memory_space<hbm>>
    tpu.enqueue_indirect_dma source(%dma_start3A_272 : memref<51200x128xf32, #tpu.memory_space<hbm>>) target(%arg9 : memref<128x128xf32, #tpu.memory_space<vmem>>) offsets(%dma_start3A_265 : memref<128xi32, #tpu.memory_space<vmem>>) semaphore(%arg10 : memref<!tpu.dma_semaphore, #tpu.memory_space<semaphore_mem>>)
    %dma_wait3A_273 = arith.constant 1 : i32
    %dma_wait3A_274 = arith.constant 2 : i32
    %dma_wait3A_275 = arith.constant 0 : i32
    %dma_wait3A_276 = tpu.memref_slice %arg5[%dma_wait3A_274, %dma_wait3A_275] : memref<4x128xi32, #tpu.memory_space<vmem>> -> memref<1x128xi32, #tpu.memory_space<vmem>>
    %dma_wait3A_277 = tpu.memref_squeeze %dma_wait3A_276 : memref<1x128xi32, #tpu.memory_space<vmem>> -> memref<128xi32, #tpu.memory_space<vmem>>
    %dma_wait3A_278 = arith.constant 0 : i32
    %dma_wait3A_279 = arith.constant 0 : i32
    %dma_wait3A_280 = tpu.memref_slice %arg2[%dma_wait3A_273, %dma_wait3A_278, %dma_wait3A_279] : memref<4x51200x128xf32, #tpu.memory_space<hbm>> -> memref<1x51200x128xf32, #tpu.memory_space<hbm>>
    %dma_wait3A_281 = tpu.memref_squeeze %dma_wait3A_280 : memref<1x51200x128xf32, #tpu.memory_space<hbm>> -> memref<51200x128xf32, #tpu.memory_space<hbm>>
    %dma_wait3A_282 = arith.constant 0 : i32
    %dma_wait3A_283 = arith.constant 0 : i32
    %dma_wait3A_284 = tpu.memref_slice %dma_wait3A_281[%dma_wait3A_282, %dma_wait3A_283] : memref<51200x128xf32, #tpu.memory_space<hbm>> -> memref<51200x128xf32, #tpu.memory_space<hbm>>
    tpu.wait_indirect_dma semaphore(%arg10 : memref<!tpu.dma_semaphore, #tpu.memory_space<semaphore_mem>>) src(%dma_wait3A_284 : memref<51200x128xf32, #tpu.memory_space<hbm>>) dst(%arg8 : memref<128x128xf32, #tpu.memory_space<vmem>>)
    %dma_start3A_285 = arith.constant 1 : i32
    %dma_start3A_286 = arith.constant 0 : i32
    %dma_start3A_287 = tpu.memref_slice %arg4[%dma_start3A_285, %add3A_18, %dma_start3A_286] : memref<4x16384x128xf32, #tpu.memory_space<hbm>> -> memref<1x128x128xf32, #tpu.memory_space<hbm>>
    %dma_start3A_288 = tpu.memref_squeeze %dma_start3A_287 : memref<1x128x128xf32, #tpu.memory_space<hbm>> -> memref<128x128xf32, #tpu.memory_space<hbm>>
    %dma_start3A_289 = arith.constant 0 : i32
    %dma_start3A_290 = tpu.memref_slice %arg4[%dma_start3A_285, %add3A_18, %dma_start3A_289] : memref<4x16384x128xf32, #tpu.memory_space<hbm>> -> memref<1x128x128xf32, #tpu.memory_space<hbm>>
    %dma_start3A_291 = tpu.memref_squeeze %dma_start3A_290 : memref<1x128x128xf32, #tpu.memory_space<hbm>> -> memref<128x128xf32, #tpu.memory_space<hbm>>
    tpu.enqueue_dma source(%arg8 : memref<128x128xf32, #tpu.memory_space<vmem>>) target(%dma_start3A_291 : memref<128x128xf32, #tpu.memory_space<hbm>>) target_semaphore(%arg11 : memref<!tpu.dma_semaphore, #tpu.memory_space<semaphore_mem>>)
    %dma_wait3A_292 = arith.constant 1 : i32
    %dma_wait3A_293 = arith.constant 0 : i32
    %dma_wait3A_294 = tpu.memref_slice %arg4[%dma_wait3A_292, %add3A_14, %dma_wait3A_293] : memref<4x16384x128xf32, #tpu.memory_space<hbm>> -> memref<1x128x128xf32, #tpu.memory_space<hbm>>
    %dma_wait3A_295 = tpu.memref_squeeze %dma_wait3A_294 : memref<1x128x128xf32, #tpu.memory_space<hbm>> -> memref<128x128xf32, #tpu.memory_space<hbm>>
    %dma_wait3A_296 = arith.constant 0 : i32
    %dma_wait3A_297 = tpu.memref_slice %arg4[%dma_wait3A_292, %add3A_14, %dma_wait3A_296] : memref<4x16384x128xf32, #tpu.memory_space<hbm>> -> memref<1x128x128xf32, #tpu.memory_space<hbm>>
    %dma_wait3A_298 = tpu.memref_squeeze %dma_wait3A_297 : memref<1x128x128xf32, #tpu.memory_space<hbm>> -> memref<128x128xf32, #tpu.memory_space<hbm>>
    tpu.wait_dma2 semaphore(%arg11 : memref<!tpu.dma_semaphore, #tpu.memory_space<semaphore_mem>>) src(%arg6 : memref<128x128xf32, #tpu.memory_space<vmem>>) dst(%dma_wait3A_298 : memref<128x128xf32, #tpu.memory_space<hbm>>)
    %dma_start3A_299 = arith.constant 2 : i32
    %dma_start3A_300 = arith.constant 0 : i32
    %dma_start3A_301 = arith.constant 0 : i32
    %dma_start3A_302 = tpu.memref_slice %arg5[%dma_start3A_300, %dma_start3A_301] : memref<4x128xi32, #tpu.memory_space<vmem>> -> memref<1x128xi32, #tpu.memory_space<vmem>>
    %dma_start3A_303 = tpu.memref_squeeze %dma_start3A_302 : memref<1x128xi32, #tpu.memory_space<vmem>> -> memref<128xi32, #tpu.memory_space<vmem>>
    %dma_start3A_304 = arith.constant 0 : i32
    %dma_start3A_305 = arith.constant 0 : i32
    %dma_start3A_306 = tpu.memref_slice %arg2[%dma_start3A_299, %dma_start3A_304, %dma_start3A_305] : memref<4x51200x128xf32, #tpu.memory_space<hbm>> -> memref<1x51200x128xf32, #tpu.memory_space<hbm>>
    %dma_start3A_307 = tpu.memref_squeeze %dma_start3A_306 : memref<1x51200x128xf32, #tpu.memory_space<hbm>> -> memref<51200x128xf32, #tpu.memory_space<hbm>>
    %dma_start3A_308 = arith.constant 0 : i32
    %dma_start3A_309 = arith.constant 0 : i32
    %dma_start3A_310 = tpu.memref_slice %dma_start3A_307[%dma_start3A_308, %dma_start3A_309] : memref<51200x128xf32, #tpu.memory_space<hbm>> -> memref<51200x128xf32, #tpu.memory_space<hbm>>
    tpu.enqueue_indirect_dma source(%dma_start3A_310 : memref<51200x128xf32, #tpu.memory_space<hbm>>) target(%arg6 : memref<128x128xf32, #tpu.memory_space<vmem>>) offsets(%dma_start3A_303 : memref<128xi32, #tpu.memory_space<vmem>>) semaphore(%arg10 : memref<!tpu.dma_semaphore, #tpu.memory_space<semaphore_mem>>)
    %dma_wait3A_311 = arith.constant 1 : i32
    %dma_wait3A_312 = arith.constant 3 : i32
    %dma_wait3A_313 = arith.constant 0 : i32
    %dma_wait3A_314 = tpu.memref_slice %arg5[%dma_wait3A_312, %dma_wait3A_313] : memref<4x128xi32, #tpu.memory_space<vmem>> -> memref<1x128xi32, #tpu.memory_space<vmem>>
    %dma_wait3A_315 = tpu.memref_squeeze %dma_wait3A_314 : memref<1x128xi32, #tpu.memory_space<vmem>> -> memref<128xi32, #tpu.memory_space<vmem>>
    %dma_wait3A_316 = arith.constant 0 : i32
    %dma_wait3A_317 = arith.constant 0 : i32
    %dma_wait3A_318 = tpu.memref_slice %arg2[%dma_wait3A_311, %dma_wait3A_316, %dma_wait3A_317] : memref<4x51200x128xf32, #tpu.memory_space<hbm>> -> memref<1x51200x128xf32, #tpu.memory_space<hbm>>
    %dma_wait3A_319 = tpu.memref_squeeze %dma_wait3A_318 : memref<1x51200x128xf32, #tpu.memory_space<hbm>> -> memref<51200x128xf32, #tpu.memory_space<hbm>>
    %dma_wait3A_320 = arith.constant 0 : i32
    %dma_wait3A_321 = arith.constant 0 : i32
    %dma_wait3A_322 = tpu.memref_slice %dma_wait3A_319[%dma_wait3A_320, %dma_wait3A_321] : memref<51200x128xf32, #tpu.memory_space<hbm>> -> memref<51200x128xf32, #tpu.memory_space<hbm>>
    tpu.wait_indirect_dma semaphore(%arg10 : memref<!tpu.dma_semaphore, #tpu.memory_space<semaphore_mem>>) src(%dma_wait3A_322 : memref<51200x128xf32, #tpu.memory_space<hbm>>) dst(%arg9 : memref<128x128xf32, #tpu.memory_space<vmem>>)
    %dma_start3A_323 = arith.constant 1 : i32
    %dma_start3A_324 = arith.constant 0 : i32
    %dma_start3A_325 = tpu.memref_slice %arg4[%dma_start3A_323, %add3A_20, %dma_start3A_324] : memref<4x16384x128xf32, #tpu.memory_space<hbm>> -> memref<1x128x128xf32, #tpu.memory_space<hbm>>
    %dma_start3A_326 = tpu.memref_squeeze %dma_start3A_325 : memref<1x128x128xf32, #tpu.memory_space<hbm>> -> memref<128x128xf32, #tpu.memory_space<hbm>>
    %dma_start3A_327 = arith.constant 0 : i32
    %dma_start3A_328 = tpu.memref_slice %arg4[%dma_start3A_323, %add3A_20, %dma_start3A_327] : memref<4x16384x128xf32, #tpu.memory_space<hbm>> -> memref<1x128x128xf32, #tpu.memory_space<hbm>>
    %dma_start3A_329 = tpu.memref_squeeze %dma_start3A_328 : memref<1x128x128xf32, #tpu.memory_space<hbm>> -> memref<128x128xf32, #tpu.memory_space<hbm>>
    tpu.enqueue_dma source(%arg9 : memref<128x128xf32, #tpu.memory_space<vmem>>) target(%dma_start3A_329 : memref<128x128xf32, #tpu.memory_space<hbm>>) target_semaphore(%arg11 : memref<!tpu.dma_semaphore, #tpu.memory_space<semaphore_mem>>)
    %dma_wait3A_330 = arith.constant 1 : i32
    %dma_wait3A_331 = arith.constant 0 : i32
    %dma_wait3A_332 = tpu.memref_slice %arg4[%dma_wait3A_330, %add3A_16, %dma_wait3A_331] : memref<4x16384x128xf32, #tpu.memory_space<hbm>> -> memref<1x128x128xf32, #tpu.memory_space<hbm>>
    %dma_wait3A_333 = tpu.memref_squeeze %dma_wait3A_332 : memref<1x128x128xf32, #tpu.memory_space<hbm>> -> memref<128x128xf32, #tpu.memory_space<hbm>>
    %dma_wait3A_334 = arith.constant 0 : i32
    %dma_wait3A_335 = tpu.memref_slice %arg4[%dma_wait3A_330, %add3A_16, %dma_wait3A_334] : memref<4x16384x128xf32, #tpu.memory_space<hbm>> -> memref<1x128x128xf32, #tpu.memory_space<hbm>>
    %dma_wait3A_336 = tpu.memref_squeeze %dma_wait3A_335 : memref<1x128x128xf32, #tpu.memory_space<hbm>> -> memref<128x128xf32, #tpu.memory_space<hbm>>
    tpu.wait_dma2 semaphore(%arg11 : memref<!tpu.dma_semaphore, #tpu.memory_space<semaphore_mem>>) src(%arg7 : memref<128x128xf32, #tpu.memory_space<vmem>>) dst(%dma_wait3A_336 : memref<128x128xf32, #tpu.memory_space<hbm>>)
    %dma_start3A_337 = arith.constant 2 : i32
    %dma_start3A_338 = arith.constant 1 : i32
    %dma_start3A_339 = arith.constant 0 : i32
    %dma_start3A_340 = tpu.memref_slice %arg5[%dma_start3A_338, %dma_start3A_339] : memref<4x128xi32, #tpu.memory_space<vmem>> -> memref<1x128xi32, #tpu.memory_space<vmem>>
    %dma_start3A_341 = tpu.memref_squeeze %dma_start3A_340 : memref<1x128xi32, #tpu.memory_space<vmem>> -> memref<128xi32, #tpu.memory_space<vmem>>
    %dma_start3A_342 = arith.constant 0 : i32
    %dma_start3A_343 = arith.constant 0 : i32
    %dma_start3A_344 = tpu.memref_slice %arg2[%dma_start3A_337, %dma_start3A_342, %dma_start3A_343] : memref<4x51200x128xf32, #tpu.memory_space<hbm>> -> memref<1x51200x128xf32, #tpu.memory_space<hbm>>
    %dma_start3A_345 = tpu.memref_squeeze %dma_start3A_344 : memref<1x51200x128xf32, #tpu.memory_space<hbm>> -> memref<51200x128xf32, #tpu.memory_space<hbm>>
    %dma_start3A_346 = arith.constant 0 : i32
    %dma_start3A_347 = arith.constant 0 : i32
    %dma_start3A_348 = tpu.memref_slice %dma_start3A_345[%dma_start3A_346, %dma_start3A_347] : memref<51200x128xf32, #tpu.memory_space<hbm>> -> memref<51200x128xf32, #tpu.memory_space<hbm>>
    tpu.enqueue_indirect_dma source(%dma_start3A_348 : memref<51200x128xf32, #tpu.memory_space<hbm>>) target(%arg7 : memref<128x128xf32, #tpu.memory_space<vmem>>) offsets(%dma_start3A_341 : memref<128xi32, #tpu.memory_space<vmem>>) semaphore(%arg10 : memref<!tpu.dma_semaphore, #tpu.memory_space<semaphore_mem>>)
    %dma_wait3A_349 = arith.constant 2 : i32
    %dma_wait3A_350 = arith.constant 0 : i32
    %dma_wait3A_351 = arith.constant 0 : i32
    %dma_wait3A_352 = tpu.memref_slice %arg5[%dma_wait3A_350, %dma_wait3A_351] : memref<4x128xi32, #tpu.memory_space<vmem>> -> memref<1x128xi32, #tpu.memory_space<vmem>>
    %dma_wait3A_353 = tpu.memref_squeeze %dma_wait3A_352 : memref<1x128xi32, #tpu.memory_space<vmem>> -> memref<128xi32, #tpu.memory_space<vmem>>
    %dma_wait3A_354 = arith.constant 0 : i32
    %dma_wait3A_355 = arith.constant 0 : i32
    %dma_wait3A_356 = tpu.memref_slice %arg2[%dma_wait3A_349, %dma_wait3A_354, %dma_wait3A_355] : memref<4x51200x128xf32, #tpu.memory_space<hbm>> -> memref<1x51200x128xf32, #tpu.memory_space<hbm>>
    %dma_wait3A_357 = tpu.memref_squeeze %dma_wait3A_356 : memref<1x51200x128xf32, #tpu.memory_space<hbm>> -> memref<51200x128xf32, #tpu.memory_space<hbm>>
    %dma_wait3A_358 = arith.constant 0 : i32
    %dma_wait3A_359 = arith.constant 0 : i32
    %dma_wait3A_360 = tpu.memref_slice %dma_wait3A_357[%dma_wait3A_358, %dma_wait3A_359] : memref<51200x128xf32, #tpu.memory_space<hbm>> -> memref<51200x128xf32, #tpu.memory_space<hbm>>
    tpu.wait_indirect_dma semaphore(%arg10 : memref<!tpu.dma_semaphore, #tpu.memory_space<semaphore_mem>>) src(%dma_wait3A_360 : memref<51200x128xf32, #tpu.memory_space<hbm>>) dst(%arg6 : memref<128x128xf32, #tpu.memory_space<vmem>>)
    %dma_start3A_361 = arith.constant 2 : i32
    %dma_start3A_362 = arith.constant 0 : i32
    %dma_start3A_363 = tpu.memref_slice %arg4[%dma_start3A_361, %add3A_22, %dma_start3A_362] : memref<4x16384x128xf32, #tpu.memory_space<hbm>> -> memref<1x128x128xf32, #tpu.memory_space<hbm>>
    %dma_start3A_364 = tpu.memref_squeeze %dma_start3A_363 : memref<1x128x128xf32, #tpu.memory_space<hbm>> -> memref<128x128xf32, #tpu.memory_space<hbm>>
    %dma_start3A_365 = arith.constant 0 : i32
    %dma_start3A_366 = tpu.memref_slice %arg4[%dma_start3A_361, %add3A_22, %dma_start3A_365] : memref<4x16384x128xf32, #tpu.memory_space<hbm>> -> memref<1x128x128xf32, #tpu.memory_space<hbm>>
    %dma_start3A_367 = tpu.memref_squeeze %dma_start3A_366 : memref<1x128x128xf32, #tpu.memory_space<hbm>> -> memref<128x128xf32, #tpu.memory_space<hbm>>
    tpu.enqueue_dma source(%arg6 : memref<128x128xf32, #tpu.memory_space<vmem>>) target(%dma_start3A_367 : memref<128x128xf32, #tpu.memory_space<hbm>>) target_semaphore(%arg11 : memref<!tpu.dma_semaphore, #tpu.memory_space<semaphore_mem>>)
    %dma_wait3A_368 = arith.constant 1 : i32
    %dma_wait3A_369 = arith.constant 0 : i32
    %dma_wait3A_370 = tpu.memref_slice %arg4[%dma_wait3A_368, %add3A_18, %dma_wait3A_369] : memref<4x16384x128xf32, #tpu.memory_space<hbm>> -> memref<1x128x128xf32, #tpu.memory_space<hbm>>
    %dma_wait3A_371 = tpu.memref_squeeze %dma_wait3A_370 : memref<1x128x128xf32, #tpu.memory_space<hbm>> -> memref<128x128xf32, #tpu.memory_space<hbm>>
    %dma_wait3A_372 = arith.constant 0 : i32
    %dma_wait3A_373 = tpu.memref_slice %arg4[%dma_wait3A_368, %add3A_18, %dma_wait3A_372] : memref<4x16384x128xf32, #tpu.memory_space<hbm>> -> memref<1x128x128xf32, #tpu.memory_space<hbm>>
    %dma_wait3A_374 = tpu.memref_squeeze %dma_wait3A_373 : memref<1x128x128xf32, #tpu.memory_space<hbm>> -> memref<128x128xf32, #tpu.memory_space<hbm>>
    tpu.wait_dma2 semaphore(%arg11 : memref<!tpu.dma_semaphore, #tpu.memory_space<semaphore_mem>>) src(%arg8 : memref<128x128xf32, #tpu.memory_space<vmem>>) dst(%dma_wait3A_374 : memref<128x128xf32, #tpu.memory_space<hbm>>)
    %dma_start3A_375 = arith.constant 2 : i32
    %dma_start3A_376 = arith.constant 2 : i32
    %dma_start3A_377 = arith.constant 0 : i32
    %dma_start3A_378 = tpu.memref_slice %arg5[%dma_start3A_376, %dma_start3A_377] : memref<4x128xi32, #tpu.memory_space<vmem>> -> memref<1x128xi32, #tpu.memory_space<vmem>>
    %dma_start3A_379 = tpu.memref_squeeze %dma_start3A_378 : memref<1x128xi32, #tpu.memory_space<vmem>> -> memref<128xi32, #tpu.memory_space<vmem>>
    %dma_start3A_380 = arith.constant 0 : i32
    %dma_start3A_381 = arith.constant 0 : i32
    %dma_start3A_382 = tpu.memref_slice %arg2[%dma_start3A_375, %dma_start3A_380, %dma_start3A_381] : memref<4x51200x128xf32, #tpu.memory_space<hbm>> -> memref<1x51200x128xf32, #tpu.memory_space<hbm>>
    %dma_start3A_383 = tpu.memref_squeeze %dma_start3A_382 : memref<1x51200x128xf32, #tpu.memory_space<hbm>> -> memref<51200x128xf32, #tpu.memory_space<hbm>>
    %dma_start3A_384 = arith.constant 0 : i32
    %dma_start3A_385 = arith.constant 0 : i32
    %dma_start3A_386 = tpu.memref_slice %dma_start3A_383[%dma_start3A_384, %dma_start3A_385] : memref<51200x128xf32, #tpu.memory_space<hbm>> -> memref<51200x128xf32, #tpu.memory_space<hbm>>
    tpu.enqueue_indirect_dma source(%dma_start3A_386 : memref<51200x128xf32, #tpu.memory_space<hbm>>) target(%arg8 : memref<128x128xf32, #tpu.memory_space<vmem>>) offsets(%dma_start3A_379 : memref<128xi32, #tpu.memory_space<vmem>>) semaphore(%arg10 : memref<!tpu.dma_semaphore, #tpu.memory_space<semaphore_mem>>)
    %dma_wait3A_387 = arith.constant 2 : i32
    %dma_wait3A_388 = arith.constant 1 : i32
    %dma_wait3A_389 = arith.constant 0 : i32
    %dma_wait3A_390 = tpu.memref_slice %arg5[%dma_wait3A_388, %dma_wait3A_389] : memref<4x128xi32, #tpu.memory_space<vmem>> -> memref<1x128xi32, #tpu.memory_space<vmem>>
    %dma_wait3A_391 = tpu.memref_squeeze %dma_wait3A_390 : memref<1x128xi32, #tpu.memory_space<vmem>> -> memref<128xi32, #tpu.memory_space<vmem>>
    %dma_wait3A_392 = arith.constant 0 : i32
    %dma_wait3A_393 = arith.constant 0 : i32
    %dma_wait3A_394 = tpu.memref_slice %arg2[%dma_wait3A_387, %dma_wait3A_392, %dma_wait3A_393] : memref<4x51200x128xf32, #tpu.memory_space<hbm>> -> memref<1x51200x128xf32, #tpu.memory_space<hbm>>
    %dma_wait3A_395 = tpu.memref_squeeze %dma_wait3A_394 : memref<1x51200x128xf32, #tpu.memory_space<hbm>> -> memref<51200x128xf32, #tpu.memory_space<hbm>>
    %dma_wait3A_396 = arith.constant 0 : i32
    %dma_wait3A_397 = arith.constant 0 : i32
    %dma_wait3A_398 = tpu.memref_slice %dma_wait3A_395[%dma_wait3A_396, %dma_wait3A_397] : memref<51200x128xf32, #tpu.memory_space<hbm>> -> memref<51200x128xf32, #tpu.memory_space<hbm>>
    tpu.wait_indirect_dma semaphore(%arg10 : memref<!tpu.dma_semaphore, #tpu.memory_space<semaphore_mem>>) src(%dma_wait3A_398 : memref<51200x128xf32, #tpu.memory_space<hbm>>) dst(%arg7 : memref<128x128xf32, #tpu.memory_space<vmem>>)
    %dma_start3A_399 = arith.constant 2 : i32
    %dma_start3A_400 = arith.constant 0 : i32
    %dma_start3A_401 = tpu.memref_slice %arg4[%dma_start3A_399, %add3A_24, %dma_start3A_400] : memref<4x16384x128xf32, #tpu.memory_space<hbm>> -> memref<1x128x128xf32, #tpu.memory_space<hbm>>
    %dma_start3A_402 = tpu.memref_squeeze %dma_start3A_401 : memref<1x128x128xf32, #tpu.memory_space<hbm>> -> memref<128x128xf32, #tpu.memory_space<hbm>>
    %dma_start3A_403 = arith.constant 0 : i32
    %dma_start3A_404 = tpu.memref_slice %arg4[%dma_start3A_399, %add3A_24, %dma_start3A_403] : memref<4x16384x128xf32, #tpu.memory_space<hbm>> -> memref<1x128x128xf32, #tpu.memory_space<hbm>>
    %dma_start3A_405 = tpu.memref_squeeze %dma_start3A_404 : memref<1x128x128xf32, #tpu.memory_space<hbm>> -> memref<128x128xf32, #tpu.memory_space<hbm>>
    tpu.enqueue_dma source(%arg7 : memref<128x128xf32, #tpu.memory_space<vmem>>) target(%dma_start3A_405 : memref<128x128xf32, #tpu.memory_space<hbm>>) target_semaphore(%arg11 : memref<!tpu.dma_semaphore, #tpu.memory_space<semaphore_mem>>)
    %dma_wait3A_406 = arith.constant 1 : i32
    %dma_wait3A_407 = arith.constant 0 : i32
    %dma_wait3A_408 = tpu.memref_slice %arg4[%dma_wait3A_406, %add3A_20, %dma_wait3A_407] : memref<4x16384x128xf32, #tpu.memory_space<hbm>> -> memref<1x128x128xf32, #tpu.memory_space<hbm>>
    %dma_wait3A_409 = tpu.memref_squeeze %dma_wait3A_408 : memref<1x128x128xf32, #tpu.memory_space<hbm>> -> memref<128x128xf32, #tpu.memory_space<hbm>>
    %dma_wait3A_410 = arith.constant 0 : i32
    %dma_wait3A_411 = tpu.memref_slice %arg4[%dma_wait3A_406, %add3A_20, %dma_wait3A_410] : memref<4x16384x128xf32, #tpu.memory_space<hbm>> -> memref<1x128x128xf32, #tpu.memory_space<hbm>>
    %dma_wait3A_412 = tpu.memref_squeeze %dma_wait3A_411 : memref<1x128x128xf32, #tpu.memory_space<hbm>> -> memref<128x128xf32, #tpu.memory_space<hbm>>
    tpu.wait_dma2 semaphore(%arg11 : memref<!tpu.dma_semaphore, #tpu.memory_space<semaphore_mem>>) src(%arg9 : memref<128x128xf32, #tpu.memory_space<vmem>>) dst(%dma_wait3A_412 : memref<128x128xf32, #tpu.memory_space<hbm>>)
    %dma_start3A_413 = arith.constant 2 : i32
    %dma_start3A_414 = arith.constant 3 : i32
    %dma_start3A_415 = arith.constant 0 : i32
    %dma_start3A_416 = tpu.memref_slice %arg5[%dma_start3A_414, %dma_start3A_415] : memref<4x128xi32, #tpu.memory_space<vmem>> -> memref<1x128xi32, #tpu.memory_space<vmem>>
    %dma_start3A_417 = tpu.memref_squeeze %dma_start3A_416 : memref<1x128xi32, #tpu.memory_space<vmem>> -> memref<128xi32, #tpu.memory_space<vmem>>
    %dma_start3A_418 = arith.constant 0 : i32
    %dma_start3A_419 = arith.constant 0 : i32
    %dma_start3A_420 = tpu.memref_slice %arg2[%dma_start3A_413, %dma_start3A_418, %dma_start3A_419] : memref<4x51200x128xf32, #tpu.memory_space<hbm>> -> memref<1x51200x128xf32, #tpu.memory_space<hbm>>
    %dma_start3A_421 = tpu.memref_squeeze %dma_start3A_420 : memref<1x51200x128xf32, #tpu.memory_space<hbm>> -> memref<51200x128xf32, #tpu.memory_space<hbm>>
    %dma_start3A_422 = arith.constant 0 : i32
    %dma_start3A_423 = arith.constant 0 : i32
    %dma_start3A_424 = tpu.memref_slice %dma_start3A_421[%dma_start3A_422, %dma_start3A_423] : memref<51200x128xf32, #tpu.memory_space<hbm>> -> memref<51200x128xf32, #tpu.memory_space<hbm>>
    tpu.enqueue_indirect_dma source(%dma_start3A_424 : memref<51200x128xf32, #tpu.memory_space<hbm>>) target(%arg9 : memref<128x128xf32, #tpu.memory_space<vmem>>) offsets(%dma_start3A_417 : memref<128xi32, #tpu.memory_space<vmem>>) semaphore(%arg10 : memref<!tpu.dma_semaphore, #tpu.memory_space<semaphore_mem>>)
    %dma_wait3A_425 = arith.constant 2 : i32
    %dma_wait3A_426 = arith.constant 2 : i32
    %dma_wait3A_427 = arith.constant 0 : i32
    %dma_wait3A_428 = tpu.memref_slice %arg5[%dma_wait3A_426, %dma_wait3A_427] : memref<4x128xi32, #tpu.memory_space<vmem>> -> memref<1x128xi32, #tpu.memory_space<vmem>>
    %dma_wait3A_429 = tpu.memref_squeeze %dma_wait3A_428 : memref<1x128xi32, #tpu.memory_space<vmem>> -> memref<128xi32, #tpu.memory_space<vmem>>
    %dma_wait3A_430 = arith.constant 0 : i32
    %dma_wait3A_431 = arith.constant 0 : i32
    %dma_wait3A_432 = tpu.memref_slice %arg2[%dma_wait3A_425, %dma_wait3A_430, %dma_wait3A_431] : memref<4x51200x128xf32, #tpu.memory_space<hbm>> -> memref<1x51200x128xf32, #tpu.memory_space<hbm>>
    %dma_wait3A_433 = tpu.memref_squeeze %dma_wait3A_432 : memref<1x51200x128xf32, #tpu.memory_space<hbm>> -> memref<51200x128xf32, #tpu.memory_space<hbm>>
    %dma_wait3A_434 = arith.constant 0 : i32
    %dma_wait3A_435 = arith.constant 0 : i32
    %dma_wait3A_436 = tpu.memref_slice %dma_wait3A_433[%dma_wait3A_434, %dma_wait3A_435] : memref<51200x128xf32, #tpu.memory_space<hbm>> -> memref<51200x128xf32, #tpu.memory_space<hbm>>
    tpu.wait_indirect_dma semaphore(%arg10 : memref<!tpu.dma_semaphore, #tpu.memory_space<semaphore_mem>>) src(%dma_wait3A_436 : memref<51200x128xf32, #tpu.memory_space<hbm>>) dst(%arg8 : memref<128x128xf32, #tpu.memory_space<vmem>>)
    %dma_start3A_437 = arith.constant 2 : i32
    %dma_start3A_438 = arith.constant 0 : i32
    %dma_start3A_439 = tpu.memref_slice %arg4[%dma_start3A_437, %add3A_26, %dma_start3A_438] : memref<4x16384x128xf32, #tpu.memory_space<hbm>> -> memref<1x128x128xf32, #tpu.memory_space<hbm>>
    %dma_start3A_440 = tpu.memref_squeeze %dma_start3A_439 : memref<1x128x128xf32, #tpu.memory_space<hbm>> -> memref<128x128xf32, #tpu.memory_space<hbm>>
    %dma_start3A_441 = arith.constant 0 : i32
    %dma_start3A_442 = tpu.memref_slice %arg4[%dma_start3A_437, %add3A_26, %dma_start3A_441] : memref<4x16384x128xf32, #tpu.memory_space<hbm>> -> memref<1x128x128xf32, #tpu.memory_space<hbm>>
    %dma_start3A_443 = tpu.memref_squeeze %dma_start3A_442 : memref<1x128x128xf32, #tpu.memory_space<hbm>> -> memref<128x128xf32, #tpu.memory_space<hbm>>
    tpu.enqueue_dma source(%arg8 : memref<128x128xf32, #tpu.memory_space<vmem>>) target(%dma_start3A_443 : memref<128x128xf32, #tpu.memory_space<hbm>>) target_semaphore(%arg11 : memref<!tpu.dma_semaphore, #tpu.memory_space<semaphore_mem>>)
    %dma_wait3A_444 = arith.constant 2 : i32
    %dma_wait3A_445 = arith.constant 0 : i32
    %dma_wait3A_446 = tpu.memref_slice %arg4[%dma_wait3A_444, %add3A_22, %dma_wait3A_445] : memref<4x16384x128xf32, #tpu.memory_space<hbm>> -> memref<1x128x128xf32, #tpu.memory_space<hbm>>
    %dma_wait3A_447 = tpu.memref_squeeze %dma_wait3A_446 : memref<1x128x128xf32, #tpu.memory_space<hbm>> -> memref<128x128xf32, #tpu.memory_space<hbm>>
    %dma_wait3A_448 = arith.constant 0 : i32
    %dma_wait3A_449 = tpu.memref_slice %arg4[%dma_wait3A_444, %add3A_22, %dma_wait3A_448] : memref<4x16384x128xf32, #tpu.memory_space<hbm>> -> memref<1x128x128xf32, #tpu.memory_space<hbm>>
    %dma_wait3A_450 = tpu.memref_squeeze %dma_wait3A_449 : memref<1x128x128xf32, #tpu.memory_space<hbm>> -> memref<128x128xf32, #tpu.memory_space<hbm>>
    tpu.wait_dma2 semaphore(%arg11 : memref<!tpu.dma_semaphore, #tpu.memory_space<semaphore_mem>>) src(%arg6 : memref<128x128xf32, #tpu.memory_space<vmem>>) dst(%dma_wait3A_450 : memref<128x128xf32, #tpu.memory_space<hbm>>)
    %dma_start3A_451 = arith.constant 3 : i32
    %dma_start3A_452 = arith.constant 0 : i32
    %dma_start3A_453 = arith.constant 0 : i32
    %dma_start3A_454 = tpu.memref_slice %arg5[%dma_start3A_452, %dma_start3A_453] : memref<4x128xi32, #tpu.memory_space<vmem>> -> memref<1x128xi32, #tpu.memory_space<vmem>>
    %dma_start3A_455 = tpu.memref_squeeze %dma_start3A_454 : memref<1x128xi32, #tpu.memory_space<vmem>> -> memref<128xi32, #tpu.memory_space<vmem>>
    %dma_start3A_456 = arith.constant 0 : i32
    %dma_start3A_457 = arith.constant 0 : i32
    %dma_start3A_458 = tpu.memref_slice %arg2[%dma_start3A_451, %dma_start3A_456, %dma_start3A_457] : memref<4x51200x128xf32, #tpu.memory_space<hbm>> -> memref<1x51200x128xf32, #tpu.memory_space<hbm>>
    %dma_start3A_459 = tpu.memref_squeeze %dma_start3A_458 : memref<1x51200x128xf32, #tpu.memory_space<hbm>> -> memref<51200x128xf32, #tpu.memory_space<hbm>>
    %dma_start3A_460 = arith.constant 0 : i32
    %dma_start3A_461 = arith.constant 0 : i32
    %dma_start3A_462 = tpu.memref_slice %dma_start3A_459[%dma_start3A_460, %dma_start3A_461] : memref<51200x128xf32, #tpu.memory_space<hbm>> -> memref<51200x128xf32, #tpu.memory_space<hbm>>
    tpu.enqueue_indirect_dma source(%dma_start3A_462 : memref<51200x128xf32, #tpu.memory_space<hbm>>) target(%arg6 : memref<128x128xf32, #tpu.memory_space<vmem>>) offsets(%dma_start3A_455 : memref<128xi32, #tpu.memory_space<vmem>>) semaphore(%arg10 : memref<!tpu.dma_semaphore, #tpu.memory_space<semaphore_mem>>)
    %dma_wait3A_463 = arith.constant 2 : i32
    %dma_wait3A_464 = arith.constant 3 : i32
    %dma_wait3A_465 = arith.constant 0 : i32
    %dma_wait3A_466 = tpu.memref_slice %arg5[%dma_wait3A_464, %dma_wait3A_465] : memref<4x128xi32, #tpu.memory_space<vmem>> -> memref<1x128xi32, #tpu.memory_space<vmem>>
    %dma_wait3A_467 = tpu.memref_squeeze %dma_wait3A_466 : memref<1x128xi32, #tpu.memory_space<vmem>> -> memref<128xi32, #tpu.memory_space<vmem>>
    %dma_wait3A_468 = arith.constant 0 : i32
    %dma_wait3A_469 = arith.constant 0 : i32
    %dma_wait3A_470 = tpu.memref_slice %arg2[%dma_wait3A_463, %dma_wait3A_468, %dma_wait3A_469] : memref<4x51200x128xf32, #tpu.memory_space<hbm>> -> memref<1x51200x128xf32, #tpu.memory_space<hbm>>
    %dma_wait3A_471 = tpu.memref_squeeze %dma_wait3A_470 : memref<1x51200x128xf32, #tpu.memory_space<hbm>> -> memref<51200x128xf32, #tpu.memory_space<hbm>>
    %dma_wait3A_472 = arith.constant 0 : i32
    %dma_wait3A_473 = arith.constant 0 : i32
    %dma_wait3A_474 = tpu.memref_slice %dma_wait3A_471[%dma_wait3A_472, %dma_wait3A_473] : memref<51200x128xf32, #tpu.memory_space<hbm>> -> memref<51200x128xf32, #tpu.memory_space<hbm>>
    tpu.wait_indirect_dma semaphore(%arg10 : memref<!tpu.dma_semaphore, #tpu.memory_space<semaphore_mem>>) src(%dma_wait3A_474 : memref<51200x128xf32, #tpu.memory_space<hbm>>) dst(%arg9 : memref<128x128xf32, #tpu.memory_space<vmem>>)
    %dma_start3A_475 = arith.constant 2 : i32
    %dma_start3A_476 = arith.constant 0 : i32
    %dma_start3A_477 = tpu.memref_slice %arg4[%dma_start3A_475, %add3A_28, %dma_start3A_476] : memref<4x16384x128xf32, #tpu.memory_space<hbm>> -> memref<1x128x128xf32, #tpu.memory_space<hbm>>
    %dma_start3A_478 = tpu.memref_squeeze %dma_start3A_477 : memref<1x128x128xf32, #tpu.memory_space<hbm>> -> memref<128x128xf32, #tpu.memory_space<hbm>>
    %dma_start3A_479 = arith.constant 0 : i32
    %dma_start3A_480 = tpu.memref_slice %arg4[%dma_start3A_475, %add3A_28, %dma_start3A_479] : memref<4x16384x128xf32, #tpu.memory_space<hbm>> -> memref<1x128x128xf32, #tpu.memory_space<hbm>>
    %dma_start3A_481 = tpu.memref_squeeze %dma_start3A_480 : memref<1x128x128xf32, #tpu.memory_space<hbm>> -> memref<128x128xf32, #tpu.memory_space<hbm>>
    tpu.enqueue_dma source(%arg9 : memref<128x128xf32, #tpu.memory_space<vmem>>) target(%dma_start3A_481 : memref<128x128xf32, #tpu.memory_space<hbm>>) target_semaphore(%arg11 : memref<!tpu.dma_semaphore, #tpu.memory_space<semaphore_mem>>)
    %dma_wait3A_482 = arith.constant 2 : i32
    %dma_wait3A_483 = arith.constant 0 : i32
    %dma_wait3A_484 = tpu.memref_slice %arg4[%dma_wait3A_482, %add3A_24, %dma_wait3A_483] : memref<4x16384x128xf32, #tpu.memory_space<hbm>> -> memref<1x128x128xf32, #tpu.memory_space<hbm>>
    %dma_wait3A_485 = tpu.memref_squeeze %dma_wait3A_484 : memref<1x128x128xf32, #tpu.memory_space<hbm>> -> memref<128x128xf32, #tpu.memory_space<hbm>>
    %dma_wait3A_486 = arith.constant 0 : i32
    %dma_wait3A_487 = tpu.memref_slice %arg4[%dma_wait3A_482, %add3A_24, %dma_wait3A_486] : memref<4x16384x128xf32, #tpu.memory_space<hbm>> -> memref<1x128x128xf32, #tpu.memory_space<hbm>>
    %dma_wait3A_488 = tpu.memref_squeeze %dma_wait3A_487 : memref<1x128x128xf32, #tpu.memory_space<hbm>> -> memref<128x128xf32, #tpu.memory_space<hbm>>
    tpu.wait_dma2 semaphore(%arg11 : memref<!tpu.dma_semaphore, #tpu.memory_space<semaphore_mem>>) src(%arg7 : memref<128x128xf32, #tpu.memory_space<vmem>>) dst(%dma_wait3A_488 : memref<128x128xf32, #tpu.memory_space<hbm>>)
    %dma_start3A_489 = arith.constant 3 : i32
    %dma_start3A_490 = arith.constant 1 : i32
    %dma_start3A_491 = arith.constant 0 : i32
    %dma_start3A_492 = tpu.memref_slice %arg5[%dma_start3A_490, %dma_start3A_491] : memref<4x128xi32, #tpu.memory_space<vmem>> -> memref<1x128xi32, #tpu.memory_space<vmem>>
    %dma_start3A_493 = tpu.memref_squeeze %dma_start3A_492 : memref<1x128xi32, #tpu.memory_space<vmem>> -> memref<128xi32, #tpu.memory_space<vmem>>
    %dma_start3A_494 = arith.constant 0 : i32
    %dma_start3A_495 = arith.constant 0 : i32
    %dma_start3A_496 = tpu.memref_slice %arg2[%dma_start3A_489, %dma_start3A_494, %dma_start3A_495] : memref<4x51200x128xf32, #tpu.memory_space<hbm>> -> memref<1x51200x128xf32, #tpu.memory_space<hbm>>
    %dma_start3A_497 = tpu.memref_squeeze %dma_start3A_496 : memref<1x51200x128xf32, #tpu.memory_space<hbm>> -> memref<51200x128xf32, #tpu.memory_space<hbm>>
    %dma_start3A_498 = arith.constant 0 : i32
    %dma_start3A_499 = arith.constant 0 : i32
    %dma_start3A_500 = tpu.memref_slice %dma_start3A_497[%dma_start3A_498, %dma_start3A_499] : memref<51200x128xf32, #tpu.memory_space<hbm>> -> memref<51200x128xf32, #tpu.memory_space<hbm>>
    tpu.enqueue_indirect_dma source(%dma_start3A_500 : memref<51200x128xf32, #tpu.memory_space<hbm>>) target(%arg7 : memref<128x128xf32, #tpu.memory_space<vmem>>) offsets(%dma_start3A_493 : memref<128xi32, #tpu.memory_space<vmem>>) semaphore(%arg10 : memref<!tpu.dma_semaphore, #tpu.memory_space<semaphore_mem>>)
    %dma_wait3A_501 = arith.constant 3 : i32
    %dma_wait3A_502 = arith.constant 0 : i32
    %dma_wait3A_503 = arith.constant 0 : i32
    %dma_wait3A_504 = tpu.memref_slice %arg5[%dma_wait3A_502, %dma_wait3A_503] : memref<4x128xi32, #tpu.memory_space<vmem>> -> memref<1x128xi32, #tpu.memory_space<vmem>>
    %dma_wait3A_505 = tpu.memref_squeeze %dma_wait3A_504 : memref<1x128xi32, #tpu.memory_space<vmem>> -> memref<128xi32, #tpu.memory_space<vmem>>
    %dma_wait3A_506 = arith.constant 0 : i32
    %dma_wait3A_507 = arith.constant 0 : i32
    %dma_wait3A_508 = tpu.memref_slice %arg2[%dma_wait3A_501, %dma_wait3A_506, %dma_wait3A_507] : memref<4x51200x128xf32, #tpu.memory_space<hbm>> -> memref<1x51200x128xf32, #tpu.memory_space<hbm>>
    %dma_wait3A_509 = tpu.memref_squeeze %dma_wait3A_508 : memref<1x51200x128xf32, #tpu.memory_space<hbm>> -> memref<51200x128xf32, #tpu.memory_space<hbm>>
    %dma_wait3A_510 = arith.constant 0 : i32
    %dma_wait3A_511 = arith.constant 0 : i32
    %dma_wait3A_512 = tpu.memref_slice %dma_wait3A_509[%dma_wait3A_510, %dma_wait3A_511] : memref<51200x128xf32, #tpu.memory_space<hbm>> -> memref<51200x128xf32, #tpu.memory_space<hbm>>
    tpu.wait_indirect_dma semaphore(%arg10 : memref<!tpu.dma_semaphore, #tpu.memory_space<semaphore_mem>>) src(%dma_wait3A_512 : memref<51200x128xf32, #tpu.memory_space<hbm>>) dst(%arg6 : memref<128x128xf32, #tpu.memory_space<vmem>>)
    %dma_start3A_513 = arith.constant 3 : i32
    %dma_start3A_514 = arith.constant 0 : i32
    %dma_start3A_515 = tpu.memref_slice %arg4[%dma_start3A_513, %add3A_30, %dma_start3A_514] : memref<4x16384x128xf32, #tpu.memory_space<hbm>> -> memref<1x128x128xf32, #tpu.memory_space<hbm>>
    %dma_start3A_516 = tpu.memref_squeeze %dma_start3A_515 : memref<1x128x128xf32, #tpu.memory_space<hbm>> -> memref<128x128xf32, #tpu.memory_space<hbm>>
    %dma_start3A_517 = arith.constant 0 : i32
    %dma_start3A_518 = tpu.memref_slice %arg4[%dma_start3A_513, %add3A_30, %dma_start3A_517] : memref<4x16384x128xf32, #tpu.memory_space<hbm>> -> memref<1x128x128xf32, #tpu.memory_space<hbm>>
    %dma_start3A_519 = tpu.memref_squeeze %dma_start3A_518 : memref<1x128x128xf32, #tpu.memory_space<hbm>> -> memref<128x128xf32, #tpu.memory_space<hbm>>
    tpu.enqueue_dma source(%arg6 : memref<128x128xf32, #tpu.memory_space<vmem>>) target(%dma_start3A_519 : memref<128x128xf32, #tpu.memory_space<hbm>>) target_semaphore(%arg11 : memref<!tpu.dma_semaphore, #tpu.memory_space<semaphore_mem>>)
    %dma_wait3A_520 = arith.constant 2 : i32
    %dma_wait3A_521 = arith.constant 0 : i32
    %dma_wait3A_522 = tpu.memref_slice %arg4[%dma_wait3A_520, %add3A_26, %dma_wait3A_521] : memref<4x16384x128xf32, #tpu.memory_space<hbm>> -> memref<1x128x128xf32, #tpu.memory_space<hbm>>
    %dma_wait3A_523 = tpu.memref_squeeze %dma_wait3A_522 : memref<1x128x128xf32, #tpu.memory_space<hbm>> -> memref<128x128xf32, #tpu.memory_space<hbm>>
    %dma_wait3A_524 = arith.constant 0 : i32
    %dma_wait3A_525 = tpu.memref_slice %arg4[%dma_wait3A_520, %add3A_26, %dma_wait3A_524] : memref<4x16384x128xf32, #tpu.memory_space<hbm>> -> memref<1x128x128xf32, #tpu.memory_space<hbm>>
    %dma_wait3A_526 = tpu.memref_squeeze %dma_wait3A_525 : memref<1x128x128xf32, #tpu.memory_space<hbm>> -> memref<128x128xf32, #tpu.memory_space<hbm>>
    tpu.wait_dma2 semaphore(%arg11 : memref<!tpu.dma_semaphore, #tpu.memory_space<semaphore_mem>>) src(%arg8 : memref<128x128xf32, #tpu.memory_space<vmem>>) dst(%dma_wait3A_526 : memref<128x128xf32, #tpu.memory_space<hbm>>)
    %dma_start3A_527 = arith.constant 3 : i32
    %dma_start3A_528 = arith.constant 2 : i32
    %dma_start3A_529 = arith.constant 0 : i32
    %dma_start3A_530 = tpu.memref_slice %arg5[%dma_start3A_528, %dma_start3A_529] : memref<4x128xi32, #tpu.memory_space<vmem>> -> memref<1x128xi32, #tpu.memory_space<vmem>>
    %dma_start3A_531 = tpu.memref_squeeze %dma_start3A_530 : memref<1x128xi32, #tpu.memory_space<vmem>> -> memref<128xi32, #tpu.memory_space<vmem>>
    %dma_start3A_532 = arith.constant 0 : i32
    %dma_start3A_533 = arith.constant 0 : i32
    %dma_start3A_534 = tpu.memref_slice %arg2[%dma_start3A_527, %dma_start3A_532, %dma_start3A_533] : memref<4x51200x128xf32, #tpu.memory_space<hbm>> -> memref<1x51200x128xf32, #tpu.memory_space<hbm>>
    %dma_start3A_535 = tpu.memref_squeeze %dma_start3A_534 : memref<1x51200x128xf32, #tpu.memory_space<hbm>> -> memref<51200x128xf32, #tpu.memory_space<hbm>>
    %dma_start3A_536 = arith.constant 0 : i32
    %dma_start3A_537 = arith.constant 0 : i32
    %dma_start3A_538 = tpu.memref_slice %dma_start3A_535[%dma_start3A_536, %dma_start3A_537] : memref<51200x128xf32, #tpu.memory_space<hbm>> -> memref<51200x128xf32, #tpu.memory_space<hbm>>
    tpu.enqueue_indirect_dma source(%dma_start3A_538 : memref<51200x128xf32, #tpu.memory_space<hbm>>) target(%arg8 : memref<128x128xf32, #tpu.memory_space<vmem>>) offsets(%dma_start3A_531 : memref<128xi32, #tpu.memory_space<vmem>>) semaphore(%arg10 : memref<!tpu.dma_semaphore, #tpu.memory_space<semaphore_mem>>)
    %dma_wait3A_539 = arith.constant 3 : i32
    %dma_wait3A_540 = arith.constant 1 : i32
    %dma_wait3A_541 = arith.constant 0 : i32
    %dma_wait3A_542 = tpu.memref_slice %arg5[%dma_wait3A_540, %dma_wait3A_541] : memref<4x128xi32, #tpu.memory_space<vmem>> -> memref<1x128xi32, #tpu.memory_space<vmem>>
    %dma_wait3A_543 = tpu.memref_squeeze %dma_wait3A_542 : memref<1x128xi32, #tpu.memory_space<vmem>> -> memref<128xi32, #tpu.memory_space<vmem>>
    %dma_wait3A_544 = arith.constant 0 : i32
    %dma_wait3A_545 = arith.constant 0 : i32
    %dma_wait3A_546 = tpu.memref_slice %arg2[%dma_wait3A_539, %dma_wait3A_544, %dma_wait3A_545] : memref<4x51200x128xf32, #tpu.memory_space<hbm>> -> memref<1x51200x128xf32, #tpu.memory_space<hbm>>
    %dma_wait3A_547 = tpu.memref_squeeze %dma_wait3A_546 : memref<1x51200x128xf32, #tpu.memory_space<hbm>> -> memref<51200x128xf32, #tpu.memory_space<hbm>>
    %dma_wait3A_548 = arith.constant 0 : i32
    %dma_wait3A_549 = arith.constant 0 : i32
    %dma_wait3A_550 = tpu.memref_slice %dma_wait3A_547[%dma_wait3A_548, %dma_wait3A_549] : memref<51200x128xf32, #tpu.memory_space<hbm>> -> memref<51200x128xf32, #tpu.memory_space<hbm>>
    tpu.wait_indirect_dma semaphore(%arg10 : memref<!tpu.dma_semaphore, #tpu.memory_space<semaphore_mem>>) src(%dma_wait3A_550 : memref<51200x128xf32, #tpu.memory_space<hbm>>) dst(%arg7 : memref<128x128xf32, #tpu.memory_space<vmem>>)
    %dma_start3A_551 = arith.constant 3 : i32
    %dma_start3A_552 = arith.constant 0 : i32
    %dma_start3A_553 = tpu.memref_slice %arg4[%dma_start3A_551, %add3A_32, %dma_start3A_552] : memref<4x16384x128xf32, #tpu.memory_space<hbm>> -> memref<1x128x128xf32, #tpu.memory_space<hbm>>
    %dma_start3A_554 = tpu.memref_squeeze %dma_start3A_553 : memref<1x128x128xf32, #tpu.memory_space<hbm>> -> memref<128x128xf32, #tpu.memory_space<hbm>>
    %dma_start3A_555 = arith.constant 0 : i32
    %dma_start3A_556 = tpu.memref_slice %arg4[%dma_start3A_551, %add3A_32, %dma_start3A_555] : memref<4x16384x128xf32, #tpu.memory_space<hbm>> -> memref<1x128x128xf32, #tpu.memory_space<hbm>>
    %dma_start3A_557 = tpu.memref_squeeze %dma_start3A_556 : memref<1x128x128xf32, #tpu.memory_space<hbm>> -> memref<128x128xf32, #tpu.memory_space<hbm>>
    tpu.enqueue_dma source(%arg7 : memref<128x128xf32, #tpu.memory_space<vmem>>) target(%dma_start3A_557 : memref<128x128xf32, #tpu.memory_space<hbm>>) target_semaphore(%arg11 : memref<!tpu.dma_semaphore, #tpu.memory_space<semaphore_mem>>)
    %dma_wait3A_558 = arith.constant 2 : i32
    %dma_wait3A_559 = arith.constant 0 : i32
    %dma_wait3A_560 = tpu.memref_slice %arg4[%dma_wait3A_558, %add3A_28, %dma_wait3A_559] : memref<4x16384x128xf32, #tpu.memory_space<hbm>> -> memref<1x128x128xf32, #tpu.memory_space<hbm>>
    %dma_wait3A_561 = tpu.memref_squeeze %dma_wait3A_560 : memref<1x128x128xf32, #tpu.memory_space<hbm>> -> memref<128x128xf32, #tpu.memory_space<hbm>>
    %dma_wait3A_562 = arith.constant 0 : i32
    %dma_wait3A_563 = tpu.memref_slice %arg4[%dma_wait3A_558, %add3A_28, %dma_wait3A_562] : memref<4x16384x128xf32, #tpu.memory_space<hbm>> -> memref<1x128x128xf32, #tpu.memory_space<hbm>>
    %dma_wait3A_564 = tpu.memref_squeeze %dma_wait3A_563 : memref<1x128x128xf32, #tpu.memory_space<hbm>> -> memref<128x128xf32, #tpu.memory_space<hbm>>
    tpu.wait_dma2 semaphore(%arg11 : memref<!tpu.dma_semaphore, #tpu.memory_space<semaphore_mem>>) src(%arg9 : memref<128x128xf32, #tpu.memory_space<vmem>>) dst(%dma_wait3A_564 : memref<128x128xf32, #tpu.memory_space<hbm>>)
    %dma_start3A_565 = arith.constant 3 : i32
    %dma_start3A_566 = arith.constant 3 : i32
    %dma_start3A_567 = arith.constant 0 : i32
    %dma_start3A_568 = tpu.memref_slice %arg5[%dma_start3A_566, %dma_start3A_567] : memref<4x128xi32, #tpu.memory_space<vmem>> -> memref<1x128xi32, #tpu.memory_space<vmem>>
    %dma_start3A_569 = tpu.memref_squeeze %dma_start3A_568 : memref<1x128xi32, #tpu.memory_space<vmem>> -> memref<128xi32, #tpu.memory_space<vmem>>
    %dma_start3A_570 = arith.constant 0 : i32
    %dma_start3A_571 = arith.constant 0 : i32
    %dma_start3A_572 = tpu.memref_slice %arg2[%dma_start3A_565, %dma_start3A_570, %dma_start3A_571] : memref<4x51200x128xf32, #tpu.memory_space<hbm>> -> memref<1x51200x128xf32, #tpu.memory_space<hbm>>
    %dma_start3A_573 = tpu.memref_squeeze %dma_start3A_572 : memref<1x51200x128xf32, #tpu.memory_space<hbm>> -> memref<51200x128xf32, #tpu.memory_space<hbm>>
    %dma_start3A_574 = arith.constant 0 : i32
    %dma_start3A_575 = arith.constant 0 : i32
    %dma_start3A_576 = tpu.memref_slice %dma_start3A_573[%dma_start3A_574, %dma_start3A_575] : memref<51200x128xf32, #tpu.memory_space<hbm>> -> memref<51200x128xf32, #tpu.memory_space<hbm>>
    tpu.enqueue_indirect_dma source(%dma_start3A_576 : memref<51200x128xf32, #tpu.memory_space<hbm>>) target(%arg9 : memref<128x128xf32, #tpu.memory_space<vmem>>) offsets(%dma_start3A_569 : memref<128xi32, #tpu.memory_space<vmem>>) semaphore(%arg10 : memref<!tpu.dma_semaphore, #tpu.memory_space<semaphore_mem>>)
    %dma_wait3A_577 = arith.constant 3 : i32
    %dma_wait3A_578 = arith.constant 2 : i32
    %dma_wait3A_579 = arith.constant 0 : i32
    %dma_wait3A_580 = tpu.memref_slice %arg5[%dma_wait3A_578, %dma_wait3A_579] : memref<4x128xi32, #tpu.memory_space<vmem>> -> memref<1x128xi32, #tpu.memory_space<vmem>>
    %dma_wait3A_581 = tpu.memref_squeeze %dma_wait3A_580 : memref<1x128xi32, #tpu.memory_space<vmem>> -> memref<128xi32, #tpu.memory_space<vmem>>
    %dma_wait3A_582 = arith.constant 0 : i32
    %dma_wait3A_583 = arith.constant 0 : i32
    %dma_wait3A_584 = tpu.memref_slice %arg2[%dma_wait3A_577, %dma_wait3A_582, %dma_wait3A_583] : memref<4x51200x128xf32, #tpu.memory_space<hbm>> -> memref<1x51200x128xf32, #tpu.memory_space<hbm>>
    %dma_wait3A_585 = tpu.memref_squeeze %dma_wait3A_584 : memref<1x51200x128xf32, #tpu.memory_space<hbm>> -> memref<51200x128xf32, #tpu.memory_space<hbm>>
    %dma_wait3A_586 = arith.constant 0 : i32
    %dma_wait3A_587 = arith.constant 0 : i32
    %dma_wait3A_588 = tpu.memref_slice %dma_wait3A_585[%dma_wait3A_586, %dma_wait3A_587] : memref<51200x128xf32, #tpu.memory_space<hbm>> -> memref<51200x128xf32, #tpu.memory_space<hbm>>
    tpu.wait_indirect_dma semaphore(%arg10 : memref<!tpu.dma_semaphore, #tpu.memory_space<semaphore_mem>>) src(%dma_wait3A_588 : memref<51200x128xf32, #tpu.memory_space<hbm>>) dst(%arg8 : memref<128x128xf32, #tpu.memory_space<vmem>>)
    %dma_start3A_589 = arith.constant 3 : i32
    %dma_start3A_590 = arith.constant 0 : i32
    %dma_start3A_591 = tpu.memref_slice %arg4[%dma_start3A_589, %add3A_34, %dma_start3A_590] : memref<4x16384x128xf32, #tpu.memory_space<hbm>> -> memref<1x128x128xf32, #tpu.memory_space<hbm>>
    %dma_start3A_592 = tpu.memref_squeeze %dma_start3A_591 : memref<1x128x128xf32, #tpu.memory_space<hbm>> -> memref<128x128xf32, #tpu.memory_space<hbm>>
    %dma_start3A_593 = arith.constant 0 : i32
    %dma_start3A_594 = tpu.memref_slice %arg4[%dma_start3A_589, %add3A_34, %dma_start3A_593] : memref<4x16384x128xf32, #tpu.memory_space<hbm>> -> memref<1x128x128xf32, #tpu.memory_space<hbm>>
    %dma_start3A_595 = tpu.memref_squeeze %dma_start3A_594 : memref<1x128x128xf32, #tpu.memory_space<hbm>> -> memref<128x128xf32, #tpu.memory_space<hbm>>
    tpu.enqueue_dma source(%arg8 : memref<128x128xf32, #tpu.memory_space<vmem>>) target(%dma_start3A_595 : memref<128x128xf32, #tpu.memory_space<hbm>>) target_semaphore(%arg11 : memref<!tpu.dma_semaphore, #tpu.memory_space<semaphore_mem>>)
    %dma_wait3A_596 = arith.constant 3 : i32
    %dma_wait3A_597 = arith.constant 3 : i32
    %dma_wait3A_598 = arith.constant 0 : i32
    %dma_wait3A_599 = tpu.memref_slice %arg5[%dma_wait3A_597, %dma_wait3A_598] : memref<4x128xi32, #tpu.memory_space<vmem>> -> memref<1x128xi32, #tpu.memory_space<vmem>>
    %dma_wait3A_600 = tpu.memref_squeeze %dma_wait3A_599 : memref<1x128xi32, #tpu.memory_space<vmem>> -> memref<128xi32, #tpu.memory_space<vmem>>
    %dma_wait3A_601 = arith.constant 0 : i32
    %dma_wait3A_602 = arith.constant 0 : i32
    %dma_wait3A_603 = tpu.memref_slice %arg2[%dma_wait3A_596, %dma_wait3A_601, %dma_wait3A_602] : memref<4x51200x128xf32, #tpu.memory_space<hbm>> -> memref<1x51200x128xf32, #tpu.memory_space<hbm>>
    %dma_wait3A_604 = tpu.memref_squeeze %dma_wait3A_603 : memref<1x51200x128xf32, #tpu.memory_space<hbm>> -> memref<51200x128xf32, #tpu.memory_space<hbm>>
    %dma_wait3A_605 = arith.constant 0 : i32
    %dma_wait3A_606 = arith.constant 0 : i32
    %dma_wait3A_607 = tpu.memref_slice %dma_wait3A_604[%dma_wait3A_605, %dma_wait3A_606] : memref<51200x128xf32, #tpu.memory_space<hbm>> -> memref<51200x128xf32, #tpu.memory_space<hbm>>
    tpu.wait_indirect_dma semaphore(%arg10 : memref<!tpu.dma_semaphore, #tpu.memory_space<semaphore_mem>>) src(%dma_wait3A_607 : memref<51200x128xf32, #tpu.memory_space<hbm>>) dst(%arg9 : memref<128x128xf32, #tpu.memory_space<vmem>>)
    %dma_start3A_608 = arith.constant 3 : i32
    %dma_start3A_609 = arith.constant 0 : i32
    %dma_start3A_610 = tpu.memref_slice %arg4[%dma_start3A_608, %add3A_36, %dma_start3A_609] : memref<4x16384x128xf32, #tpu.memory_space<hbm>> -> memref<1x128x128xf32, #tpu.memory_space<hbm>>
    %dma_start3A_611 = tpu.memref_squeeze %dma_start3A_610 : memref<1x128x128xf32, #tpu.memory_space<hbm>> -> memref<128x128xf32, #tpu.memory_space<hbm>>
    %dma_start3A_612 = arith.constant 0 : i32
    %dma_start3A_613 = tpu.memref_slice %arg4[%dma_start3A_608, %add3A_36, %dma_start3A_612] : memref<4x16384x128xf32, #tpu.memory_space<hbm>> -> memref<1x128x128xf32, #tpu.memory_space<hbm>>
    %dma_start3A_614 = tpu.memref_squeeze %dma_start3A_613 : memref<1x128x128xf32, #tpu.memory_space<hbm>> -> memref<128x128xf32, #tpu.memory_space<hbm>>
    tpu.enqueue_dma source(%arg9 : memref<128x128xf32, #tpu.memory_space<vmem>>) target(%dma_start3A_614 : memref<128x128xf32, #tpu.memory_space<hbm>>) target_semaphore(%arg11 : memref<!tpu.dma_semaphore, #tpu.memory_space<semaphore_mem>>)
    %dma_wait3A_615 = arith.constant 3 : i32
    %dma_wait3A_616 = arith.constant 0 : i32
    %dma_wait3A_617 = tpu.memref_slice %arg4[%dma_wait3A_615, %add3A_30, %dma_wait3A_616] : memref<4x16384x128xf32, #tpu.memory_space<hbm>> -> memref<1x128x128xf32, #tpu.memory_space<hbm>>
    %dma_wait3A_618 = tpu.memref_squeeze %dma_wait3A_617 : memref<1x128x128xf32, #tpu.memory_space<hbm>> -> memref<128x128xf32, #tpu.memory_space<hbm>>
    %dma_wait3A_619 = arith.constant 0 : i32
    %dma_wait3A_620 = tpu.memref_slice %arg4[%dma_wait3A_615, %add3A_30, %dma_wait3A_619] : memref<4x16384x128xf32, #tpu.memory_space<hbm>> -> memref<1x128x128xf32, #tpu.memory_space<hbm>>
    %dma_wait3A_621 = tpu.memref_squeeze %dma_wait3A_620 : memref<1x128x128xf32, #tpu.memory_space<hbm>> -> memref<128x128xf32, #tpu.memory_space<hbm>>
    tpu.wait_dma2 semaphore(%arg11 : memref<!tpu.dma_semaphore, #tpu.memory_space<semaphore_mem>>) src(%arg6 : memref<128x128xf32, #tpu.memory_space<vmem>>) dst(%dma_wait3A_621 : memref<128x128xf32, #tpu.memory_space<hbm>>)
    %dma_wait3A_622 = arith.constant 3 : i32
    %dma_wait3A_623 = arith.constant 0 : i32
    %dma_wait3A_624 = tpu.memref_slice %arg4[%dma_wait3A_622, %add3A_32, %dma_wait3A_623] : memref<4x16384x128xf32, #tpu.memory_space<hbm>> -> memref<1x128x128xf32, #tpu.memory_space<hbm>>
    %dma_wait3A_625 = tpu.memref_squeeze %dma_wait3A_624 : memref<1x128x128xf32, #tpu.memory_space<hbm>> -> memref<128x128xf32, #tpu.memory_space<hbm>>
    %dma_wait3A_626 = arith.constant 0 : i32
    %dma_wait3A_627 = tpu.memref_slice %arg4[%dma_wait3A_622, %add3A_32, %dma_wait3A_626] : memref<4x16384x128xf32, #tpu.memory_space<hbm>> -> memref<1x128x128xf32, #tpu.memory_space<hbm>>
    %dma_wait3A_628 = tpu.memref_squeeze %dma_wait3A_627 : memref<1x128x128xf32, #tpu.memory_space<hbm>> -> memref<128x128xf32, #tpu.memory_space<hbm>>
    tpu.wait_dma2 semaphore(%arg11 : memref<!tpu.dma_semaphore, #tpu.memory_space<semaphore_mem>>) src(%arg7 : memref<128x128xf32, #tpu.memory_space<vmem>>) dst(%dma_wait3A_628 : memref<128x128xf32, #tpu.memory_space<hbm>>)
    %dma_wait3A_629 = arith.constant 3 : i32
    %dma_wait3A_630 = arith.constant 0 : i32
    %dma_wait3A_631 = tpu.memref_slice %arg4[%dma_wait3A_629, %add3A_34, %dma_wait3A_630] : memref<4x16384x128xf32, #tpu.memory_space<hbm>> -> memref<1x128x128xf32, #tpu.memory_space<hbm>>
    %dma_wait3A_632 = tpu.memref_squeeze %dma_wait3A_631 : memref<1x128x128xf32, #tpu.memory_space<hbm>> -> memref<128x128xf32, #tpu.memory_space<hbm>>
    %dma_wait3A_633 = arith.constant 0 : i32
    %dma_wait3A_634 = tpu.memref_slice %arg4[%dma_wait3A_629, %add3A_34, %dma_wait3A_633] : memref<4x16384x128xf32, #tpu.memory_space<hbm>> -> memref<1x128x128xf32, #tpu.memory_space<hbm>>
    %dma_wait3A_635 = tpu.memref_squeeze %dma_wait3A_634 : memref<1x128x128xf32, #tpu.memory_space<hbm>> -> memref<128x128xf32, #tpu.memory_space<hbm>>
    tpu.wait_dma2 semaphore(%arg11 : memref<!tpu.dma_semaphore, #tpu.memory_space<semaphore_mem>>) src(%arg8 : memref<128x128xf32, #tpu.memory_space<vmem>>) dst(%dma_wait3A_635 : memref<128x128xf32, #tpu.memory_space<hbm>>)
    %dma_wait3A_636 = arith.constant 3 : i32
    %dma_wait3A_637 = arith.constant 0 : i32
    %dma_wait3A_638 = tpu.memref_slice %arg4[%dma_wait3A_636, %add3A_36, %dma_wait3A_637] : memref<4x16384x128xf32, #tpu.memory_space<hbm>> -> memref<1x128x128xf32, #tpu.memory_space<hbm>>
    %dma_wait3A_639 = tpu.memref_squeeze %dma_wait3A_638 : memref<1x128x128xf32, #tpu.memory_space<hbm>> -> memref<128x128xf32, #tpu.memory_space<hbm>>
    %dma_wait3A_640 = arith.constant 0 : i32
    %dma_wait3A_641 = tpu.memref_slice %arg4[%dma_wait3A_636, %add3A_36, %dma_wait3A_640] : memref<4x16384x128xf32, #tpu.memory_space<hbm>> -> memref<1x128x128xf32, #tpu.memory_space<hbm>>
    %dma_wait3A_642 = tpu.memref_squeeze %dma_wait3A_641 : memref<1x128x128xf32, #tpu.memory_space<hbm>> -> memref<128x128xf32, #tpu.memory_space<hbm>>
    tpu.wait_dma2 semaphore(%arg11 : memref<!tpu.dma_semaphore, #tpu.memory_space<semaphore_mem>>) src(%arg9 : memref<128x128xf32, #tpu.memory_space<vmem>>) dst(%dma_wait3A_642 : memref<128x128xf32, #tpu.memory_space<hbm>>)
    return
  }
}

#map = affine_map<(d0, d1) -> (0, 0, 0)>
#map1 = affine_map<(d0, d1) -> (0, 0)>
module attributes {stable_mosaic.version = 14 : i64} {
  func.func @gather_kernel(%arg0: i32, %arg1: i32, %arg2: memref<4x51200x128xf32, #tpu.memory_space<hbm>>, %arg3: memref<128x128xi32, #tpu.memory_space<hbm>>, %arg4: memref<4x16384x128xf32, #tpu.memory_space<hbm>>, %arg5: memref<4x128xi32, #tpu.memory_space<vmem>>, %arg6: memref<128x128xf32, #tpu.memory_space<vmem>>, %arg7: memref<128x128xf32, #tpu.memory_space<vmem>>, %arg8: memref<128x128xf32, #tpu.memory_space<vmem>>, %arg9: memref<128x128xf32, #tpu.memory_space<vmem>>, %arg10: memref<!tpu.dma_semaphore, #tpu.memory_space<semaphore_mem>>, %arg11: memref<!tpu.dma_semaphore, #tpu.memory_space<semaphore_mem>>) attributes {dimension_semantics = [#tpu.dimension_semantics<core_parallel>, #tpu.dimension_semantics<subcore_parallel>], iteration_bounds = array<i64: 2, 16>, scalar_prefetch = 0 : i64, scratch_operands = 7 : i64, tpu.core_type = #tpu.core_type<sc_vector_subcore>, window_params = [{transform_indices = #map}, {transform_indices = #map1}, {transform_indices = #map}]} {
    %mul3A = arith.constant 2 : i32
    %mul3A_0 = arith.muli %arg1, %mul3A : i32
    %add3A = arith.addi %mul3A_0, %arg0 : i32
    %mul3A_1 = arith.constant 512 : i32
    %mul3A_2 = arith.muli %add3A, %mul3A_1 : i32
    %mul3A_3 = arith.constant 4 : i32
    %mul3A_4 = arith.muli %add3A, %mul3A_3 : i32
    "tpu.region"() ({
      %run_scoped3A = tpu.sem_alloc : memref<!tpu.dma_semaphore, #tpu.memory_space<semaphore_mem>>
      %dma_start3A_643 = arith.constant 0 : i32
      %dma_start3A_644 = tpu.memref_slice %arg3[%mul3A_4, %dma_start3A_643] : memref<128x128xi32, #tpu.memory_space<hbm>> -> memref<4x128xi32, #tpu.memory_space<hbm>>
      %dma_start3A_645 = arith.constant 0 : i32
      %dma_start3A_646 = tpu.memref_slice %arg3[%mul3A_4, %dma_start3A_645] : memref<128x128xi32, #tpu.memory_space<hbm>> -> memref<4x128xi32, #tpu.memory_space<hbm>>
      tpu.enqueue_dma source(%dma_start3A_646 : memref<4x128xi32, #tpu.memory_space<hbm>>) target(%arg5 : memref<4x128xi32, #tpu.memory_space<vmem>>) target_semaphore(%run_scoped3A : memref<!tpu.dma_semaphore, #tpu.memory_space<semaphore_mem>>)
      %dma_wait3A_647 = arith.constant 0 : i32
      %dma_wait3A_648 = tpu.memref_slice %arg3[%mul3A_4, %dma_wait3A_647] : memref<128x128xi32, #tpu.memory_space<hbm>> -> memref<4x128xi32, #tpu.memory_space<hbm>>
      %dma_wait3A_649 = arith.constant 0 : i32
      %dma_wait3A_650 = tpu.memref_slice %arg3[%mul3A_4, %dma_wait3A_649] : memref<128x128xi32, #tpu.memory_space<hbm>> -> memref<4x128xi32, #tpu.memory_space<hbm>>
      tpu.wait_dma2 semaphore(%run_scoped3A : memref<!tpu.dma_semaphore, #tpu.memory_space<semaphore_mem>>) src(%dma_wait3A_650 : memref<4x128xi32, #tpu.memory_space<hbm>>) dst(%arg5 : memref<4x128xi32, #tpu.memory_space<vmem>>)
      tpu.yield
    }) : () -> ()
    %add3A_5 = arith.constant 0 : i32
    %add3A_6 = arith.addi %mul3A_2, %add3A_5 : i32
    %add3A_7 = arith.constant 128 : i32
    %add3A_8 = arith.addi %mul3A_2, %add3A_7 : i32
    %add3A_9 = arith.constant 256 : i32
    %add3A_10 = arith.addi %mul3A_2, %add3A_9 : i32
    %add3A_11 = arith.constant 384 : i32
    %add3A_12 = arith.addi %mul3A_2, %add3A_11 : i32
    %add3A_13 = arith.constant 0 : i32
    %add3A_14 = arith.addi %mul3A_2, %add3A_13 : i32
    %add3A_15 = arith.constant 128 : i32
    %add3A_16 = arith.addi %mul3A_2, %add3A_15 : i32
    %add3A_17 = arith.constant 256 : i32
    %add3A_18 = arith.addi %mul3A_2, %add3A_17 : i32
    %add3A_19 = arith.constant 384 : i32
    %add3A_20 = arith.addi %mul3A_2, %add3A_19 : i32
    %add3A_21 = arith.constant 0 : i32
    %add3A_22 = arith.addi %mul3A_2, %add3A_21 : i32
    %add3A_23 = arith.constant 128 : i32
    %add3A_24 = arith.addi %mul3A_2, %add3A_23 : i32
    %add3A_25 = arith.constant 256 : i32
    %add3A_26 = arith.addi %mul3A_2, %add3A_25 : i32
    %add3A_27 = arith.constant 384 : i32
    %add3A_28 = arith.addi %mul3A_2, %add3A_27 : i32
    %add3A_29 = arith.constant 0 : i32
    %add3A_30 = arith.addi %mul3A_2, %add3A_29 : i32
    %add3A_31 = arith.constant 128 : i32
    %add3A_32 = arith.addi %mul3A_2, %add3A_31 : i32
    %add3A_33 = arith.constant 256 : i32
    %add3A_34 = arith.addi %mul3A_2, %add3A_33 : i32
    %add3A_35 = arith.constant 384 : i32
    %add3A_36 = arith.addi %mul3A_2, %add3A_35 : i32
    %dma_start3A = arith.constant 0 : i32
    %dma_start3A_37 = arith.constant 0 : i32
    %dma_start3A_38 = arith.constant 0 : i32
    %dma_start3A_39 = tpu.memref_slice %arg5[%dma_start3A_37, %dma_start3A_38] : memref<4x128xi32, #tpu.memory_space<vmem>> -> memref<1x128xi32, #tpu.memory_space<vmem>>
    %dma_start3A_40 = tpu.memref_squeeze %dma_start3A_39 : memref<1x128xi32, #tpu.memory_space<vmem>> -> memref<128xi32, #tpu.memory_space<vmem>>
    %dma_start3A_41 = arith.constant 0 : i32
    %dma_start3A_42 = arith.constant 0 : i32
    %dma_start3A_43 = tpu.memref_slice %arg2[%dma_start3A, %dma_start3A_41, %dma_start3A_42] : memref<4x51200x128xf32, #tpu.memory_space<hbm>> -> memref<1x51200x128xf32, #tpu.memory_space<hbm>>
    %dma_start3A_44 = tpu.memref_squeeze %dma_start3A_43 : memref<1x51200x128xf32, #tpu.memory_space<hbm>> -> memref<51200x128xf32, #tpu.memory_space<hbm>>
    %dma_start3A_45 = arith.constant 0 : i32
    %dma_start3A_46 = arith.constant 0 : i32
    %dma_start3A_47 = tpu.memref_slice %dma_start3A_44[%dma_start3A_45, %dma_start3A_46] : memref<51200x128xf32, #tpu.memory_space<hbm>> -> memref<51200x128xf32, #tpu.memory_space<hbm>>
    tpu.enqueue_indirect_dma source(%dma_start3A_47 : memref<51200x128xf32, #tpu.memory_space<hbm>>) target(%arg6 : memref<128x128xf32, #tpu.memory_space<vmem>>) offsets(%dma_start3A_40 : memref<128xi32, #tpu.memory_space<vmem>>) semaphore(%arg10 : memref<!tpu.dma_semaphore, #tpu.memory_space<semaphore_mem>>)
    %dma_start3A_48 = arith.constant 0 : i32
    %dma_start3A_49 = arith.constant 1 : i32
    %dma_start3A_50 = arith.constant 0 : i32
    %dma_start3A_51 = tpu.memref_slice %arg5[%dma_start3A_49, %dma_start3A_50] : memref<4x128xi32, #tpu.memory_space<vmem>> -> memref<1x128xi32, #tpu.memory_space<vmem>>
    %dma_start3A_52 = tpu.memref_squeeze %dma_start3A_51 : memref<1x128xi32, #tpu.memory_space<vmem>> -> memref<128xi32, #tpu.memory_space<vmem>>
    %dma_start3A_53 = arith.constant 0 : i32
    %dma_start3A_54 = arith.constant 0 : i32
    %dma_start3A_55 = tpu.memref_slice %arg2[%dma_start3A_48, %dma_start3A_53, %dma_start3A_54] : memref<4x51200x128xf32, #tpu.memory_space<hbm>> -> memref<1x51200x128xf32, #tpu.memory_space<hbm>>
    %dma_start3A_56 = tpu.memref_squeeze %dma_start3A_55 : memref<1x51200x128xf32, #tpu.memory_space<hbm>> -> memref<51200x128xf32, #tpu.memory_space<hbm>>
    %dma_start3A_57 = arith.constant 0 : i32
    %dma_start3A_58 = arith.constant 0 : i32
    %dma_start3A_59 = tpu.memref_slice %dma_start3A_56[%dma_start3A_57, %dma_start3A_58] : memref<51200x128xf32, #tpu.memory_space<hbm>> -> memref<51200x128xf32, #tpu.memory_space<hbm>>
    tpu.enqueue_indirect_dma source(%dma_start3A_59 : memref<51200x128xf32, #tpu.memory_space<hbm>>) target(%arg7 : memref<128x128xf32, #tpu.memory_space<vmem>>) offsets(%dma_start3A_52 : memref<128xi32, #tpu.memory_space<vmem>>) semaphore(%arg10 : memref<!tpu.dma_semaphore, #tpu.memory_space<semaphore_mem>>)
    %dma_wait3A = arith.constant 0 : i32
    %dma_wait3A_60 = arith.constant 0 : i32
    %dma_wait3A_61 = arith.constant 0 : i32
    %dma_wait3A_62 = tpu.memref_slice %arg5[%dma_wait3A_60, %dma_wait3A_61] : memref<4x128xi32, #tpu.memory_space<vmem>> -> memref<1x128xi32, #tpu.memory_space<vmem>>
    %dma_wait3A_63 = tpu.memref_squeeze %dma_wait3A_62 : memref<1x128xi32, #tpu.memory_space<vmem>> -> memref<128xi32, #tpu.memory_space<vmem>>
    %dma_wait3A_64 = arith.constant 0 : i32
    %dma_wait3A_65 = arith.constant 0 : i32
    %dma_wait3A_66 = tpu.memref_slice %arg2[%dma_wait3A, %dma_wait3A_64, %dma_wait3A_65] : memref<4x51200x128xf32, #tpu.memory_space<hbm>> -> memref<1x51200x128xf32, #tpu.memory_space<hbm>>
    %dma_wait3A_67 = tpu.memref_squeeze %dma_wait3A_66 : memref<1x51200x128xf32, #tpu.memory_space<hbm>> -> memref<51200x128xf32, #tpu.memory_space<hbm>>
    %dma_wait3A_68 = arith.constant 0 : i32
    %dma_wait3A_69 = arith.constant 0 : i32
    %dma_wait3A_70 = tpu.memref_slice %dma_wait3A_67[%dma_wait3A_68, %dma_wait3A_69] : memref<51200x128xf32, #tpu.memory_space<hbm>> -> memref<51200x128xf32, #tpu.memory_space<hbm>>
    tpu.wait_indirect_dma semaphore(%arg10 : memref<!tpu.dma_semaphore, #tpu.memory_space<semaphore_mem>>) src(%dma_wait3A_70 : memref<51200x128xf32, #tpu.memory_space<hbm>>) dst(%arg6 : memref<128x128xf32, #tpu.memory_space<vmem>>)
    %dma_start3A_71 = arith.constant 0 : i32
    %dma_start3A_72 = arith.constant 0 : i32
    %dma_start3A_73 = tpu.memref_slice %arg4[%dma_start3A_71, %add3A_6, %dma_start3A_72] : memref<4x16384x128xf32, #tpu.memory_space<hbm>> -> memref<1x128x128xf32, #tpu.memory_space<hbm>>
    %dma_start3A_74 = tpu.memref_squeeze %dma_start3A_73 : memref<1x128x128xf32, #tpu.memory_space<hbm>> -> memref<128x128xf32, #tpu.memory_space<hbm>>
    %dma_start3A_75 = arith.constant 0 : i32
    %dma_start3A_76 = tpu.memref_slice %arg4[%dma_start3A_71, %add3A_6, %dma_start3A_75] : memref<4x16384x128xf32, #tpu.memory_space<hbm>> -> memref<1x128x128xf32, #tpu.memory_space<hbm>>
    %dma_start3A_77 = tpu.memref_squeeze %dma_start3A_76 : memref<1x128x128xf32, #tpu.memory_space<hbm>> -> memref<128x128xf32, #tpu.memory_space<hbm>>
    tpu.enqueue_dma source(%arg6 : memref<128x128xf32, #tpu.memory_space<vmem>>) target(%dma_start3A_77 : memref<128x128xf32, #tpu.memory_space<hbm>>) target_semaphore(%arg11 : memref<!tpu.dma_semaphore, #tpu.memory_space<semaphore_mem>>)
    %dma_start3A_78 = arith.constant 0 : i32
    %dma_start3A_79 = arith.constant 2 : i32
    %dma_start3A_80 = arith.constant 0 : i32
    %dma_start3A_81 = tpu.memref_slice %arg5[%dma_start3A_79, %dma_start3A_80] : memref<4x128xi32, #tpu.memory_space<vmem>> -> memref<1x128xi32, #tpu.memory_space<vmem>>
    %dma_start3A_82 = tpu.memref_squeeze %dma_start3A_81 : memref<1x128xi32, #tpu.memory_space<vmem>> -> memref<128xi32, #tpu.memory_space<vmem>>
    %dma_start3A_83 = arith.constant 0 : i32
    %dma_start3A_84 = arith.constant 0 : i32
    %dma_start3A_85 = tpu.memref_slice %arg2[%dma_start3A_78, %dma_start3A_83, %dma_start3A_84] : memref<4x51200x128xf32, #tpu.memory_space<hbm>> -> memref<1x51200x128xf32, #tpu.memory_space<hbm>>
    %dma_start3A_86 = tpu.memref_squeeze %dma_start3A_85 : memref<1x51200x128xf32, #tpu.memory_space<hbm>> -> memref<51200x128xf32, #tpu.memory_space<hbm>>
    %dma_start3A_87 = arith.constant 0 : i32
    %dma_start3A_88 = arith.constant 0 : i32
    %dma_start3A_89 = tpu.memref_slice %dma_start3A_86[%dma_start3A_87, %dma_start3A_88] : memref<51200x128xf32, #tpu.memory_space<hbm>> -> memref<51200x128xf32, #tpu.memory_space<hbm>>
    tpu.enqueue_indirect_dma source(%dma_start3A_89 : memref<51200x128xf32, #tpu.memory_space<hbm>>) target(%arg8 : memref<128x128xf32, #tpu.memory_space<vmem>>) offsets(%dma_start3A_82 : memref<128xi32, #tpu.memory_space<vmem>>) semaphore(%arg10 : memref<!tpu.dma_semaphore, #tpu.memory_space<semaphore_mem>>)
    %dma_wait3A_90 = arith.constant 0 : i32
    %dma_wait3A_91 = arith.constant 1 : i32
    %dma_wait3A_92 = arith.constant 0 : i32
    %dma_wait3A_93 = tpu.memref_slice %arg5[%dma_wait3A_91, %dma_wait3A_92] : memref<4x128xi32, #tpu.memory_space<vmem>> -> memref<1x128xi32, #tpu.memory_space<vmem>>
    %dma_wait3A_94 = tpu.memref_squeeze %dma_wait3A_93 : memref<1x128xi32, #tpu.memory_space<vmem>> -> memref<128xi32, #tpu.memory_space<vmem>>
    %dma_wait3A_95 = arith.constant 0 : i32
    %dma_wait3A_96 = arith.constant 0 : i32
    %dma_wait3A_97 = tpu.memref_slice %arg2[%dma_wait3A_90, %dma_wait3A_95, %dma_wait3A_96] : memref<4x51200x128xf32, #tpu.memory_space<hbm>> -> memref<1x51200x128xf32, #tpu.memory_space<hbm>>
    %dma_wait3A_98 = tpu.memref_squeeze %dma_wait3A_97 : memref<1x51200x128xf32, #tpu.memory_space<hbm>> -> memref<51200x128xf32, #tpu.memory_space<hbm>>
    %dma_wait3A_99 = arith.constant 0 : i32
    %dma_wait3A_100 = arith.constant 0 : i32
    %dma_wait3A_101 = tpu.memref_slice %dma_wait3A_98[%dma_wait3A_99, %dma_wait3A_100] : memref<51200x128xf32, #tpu.memory_space<hbm>> -> memref<51200x128xf32, #tpu.memory_space<hbm>>
    tpu.wait_indirect_dma semaphore(%arg10 : memref<!tpu.dma_semaphore, #tpu.memory_space<semaphore_mem>>) src(%dma_wait3A_101 : memref<51200x128xf32, #tpu.memory_space<hbm>>) dst(%arg7 : memref<128x128xf32, #tpu.memory_space<vmem>>)
    %dma_start3A_102 = arith.constant 0 : i32
    %dma_start3A_103 = arith.constant 0 : i32
    %dma_start3A_104 = tpu.memref_slice %arg4[%dma_start3A_102, %add3A_8, %dma_start3A_103] : memref<4x16384x128xf32, #tpu.memory_space<hbm>> -> memref<1x128x128xf32, #tpu.memory_space<hbm>>
    %dma_start3A_105 = tpu.memref_squeeze %dma_start3A_104 : memref<1x128x128xf32, #tpu.memory_space<hbm>> -> memref<128x128xf32, #tpu.memory_space<hbm>>
    %dma_start3A_106 = arith.constant 0 : i32
    %dma_start3A_107 = tpu.memref_slice %arg4[%dma_start3A_102, %add3A_8, %dma_start3A_106] : memref<4x16384x128xf32, #tpu.memory_space<hbm>> -> memref<1x128x128xf32, #tpu.memory_space<hbm>>
    %dma_start3A_108 = tpu.memref_squeeze %dma_start3A_107 : memref<1x128x128xf32, #tpu.memory_space<hbm>> -> memref<128x128xf32, #tpu.memory_space<hbm>>
    tpu.enqueue_dma source(%arg7 : memref<128x128xf32, #tpu.memory_space<vmem>>) target(%dma_start3A_108 : memref<128x128xf32, #tpu.memory_space<hbm>>) target_semaphore(%arg11 : memref<!tpu.dma_semaphore, #tpu.memory_space<semaphore_mem>>)
    %dma_start3A_109 = arith.constant 0 : i32
    %dma_start3A_110 = arith.constant 3 : i32
    %dma_start3A_111 = arith.constant 0 : i32
    %dma_start3A_112 = tpu.memref_slice %arg5[%dma_start3A_110, %dma_start3A_111] : memref<4x128xi32, #tpu.memory_space<vmem>> -> memref<1x128xi32, #tpu.memory_space<vmem>>
    %dma_start3A_113 = tpu.memref_squeeze %dma_start3A_112 : memref<1x128xi32, #tpu.memory_space<vmem>> -> memref<128xi32, #tpu.memory_space<vmem>>
    %dma_start3A_114 = arith.constant 0 : i32
    %dma_start3A_115 = arith.constant 0 : i32
    %dma_start3A_116 = tpu.memref_slice %arg2[%dma_start3A_109, %dma_start3A_114, %dma_start3A_115] : memref<4x51200x128xf32, #tpu.memory_space<hbm>> -> memref<1x51200x128xf32, #tpu.memory_space<hbm>>
    %dma_start3A_117 = tpu.memref_squeeze %dma_start3A_116 : memref<1x51200x128xf32, #tpu.memory_space<hbm>> -> memref<51200x128xf32, #tpu.memory_space<hbm>>
    %dma_start3A_118 = arith.constant 0 : i32
    %dma_start3A_119 = arith.constant 0 : i32
    %dma_start3A_120 = tpu.memref_slice %dma_start3A_117[%dma_start3A_118, %dma_start3A_119] : memref<51200x128xf32, #tpu.memory_space<hbm>> -> memref<51200x128xf32, #tpu.memory_space<hbm>>
    tpu.enqueue_indirect_dma source(%dma_start3A_120 : memref<51200x128xf32, #tpu.memory_space<hbm>>) target(%arg9 : memref<128x128xf32, #tpu.memory_space<vmem>>) offsets(%dma_start3A_113 : memref<128xi32, #tpu.memory_space<vmem>>) semaphore(%arg10 : memref<!tpu.dma_semaphore, #tpu.memory_space<semaphore_mem>>)
    %dma_wait3A_121 = arith.constant 0 : i32
    %dma_wait3A_122 = arith.constant 2 : i32
    %dma_wait3A_123 = arith.constant 0 : i32
    %dma_wait3A_124 = tpu.memref_slice %arg5[%dma_wait3A_122, %dma_wait3A_123] : memref<4x128xi32, #tpu.memory_space<vmem>> -> memref<1x128xi32, #tpu.memory_space<vmem>>
    %dma_wait3A_125 = tpu.memref_squeeze %dma_wait3A_124 : memref<1x128xi32, #tpu.memory_space<vmem>> -> memref<128xi32, #tpu.memory_space<vmem>>
    %dma_wait3A_126 = arith.constant 0 : i32
    %dma_wait3A_127 = arith.constant 0 : i32
    %dma_wait3A_128 = tpu.memref_slice %arg2[%dma_wait3A_121, %dma_wait3A_126, %dma_wait3A_127] : memref<4x51200x128xf32, #tpu.memory_space<hbm>> -> memref<1x51200x128xf32, #tpu.memory_space<hbm>>
    %dma_wait3A_129 = tpu.memref_squeeze %dma_wait3A_128 : memref<1x51200x128xf32, #tpu.memory_space<hbm>> -> memref<51200x128xf32, #tpu.memory_space<hbm>>
    %dma_wait3A_130 = arith.constant 0 : i32
    %dma_wait3A_131 = arith.constant 0 : i32
    %dma_wait3A_132 = tpu.memref_slice %dma_wait3A_129[%dma_wait3A_130, %dma_wait3A_131] : memref<51200x128xf32, #tpu.memory_space<hbm>> -> memref<51200x128xf32, #tpu.memory_space<hbm>>
    tpu.wait_indirect_dma semaphore(%arg10 : memref<!tpu.dma_semaphore, #tpu.memory_space<semaphore_mem>>) src(%dma_wait3A_132 : memref<51200x128xf32, #tpu.memory_space<hbm>>) dst(%arg8 : memref<128x128xf32, #tpu.memory_space<vmem>>)
    %dma_start3A_133 = arith.constant 0 : i32
    %dma_start3A_134 = arith.constant 0 : i32
    %dma_start3A_135 = tpu.memref_slice %arg4[%dma_start3A_133, %add3A_10, %dma_start3A_134] : memref<4x16384x128xf32, #tpu.memory_space<hbm>> -> memref<1x128x128xf32, #tpu.memory_space<hbm>>
    %dma_start3A_136 = tpu.memref_squeeze %dma_start3A_135 : memref<1x128x128xf32, #tpu.memory_space<hbm>> -> memref<128x128xf32, #tpu.memory_space<hbm>>
    %dma_start3A_137 = arith.constant 0 : i32
    %dma_start3A_138 = tpu.memref_slice %arg4[%dma_start3A_133, %add3A_10, %dma_start3A_137] : memref<4x16384x128xf32, #tpu.memory_space<hbm>> -> memref<1x128x128xf32, #tpu.memory_space<hbm>>
    %dma_start3A_139 = tpu.memref_squeeze %dma_start3A_138 : memref<1x128x128xf32, #tpu.memory_space<hbm>> -> memref<128x128xf32, #tpu.memory_space<hbm>>
    tpu.enqueue_dma source(%arg8 : memref<128x128xf32, #tpu.memory_space<vmem>>) target(%dma_start3A_139 : memref<128x128xf32, #tpu.memory_space<hbm>>) target_semaphore(%arg11 : memref<!tpu.dma_semaphore, #tpu.memory_space<semaphore_mem>>)
    %dma_wait3A_140 = arith.constant 0 : i32
    %dma_wait3A_141 = arith.constant 0 : i32
    %dma_wait3A_142 = tpu.memref_slice %arg4[%dma_wait3A_140, %add3A_6, %dma_wait3A_141] : memref<4x16384x128xf32, #tpu.memory_space<hbm>> -> memref<1x128x128xf32, #tpu.memory_space<hbm>>
    %dma_wait3A_143 = tpu.memref_squeeze %dma_wait3A_142 : memref<1x128x128xf32, #tpu.memory_space<hbm>> -> memref<128x128xf32, #tpu.memory_space<hbm>>
    %dma_wait3A_144 = arith.constant 0 : i32
    %dma_wait3A_145 = tpu.memref_slice %arg4[%dma_wait3A_140, %add3A_6, %dma_wait3A_144] : memref<4x16384x128xf32, #tpu.memory_space<hbm>> -> memref<1x128x128xf32, #tpu.memory_space<hbm>>
    %dma_wait3A_146 = tpu.memref_squeeze %dma_wait3A_145 : memref<1x128x128xf32, #tpu.memory_space<hbm>> -> memref<128x128xf32, #tpu.memory_space<hbm>>
    tpu.wait_dma2 semaphore(%arg11 : memref<!tpu.dma_semaphore, #tpu.memory_space<semaphore_mem>>) src(%arg6 : memref<128x128xf32, #tpu.memory_space<vmem>>) dst(%dma_wait3A_146 : memref<128x128xf32, #tpu.memory_space<hbm>>)
    %dma_start3A_147 = arith.constant 1 : i32
    %dma_start3A_148 = arith.constant 0 : i32
    %dma_start3A_149 = arith.constant 0 : i32
    %dma_start3A_150 = tpu.memref_slice %arg5[%dma_start3A_148, %dma_start3A_149] : memref<4x128xi32, #tpu.memory_space<vmem>> -> memref<1x128xi32, #tpu.memory_space<vmem>>
    %dma_start3A_151 = tpu.memref_squeeze %dma_start3A_150 : memref<1x128xi32, #tpu.memory_space<vmem>> -> memref<128xi32, #tpu.memory_space<vmem>>
    %dma_start3A_152 = arith.constant 0 : i32
    %dma_start3A_153 = arith.constant 0 : i32
    %dma_start3A_154 = tpu.memref_slice %arg2[%dma_start3A_147, %dma_start3A_152, %dma_start3A_153] : memref<4x51200x128xf32, #tpu.memory_space<hbm>> -> memref<1x51200x128xf32, #tpu.memory_space<hbm>>
    %dma_start3A_155 = tpu.memref_squeeze %dma_start3A_154 : memref<1x51200x128xf32, #tpu.memory_space<hbm>> -> memref<51200x128xf32, #tpu.memory_space<hbm>>
    %dma_start3A_156 = arith.constant 0 : i32
    %dma_start3A_157 = arith.constant 0 : i32
    %dma_start3A_158 = tpu.memref_slice %dma_start3A_155[%dma_start3A_156, %dma_start3A_157] : memref<51200x128xf32, #tpu.memory_space<hbm>> -> memref<51200x128xf32, #tpu.memory_space<hbm>>
    tpu.enqueue_indirect_dma source(%dma_start3A_158 : memref<51200x128xf32, #tpu.memory_space<hbm>>) target(%arg6 : memref<128x128xf32, #tpu.memory_space<vmem>>) offsets(%dma_start3A_151 : memref<128xi32, #tpu.memory_space<vmem>>) semaphore(%arg10 : memref<!tpu.dma_semaphore, #tpu.memory_space<semaphore_mem>>)
    %dma_wait3A_159 = arith.constant 0 : i32
    %dma_wait3A_160 = arith.constant 3 : i32
    %dma_wait3A_161 = arith.constant 0 : i32
    %dma_wait3A_162 = tpu.memref_slice %arg5[%dma_wait3A_160, %dma_wait3A_161] : memref<4x128xi32, #tpu.memory_space<vmem>> -> memref<1x128xi32, #tpu.memory_space<vmem>>
    %dma_wait3A_163 = tpu.memref_squeeze %dma_wait3A_162 : memref<1x128xi32, #tpu.memory_space<vmem>> -> memref<128xi32, #tpu.memory_space<vmem>>
    %dma_wait3A_164 = arith.constant 0 : i32
    %dma_wait3A_165 = arith.constant 0 : i32
    %dma_wait3A_166 = tpu.memref_slice %arg2[%dma_wait3A_159, %dma_wait3A_164, %dma_wait3A_165] : memref<4x51200x128xf32, #tpu.memory_space<hbm>> -> memref<1x51200x128xf32, #tpu.memory_space<hbm>>
    %dma_wait3A_167 = tpu.memref_squeeze %dma_wait3A_166 : memref<1x51200x128xf32, #tpu.memory_space<hbm>> -> memref<51200x128xf32, #tpu.memory_space<hbm>>
    %dma_wait3A_168 = arith.constant 0 : i32
    %dma_wait3A_169 = arith.constant 0 : i32
    %dma_wait3A_170 = tpu.memref_slice %dma_wait3A_167[%dma_wait3A_168, %dma_wait3A_169] : memref<51200x128xf32, #tpu.memory_space<hbm>> -> memref<51200x128xf32, #tpu.memory_space<hbm>>
    tpu.wait_indirect_dma semaphore(%arg10 : memref<!tpu.dma_semaphore, #tpu.memory_space<semaphore_mem>>) src(%dma_wait3A_170 : memref<51200x128xf32, #tpu.memory_space<hbm>>) dst(%arg9 : memref<128x128xf32, #tpu.memory_space<vmem>>)
    %dma_start3A_171 = arith.constant 0 : i32
    %dma_start3A_172 = arith.constant 0 : i32
    %dma_start3A_173 = tpu.memref_slice %arg4[%dma_start3A_171, %add3A_12, %dma_start3A_172] : memref<4x16384x128xf32, #tpu.memory_space<hbm>> -> memref<1x128x128xf32, #tpu.memory_space<hbm>>
    %dma_start3A_174 = tpu.memref_squeeze %dma_start3A_173 : memref<1x128x128xf32, #tpu.memory_space<hbm>> -> memref<128x128xf32, #tpu.memory_space<hbm>>
    %dma_start3A_175 = arith.constant 0 : i32
    %dma_start3A_176 = tpu.memref_slice %arg4[%dma_start3A_171, %add3A_12, %dma_start3A_175] : memref<4x16384x128xf32, #tpu.memory_space<hbm>> -> memref<1x128x128xf32, #tpu.memory_space<hbm>>
    %dma_start3A_177 = tpu.memref_squeeze %dma_start3A_176 : memref<1x128x128xf32, #tpu.memory_space<hbm>> -> memref<128x128xf32, #tpu.memory_space<hbm>>
    tpu.enqueue_dma source(%arg9 : memref<128x128xf32, #tpu.memory_space<vmem>>) target(%dma_start3A_177 : memref<128x128xf32, #tpu.memory_space<hbm>>) target_semaphore(%arg11 : memref<!tpu.dma_semaphore, #tpu.memory_space<semaphore_mem>>)
    %dma_wait3A_178 = arith.constant 0 : i32
    %dma_wait3A_179 = arith.constant 0 : i32
    %dma_wait3A_180 = tpu.memref_slice %arg4[%dma_wait3A_178, %add3A_8, %dma_wait3A_179] : memref<4x16384x128xf32, #tpu.memory_space<hbm>> -> memref<1x128x128xf32, #tpu.memory_space<hbm>>
    %dma_wait3A_181 = tpu.memref_squeeze %dma_wait3A_180 : memref<1x128x128xf32, #tpu.memory_space<hbm>> -> memref<128x128xf32, #tpu.memory_space<hbm>>
    %dma_wait3A_182 = arith.constant 0 : i32
    %dma_wait3A_183 = tpu.memref_slice %arg4[%dma_wait3A_178, %add3A_8, %dma_wait3A_182] : memref<4x16384x128xf32, #tpu.memory_space<hbm>> -> memref<1x128x128xf32, #tpu.memory_space<hbm>>
    %dma_wait3A_184 = tpu.memref_squeeze %dma_wait3A_183 : memref<1x128x128xf32, #tpu.memory_space<hbm>> -> memref<128x128xf32, #tpu.memory_space<hbm>>
    tpu.wait_dma2 semaphore(%arg11 : memref<!tpu.dma_semaphore, #tpu.memory_space<semaphore_mem>>) src(%arg7 : memref<128x128xf32, #tpu.memory_space<vmem>>) dst(%dma_wait3A_184 : memref<128x128xf32, #tpu.memory_space<hbm>>)
    %dma_start3A_185 = arith.constant 1 : i32
    %dma_start3A_186 = arith.constant 1 : i32
    %dma_start3A_187 = arith.constant 0 : i32
    %dma_start3A_188 = tpu.memref_slice %arg5[%dma_start3A_186, %dma_start3A_187] : memref<4x128xi32, #tpu.memory_space<vmem>> -> memref<1x128xi32, #tpu.memory_space<vmem>>
    %dma_start3A_189 = tpu.memref_squeeze %dma_start3A_188 : memref<1x128xi32, #tpu.memory_space<vmem>> -> memref<128xi32, #tpu.memory_space<vmem>>
    %dma_start3A_190 = arith.constant 0 : i32
    %dma_start3A_191 = arith.constant 0 : i32
    %dma_start3A_192 = tpu.memref_slice %arg2[%dma_start3A_185, %dma_start3A_190, %dma_start3A_191] : memref<4x51200x128xf32, #tpu.memory_space<hbm>> -> memref<1x51200x128xf32, #tpu.memory_space<hbm>>
    %dma_start3A_193 = tpu.memref_squeeze %dma_start3A_192 : memref<1x51200x128xf32, #tpu.memory_space<hbm>> -> memref<51200x128xf32, #tpu.memory_space<hbm>>
    %dma_start3A_194 = arith.constant 0 : i32
    %dma_start3A_195 = arith.constant 0 : i32
    %dma_start3A_196 = tpu.memref_slice %dma_start3A_193[%dma_start3A_194, %dma_start3A_195] : memref<51200x128xf32, #tpu.memory_space<hbm>> -> memref<51200x128xf32, #tpu.memory_space<hbm>>
    tpu.enqueue_indirect_dma source(%dma_start3A_196 : memref<51200x128xf32, #tpu.memory_space<hbm>>) target(%arg7 : memref<128x128xf32, #tpu.memory_space<vmem>>) offsets(%dma_start3A_189 : memref<128xi32, #tpu.memory_space<vmem>>) semaphore(%arg10 : memref<!tpu.dma_semaphore, #tpu.memory_space<semaphore_mem>>)
    %dma_wait3A_197 = arith.constant 1 : i32
    %dma_wait3A_198 = arith.constant 0 : i32
    %dma_wait3A_199 = arith.constant 0 : i32
    %dma_wait3A_200 = tpu.memref_slice %arg5[%dma_wait3A_198, %dma_wait3A_199] : memref<4x128xi32, #tpu.memory_space<vmem>> -> memref<1x128xi32, #tpu.memory_space<vmem>>
    %dma_wait3A_201 = tpu.memref_squeeze %dma_wait3A_200 : memref<1x128xi32, #tpu.memory_space<vmem>> -> memref<128xi32, #tpu.memory_space<vmem>>
    %dma_wait3A_202 = arith.constant 0 : i32
    %dma_wait3A_203 = arith.constant 0 : i32
    %dma_wait3A_204 = tpu.memref_slice %arg2[%dma_wait3A_197, %dma_wait3A_202, %dma_wait3A_203] : memref<4x51200x128xf32, #tpu.memory_space<hbm>> -> memref<1x51200x128xf32, #tpu.memory_space<hbm>>
    %dma_wait3A_205 = tpu.memref_squeeze %dma_wait3A_204 : memref<1x51200x128xf32, #tpu.memory_space<hbm>> -> memref<51200x128xf32, #tpu.memory_space<hbm>>
    %dma_wait3A_206 = arith.constant 0 : i32
    %dma_wait3A_207 = arith.constant 0 : i32
    %dma_wait3A_208 = tpu.memref_slice %dma_wait3A_205[%dma_wait3A_206, %dma_wait3A_207] : memref<51200x128xf32, #tpu.memory_space<hbm>> -> memref<51200x128xf32, #tpu.memory_space<hbm>>
    tpu.wait_indirect_dma semaphore(%arg10 : memref<!tpu.dma_semaphore, #tpu.memory_space<semaphore_mem>>) src(%dma_wait3A_208 : memref<51200x128xf32, #tpu.memory_space<hbm>>) dst(%arg6 : memref<128x128xf32, #tpu.memory_space<vmem>>)
    %dma_start3A_209 = arith.constant 1 : i32
    %dma_start3A_210 = arith.constant 0 : i32
    %dma_start3A_211 = tpu.memref_slice %arg4[%dma_start3A_209, %add3A_14, %dma_start3A_210] : memref<4x16384x128xf32, #tpu.memory_space<hbm>> -> memref<1x128x128xf32, #tpu.memory_space<hbm>>
    %dma_start3A_212 = tpu.memref_squeeze %dma_start3A_211 : memref<1x128x128xf32, #tpu.memory_space<hbm>> -> memref<128x128xf32, #tpu.memory_space<hbm>>
    %dma_start3A_213 = arith.constant 0 : i32
    %dma_start3A_214 = tpu.memref_slice %arg4[%dma_start3A_209, %add3A_14, %dma_start3A_213] : memref<4x16384x128xf32, #tpu.memory_space<hbm>> -> memref<1x128x128xf32, #tpu.memory_space<hbm>>
    %dma_start3A_215 = tpu.memref_squeeze %dma_start3A_214 : memref<1x128x128xf32, #tpu.memory_space<hbm>> -> memref<128x128xf32, #tpu.memory_space<hbm>>
    tpu.enqueue_dma source(%arg6 : memref<128x128xf32, #tpu.memory_space<vmem>>) target(%dma_start3A_215 : memref<128x128xf32, #tpu.memory_space<hbm>>) target_semaphore(%arg11 : memref<!tpu.dma_semaphore, #tpu.memory_space<semaphore_mem>>)
    %dma_wait3A_216 = arith.constant 0 : i32
    %dma_wait3A_217 = arith.constant 0 : i32
    %dma_wait3A_218 = tpu.memref_slice %arg4[%dma_wait3A_216, %add3A_10, %dma_wait3A_217] : memref<4x16384x128xf32, #tpu.memory_space<hbm>> -> memref<1x128x128xf32, #tpu.memory_space<hbm>>
    %dma_wait3A_219 = tpu.memref_squeeze %dma_wait3A_218 : memref<1x128x128xf32, #tpu.memory_space<hbm>> -> memref<128x128xf32, #tpu.memory_space<hbm>>
    %dma_wait3A_220 = arith.constant 0 : i32
    %dma_wait3A_221 = tpu.memref_slice %arg4[%dma_wait3A_216, %add3A_10, %dma_wait3A_220] : memref<4x16384x128xf32, #tpu.memory_space<hbm>> -> memref<1x128x128xf32, #tpu.memory_space<hbm>>
    %dma_wait3A_222 = tpu.memref_squeeze %dma_wait3A_221 : memref<1x128x128xf32, #tpu.memory_space<hbm>> -> memref<128x128xf32, #tpu.memory_space<hbm>>
    tpu.wait_dma2 semaphore(%arg11 : memref<!tpu.dma_semaphore, #tpu.memory_space<semaphore_mem>>) src(%arg8 : memref<128x128xf32, #tpu.memory_space<vmem>>) dst(%dma_wait3A_222 : memref<128x128xf32, #tpu.memory_space<hbm>>)
    %dma_start3A_223 = arith.constant 1 : i32
    %dma_start3A_224 = arith.constant 2 : i32
    %dma_start3A_225 = arith.constant 0 : i32
    %dma_start3A_226 = tpu.memref_slice %arg5[%dma_start3A_224, %dma_start3A_225] : memref<4x128xi32, #tpu.memory_space<vmem>> -> memref<1x128xi32, #tpu.memory_space<vmem>>
    %dma_start3A_227 = tpu.memref_squeeze %dma_start3A_226 : memref<1x128xi32, #tpu.memory_space<vmem>> -> memref<128xi32, #tpu.memory_space<vmem>>
    %dma_start3A_228 = arith.constant 0 : i32
    %dma_start3A_229 = arith.constant 0 : i32
    %dma_start3A_230 = tpu.memref_slice %arg2[%dma_start3A_223, %dma_start3A_228, %dma_start3A_229] : memref<4x51200x128xf32, #tpu.memory_space<hbm>> -> memref<1x51200x128xf32, #tpu.memory_space<hbm>>
    %dma_start3A_231 = tpu.memref_squeeze %dma_start3A_230 : memref<1x51200x128xf32, #tpu.memory_space<hbm>> -> memref<51200x128xf32, #tpu.memory_space<hbm>>
    %dma_start3A_232 = arith.constant 0 : i32
    %dma_start3A_233 = arith.constant 0 : i32
    %dma_start3A_234 = tpu.memref_slice %dma_start3A_231[%dma_start3A_232, %dma_start3A_233] : memref<51200x128xf32, #tpu.memory_space<hbm>> -> memref<51200x128xf32, #tpu.memory_space<hbm>>
    tpu.enqueue_indirect_dma source(%dma_start3A_234 : memref<51200x128xf32, #tpu.memory_space<hbm>>) target(%arg8 : memref<128x128xf32, #tpu.memory_space<vmem>>) offsets(%dma_start3A_227 : memref<128xi32, #tpu.memory_space<vmem>>) semaphore(%arg10 : memref<!tpu.dma_semaphore, #tpu.memory_space<semaphore_mem>>)
    %dma_wait3A_235 = arith.constant 1 : i32
    %dma_wait3A_236 = arith.constant 1 : i32
    %dma_wait3A_237 = arith.constant 0 : i32
    %dma_wait3A_238 = tpu.memref_slice %arg5[%dma_wait3A_236, %dma_wait3A_237] : memref<4x128xi32, #tpu.memory_space<vmem>> -> memref<1x128xi32, #tpu.memory_space<vmem>>
    %dma_wait3A_239 = tpu.memref_squeeze %dma_wait3A_238 : memref<1x128xi32, #tpu.memory_space<vmem>> -> memref<128xi32, #tpu.memory_space<vmem>>
    %dma_wait3A_240 = arith.constant 0 : i32
    %dma_wait3A_241 = arith.constant 0 : i32
    %dma_wait3A_242 = tpu.memref_slice %arg2[%dma_wait3A_235, %dma_wait3A_240, %dma_wait3A_241] : memref<4x51200x128xf32, #tpu.memory_space<hbm>> -> memref<1x51200x128xf32, #tpu.memory_space<hbm>>
    %dma_wait3A_243 = tpu.memref_squeeze %dma_wait3A_242 : memref<1x51200x128xf32, #tpu.memory_space<hbm>> -> memref<51200x128xf32, #tpu.memory_space<hbm>>
    %dma_wait3A_244 = arith.constant 0 : i32
    %dma_wait3A_245 = arith.constant 0 : i32
    %dma_wait3A_246 = tpu.memref_slice %dma_wait3A_243[%dma_wait3A_244, %dma_wait3A_245] : memref<51200x128xf32, #tpu.memory_space<hbm>> -> memref<51200x128xf32, #tpu.memory_space<hbm>>
    tpu.wait_indirect_dma semaphore(%arg10 : memref<!tpu.dma_semaphore, #tpu.memory_space<semaphore_mem>>) src(%dma_wait3A_246 : memref<51200x128xf32, #tpu.memory_space<hbm>>) dst(%arg7 : memref<128x128xf32, #tpu.memory_space<vmem>>)
    %dma_start3A_247 = arith.constant 1 : i32
    %dma_start3A_248 = arith.constant 0 : i32
    %dma_start3A_249 = tpu.memref_slice %arg4[%dma_start3A_247, %add3A_16, %dma_start3A_248] : memref<4x16384x128xf32, #tpu.memory_space<hbm>> -> memref<1x128x128xf32, #tpu.memory_space<hbm>>
    %dma_start3A_250 = tpu.memref_squeeze %dma_start3A_249 : memref<1x128x128xf32, #tpu.memory_space<hbm>> -> memref<128x128xf32, #tpu.memory_space<hbm>>
    %dma_start3A_251 = arith.constant 0 : i32
    %dma_start3A_252 = tpu.memref_slice %arg4[%dma_start3A_247, %add3A_16, %dma_start3A_251] : memref<4x16384x128xf32, #tpu.memory_space<hbm>> -> memref<1x128x128xf32, #tpu.memory_space<hbm>>
    %dma_start3A_253 = tpu.memref_squeeze %dma_start3A_252 : memref<1x128x128xf32, #tpu.memory_space<hbm>> -> memref<128x128xf32, #tpu.memory_space<hbm>>
    tpu.enqueue_dma source(%arg7 : memref<128x128xf32, #tpu.memory_space<vmem>>) target(%dma_start3A_253 : memref<128x128xf32, #tpu.memory_space<hbm>>) target_semaphore(%arg11 : memref<!tpu.dma_semaphore, #tpu.memory_space<semaphore_mem>>)
    %dma_wait3A_254 = arith.constant 0 : i32
    %dma_wait3A_255 = arith.constant 0 : i32
    %dma_wait3A_256 = tpu.memref_slice %arg4[%dma_wait3A_254, %add3A_12, %dma_wait3A_255] : memref<4x16384x128xf32, #tpu.memory_space<hbm>> -> memref<1x128x128xf32, #tpu.memory_space<hbm>>
    %dma_wait3A_257 = tpu.memref_squeeze %dma_wait3A_256 : memref<1x128x128xf32, #tpu.memory_space<hbm>> -> memref<128x128xf32, #tpu.memory_space<hbm>>
    %dma_wait3A_258 = arith.constant 0 : i32
    %dma_wait3A_259 = tpu.memref_slice %arg4[%dma_wait3A_254, %add3A_12, %dma_wait3A_258] : memref<4x16384x128xf32, #tpu.memory_space<hbm>> -> memref<1x128x128xf32, #tpu.memory_space<hbm>>
    %dma_wait3A_260 = tpu.memref_squeeze %dma_wait3A_259 : memref<1x128x128xf32, #tpu.memory_space<hbm>> -> memref<128x128xf32, #tpu.memory_space<hbm>>
    tpu.wait_dma2 semaphore(%arg11 : memref<!tpu.dma_semaphore, #tpu.memory_space<semaphore_mem>>) src(%arg9 : memref<128x128xf32, #tpu.memory_space<vmem>>) dst(%dma_wait3A_260 : memref<128x128xf32, #tpu.memory_space<hbm>>)
    %dma_start3A_261 = arith.constant 1 : i32
    %dma_start3A_262 = arith.constant 3 : i32
    %dma_start3A_263 = arith.constant 0 : i32
    %dma_start3A_264 = tpu.memref_slice %arg5[%dma_start3A_262, %dma_start3A_263] : memref<4x128xi32, #tpu.memory_space<vmem>> -> memref<1x128xi32, #tpu.memory_space<vmem>>
    %dma_start3A_265 = tpu.memref_squeeze %dma_start3A_264 : memref<1x128xi32, #tpu.memory_space<vmem>> -> memref<128xi32, #tpu.memory_space<vmem>>
    %dma_start3A_266 = arith.constant 0 : i32
    %dma_start3A_267 = arith.constant 0 : i32
    %dma_start3A_268 = tpu.memref_slice %arg2[%dma_start3A_261, %dma_start3A_266, %dma_start3A_267] : memref<4x51200x128xf32, #tpu.memory_space<hbm>> -> memref<1x51200x128xf32, #tpu.memory_space<hbm>>
    %dma_start3A_269 = tpu.memref_squeeze %dma_start3A_268 : memref<1x51200x128xf32, #tpu.memory_space<hbm>> -> memref<51200x128xf32, #tpu.memory_space<hbm>>
    %dma_start3A_270 = arith.constant 0 : i32
    %dma_start3A_271 = arith.constant 0 : i32
    %dma_start3A_272 = tpu.memref_slice %dma_start3A_269[%dma_start3A_270, %dma_start3A_271] : memref<51200x128xf32, #tpu.memory_space<hbm>> -> memref<51200x128xf32, #tpu.memory_space<hbm>>
    tpu.enqueue_indirect_dma source(%dma_start3A_272 : memref<51200x128xf32, #tpu.memory_space<hbm>>) target(%arg9 : memref<128x128xf32, #tpu.memory_space<vmem>>) offsets(%dma_start3A_265 : memref<128xi32, #tpu.memory_space<vmem>>) semaphore(%arg10 : memref<!tpu.dma_semaphore, #tpu.memory_space<semaphore_mem>>)
    %dma_wait3A_273 = arith.constant 1 : i32
    %dma_wait3A_274 = arith.constant 2 : i32
    %dma_wait3A_275 = arith.constant 0 : i32
    %dma_wait3A_276 = tpu.memref_slice %arg5[%dma_wait3A_274, %dma_wait3A_275] : memref<4x128xi32, #tpu.memory_space<vmem>> -> memref<1x128xi32, #tpu.memory_space<vmem>>
    %dma_wait3A_277 = tpu.memref_squeeze %dma_wait3A_276 : memref<1x128xi32, #tpu.memory_space<vmem>> -> memref<128xi32, #tpu.memory_space<vmem>>
    %dma_wait3A_278 = arith.constant 0 : i32
    %dma_wait3A_279 = arith.constant 0 : i32
    %dma_wait3A_280 = tpu.memref_slice %arg2[%dma_wait3A_273, %dma_wait3A_278, %dma_wait3A_279] : memref<4x51200x128xf32, #tpu.memory_space<hbm>> -> memref<1x51200x128xf32, #tpu.memory_space<hbm>>
    %dma_wait3A_281 = tpu.memref_squeeze %dma_wait3A_280 : memref<1x51200x128xf32, #tpu.memory_space<hbm>> -> memref<51200x128xf32, #tpu.memory_space<hbm>>
    %dma_wait3A_282 = arith.constant 0 : i32
    %dma_wait3A_283 = arith.constant 0 : i32
    %dma_wait3A_284 = tpu.memref_slice %dma_wait3A_281[%dma_wait3A_282, %dma_wait3A_283] : memref<51200x128xf32, #tpu.memory_space<hbm>> -> memref<51200x128xf32, #tpu.memory_space<hbm>>
    tpu.wait_indirect_dma semaphore(%arg10 : memref<!tpu.dma_semaphore, #tpu.memory_space<semaphore_mem>>) src(%dma_wait3A_284 : memref<51200x128xf32, #tpu.memory_space<hbm>>) dst(%arg8 : memref<128x128xf32, #tpu.memory_space<vmem>>)
    %dma_start3A_285 = arith.constant 1 : i32
    %dma_start3A_286 = arith.constant 0 : i32
    %dma_start3A_287 = tpu.memref_slice %arg4[%dma_start3A_285, %add3A_18, %dma_start3A_286] : memref<4x16384x128xf32, #tpu.memory_space<hbm>> -> memref<1x128x128xf32, #tpu.memory_space<hbm>>
    %dma_start3A_288 = tpu.memref_squeeze %dma_start3A_287 : memref<1x128x128xf32, #tpu.memory_space<hbm>> -> memref<128x128xf32, #tpu.memory_space<hbm>>
    %dma_start3A_289 = arith.constant 0 : i32
    %dma_start3A_290 = tpu.memref_slice %arg4[%dma_start3A_285, %add3A_18, %dma_start3A_289] : memref<4x16384x128xf32, #tpu.memory_space<hbm>> -> memref<1x128x128xf32, #tpu.memory_space<hbm>>
    %dma_start3A_291 = tpu.memref_squeeze %dma_start3A_290 : memref<1x128x128xf32, #tpu.memory_space<hbm>> -> memref<128x128xf32, #tpu.memory_space<hbm>>
    tpu.enqueue_dma source(%arg8 : memref<128x128xf32, #tpu.memory_space<vmem>>) target(%dma_start3A_291 : memref<128x128xf32, #tpu.memory_space<hbm>>) target_semaphore(%arg11 : memref<!tpu.dma_semaphore, #tpu.memory_space<semaphore_mem>>)
    %dma_wait3A_292 = arith.constant 1 : i32
    %dma_wait3A_293 = arith.constant 0 : i32
    %dma_wait3A_294 = tpu.memref_slice %arg4[%dma_wait3A_292, %add3A_14, %dma_wait3A_293] : memref<4x16384x128xf32, #tpu.memory_space<hbm>> -> memref<1x128x128xf32, #tpu.memory_space<hbm>>
    %dma_wait3A_295 = tpu.memref_squeeze %dma_wait3A_294 : memref<1x128x128xf32, #tpu.memory_space<hbm>> -> memref<128x128xf32, #tpu.memory_space<hbm>>
    %dma_wait3A_296 = arith.constant 0 : i32
    %dma_wait3A_297 = tpu.memref_slice %arg4[%dma_wait3A_292, %add3A_14, %dma_wait3A_296] : memref<4x16384x128xf32, #tpu.memory_space<hbm>> -> memref<1x128x128xf32, #tpu.memory_space<hbm>>
    %dma_wait3A_298 = tpu.memref_squeeze %dma_wait3A_297 : memref<1x128x128xf32, #tpu.memory_space<hbm>> -> memref<128x128xf32, #tpu.memory_space<hbm>>
    tpu.wait_dma2 semaphore(%arg11 : memref<!tpu.dma_semaphore, #tpu.memory_space<semaphore_mem>>) src(%arg6 : memref<128x128xf32, #tpu.memory_space<vmem>>) dst(%dma_wait3A_298 : memref<128x128xf32, #tpu.memory_space<hbm>>)
    %dma_start3A_299 = arith.constant 2 : i32
    %dma_start3A_300 = arith.constant 0 : i32
    %dma_start3A_301 = arith.constant 0 : i32
    %dma_start3A_302 = tpu.memref_slice %arg5[%dma_start3A_300, %dma_start3A_301] : memref<4x128xi32, #tpu.memory_space<vmem>> -> memref<1x128xi32, #tpu.memory_space<vmem>>
    %dma_start3A_303 = tpu.memref_squeeze %dma_start3A_302 : memref<1x128xi32, #tpu.memory_space<vmem>> -> memref<128xi32, #tpu.memory_space<vmem>>
    %dma_start3A_304 = arith.constant 0 : i32
    %dma_start3A_305 = arith.constant 0 : i32
    %dma_start3A_306 = tpu.memref_slice %arg2[%dma_start3A_299, %dma_start3A_304, %dma_start3A_305] : memref<4x51200x128xf32, #tpu.memory_space<hbm>> -> memref<1x51200x128xf32, #tpu.memory_space<hbm>>
    %dma_start3A_307 = tpu.memref_squeeze %dma_start3A_306 : memref<1x51200x128xf32, #tpu.memory_space<hbm>> -> memref<51200x128xf32, #tpu.memory_space<hbm>>
    %dma_start3A_308 = arith.constant 0 : i32
    %dma_start3A_309 = arith.constant 0 : i32
    %dma_start3A_310 = tpu.memref_slice %dma_start3A_307[%dma_start3A_308, %dma_start3A_309] : memref<51200x128xf32, #tpu.memory_space<hbm>> -> memref<51200x128xf32, #tpu.memory_space<hbm>>
    tpu.enqueue_indirect_dma source(%dma_start3A_310 : memref<51200x128xf32, #tpu.memory_space<hbm>>) target(%arg6 : memref<128x128xf32, #tpu.memory_space<vmem>>) offsets(%dma_start3A_303 : memref<128xi32, #tpu.memory_space<vmem>>) semaphore(%arg10 : memref<!tpu.dma_semaphore, #tpu.memory_space<semaphore_mem>>)
    %dma_wait3A_311 = arith.constant 1 : i32
    %dma_wait3A_312 = arith.constant 3 : i32
    %dma_wait3A_313 = arith.constant 0 : i32
    %dma_wait3A_314 = tpu.memref_slice %arg5[%dma_wait3A_312, %dma_wait3A_313] : memref<4x128xi32, #tpu.memory_space<vmem>> -> memref<1x128xi32, #tpu.memory_space<vmem>>
    %dma_wait3A_315 = tpu.memref_squeeze %dma_wait3A_314 : memref<1x128xi32, #tpu.memory_space<vmem>> -> memref<128xi32, #tpu.memory_space<vmem>>
    %dma_wait3A_316 = arith.constant 0 : i32
    %dma_wait3A_317 = arith.constant 0 : i32
    %dma_wait3A_318 = tpu.memref_slice %arg2[%dma_wait3A_311, %dma_wait3A_316, %dma_wait3A_317] : memref<4x51200x128xf32, #tpu.memory_space<hbm>> -> memref<1x51200x128xf32, #tpu.memory_space<hbm>>
    %dma_wait3A_319 = tpu.memref_squeeze %dma_wait3A_318 : memref<1x51200x128xf32, #tpu.memory_space<hbm>> -> memref<51200x128xf32, #tpu.memory_space<hbm>>
    %dma_wait3A_320 = arith.constant 0 : i32
    %dma_wait3A_321 = arith.constant 0 : i32
    %dma_wait3A_322 = tpu.memref_slice %dma_wait3A_319[%dma_wait3A_320, %dma_wait3A_321] : memref<51200x128xf32, #tpu.memory_space<hbm>> -> memref<51200x128xf32, #tpu.memory_space<hbm>>
    tpu.wait_indirect_dma semaphore(%arg10 : memref<!tpu.dma_semaphore, #tpu.memory_space<semaphore_mem>>) src(%dma_wait3A_322 : memref<51200x128xf32, #tpu.memory_space<hbm>>) dst(%arg9 : memref<128x128xf32, #tpu.memory_space<vmem>>)
    %dma_start3A_323 = arith.constant 1 : i32
    %dma_start3A_324 = arith.constant 0 : i32
    %dma_start3A_325 = tpu.memref_slice %arg4[%dma_start3A_323, %add3A_20, %dma_start3A_324] : memref<4x16384x128xf32, #tpu.memory_space<hbm>> -> memref<1x128x128xf32, #tpu.memory_space<hbm>>
    %dma_start3A_326 = tpu.memref_squeeze %dma_start3A_325 : memref<1x128x128xf32, #tpu.memory_space<hbm>> -> memref<128x128xf32, #tpu.memory_space<hbm>>
    %dma_start3A_327 = arith.constant 0 : i32
    %dma_start3A_328 = tpu.memref_slice %arg4[%dma_start3A_323, %add3A_20, %dma_start3A_327] : memref<4x16384x128xf32, #tpu.memory_space<hbm>> -> memref<1x128x128xf32, #tpu.memory_space<hbm>>
    %dma_start3A_329 = tpu.memref_squeeze %dma_start3A_328 : memref<1x128x128xf32, #tpu.memory_space<hbm>> -> memref<128x128xf32, #tpu.memory_space<hbm>>
    tpu.enqueue_dma source(%arg9 : memref<128x128xf32, #tpu.memory_space<vmem>>) target(%dma_start3A_329 : memref<128x128xf32, #tpu.memory_space<hbm>>) target_semaphore(%arg11 : memref<!tpu.dma_semaphore, #tpu.memory_space<semaphore_mem>>)
    %dma_wait3A_330 = arith.constant 1 : i32
    %dma_wait3A_331 = arith.constant 0 : i32
    %dma_wait3A_332 = tpu.memref_slice %arg4[%dma_wait3A_330, %add3A_16, %dma_wait3A_331] : memref<4x16384x128xf32, #tpu.memory_space<hbm>> -> memref<1x128x128xf32, #tpu.memory_space<hbm>>
    %dma_wait3A_333 = tpu.memref_squeeze %dma_wait3A_332 : memref<1x128x128xf32, #tpu.memory_space<hbm>> -> memref<128x128xf32, #tpu.memory_space<hbm>>
    %dma_wait3A_334 = arith.constant 0 : i32
    %dma_wait3A_335 = tpu.memref_slice %arg4[%dma_wait3A_330, %add3A_16, %dma_wait3A_334] : memref<4x16384x128xf32, #tpu.memory_space<hbm>> -> memref<1x128x128xf32, #tpu.memory_space<hbm>>
    %dma_wait3A_336 = tpu.memref_squeeze %dma_wait3A_335 : memref<1x128x128xf32, #tpu.memory_space<hbm>> -> memref<128x128xf32, #tpu.memory_space<hbm>>
    tpu.wait_dma2 semaphore(%arg11 : memref<!tpu.dma_semaphore, #tpu.memory_space<semaphore_mem>>) src(%arg7 : memref<128x128xf32, #tpu.memory_space<vmem>>) dst(%dma_wait3A_336 : memref<128x128xf32, #tpu.memory_space<hbm>>)
    %dma_start3A_337 = arith.constant 2 : i32
    %dma_start3A_338 = arith.constant 1 : i32
    %dma_start3A_339 = arith.constant 0 : i32
    %dma_start3A_340 = tpu.memref_slice %arg5[%dma_start3A_338, %dma_start3A_339] : memref<4x128xi32, #tpu.memory_space<vmem>> -> memref<1x128xi32, #tpu.memory_space<vmem>>
    %dma_start3A_341 = tpu.memref_squeeze %dma_start3A_340 : memref<1x128xi32, #tpu.memory_space<vmem>> -> memref<128xi32, #tpu.memory_space<vmem>>
    %dma_start3A_342 = arith.constant 0 : i32
    %dma_start3A_343 = arith.constant 0 : i32
    %dma_start3A_344 = tpu.memref_slice %arg2[%dma_start3A_337, %dma_start3A_342, %dma_start3A_343] : memref<4x51200x128xf32, #tpu.memory_space<hbm>> -> memref<1x51200x128xf32, #tpu.memory_space<hbm>>
    %dma_start3A_345 = tpu.memref_squeeze %dma_start3A_344 : memref<1x51200x128xf32, #tpu.memory_space<hbm>> -> memref<51200x128xf32, #tpu.memory_space<hbm>>
    %dma_start3A_346 = arith.constant 0 : i32
    %dma_start3A_347 = arith.constant 0 : i32
    %dma_start3A_348 = tpu.memref_slice %dma_start3A_345[%dma_start3A_346, %dma_start3A_347] : memref<51200x128xf32, #tpu.memory_space<hbm>> -> memref<51200x128xf32, #tpu.memory_space<hbm>>
    tpu.enqueue_indirect_dma source(%dma_start3A_348 : memref<51200x128xf32, #tpu.memory_space<hbm>>) target(%arg7 : memref<128x128xf32, #tpu.memory_space<vmem>>) offsets(%dma_start3A_341 : memref<128xi32, #tpu.memory_space<vmem>>) semaphore(%arg10 : memref<!tpu.dma_semaphore, #tpu.memory_space<semaphore_mem>>)
    %dma_wait3A_349 = arith.constant 2 : i32
    %dma_wait3A_350 = arith.constant 0 : i32
    %dma_wait3A_351 = arith.constant 0 : i32
    %dma_wait3A_352 = tpu.memref_slice %arg5[%dma_wait3A_350, %dma_wait3A_351] : memref<4x128xi32, #tpu.memory_space<vmem>> -> memref<1x128xi32, #tpu.memory_space<vmem>>
    %dma_wait3A_353 = tpu.memref_squeeze %dma_wait3A_352 : memref<1x128xi32, #tpu.memory_space<vmem>> -> memref<128xi32, #tpu.memory_space<vmem>>
    %dma_wait3A_354 = arith.constant 0 : i32
    %dma_wait3A_355 = arith.constant 0 : i32
    %dma_wait3A_356 = tpu.memref_slice %arg2[%dma_wait3A_349, %dma_wait3A_354, %dma_wait3A_355] : memref<4x51200x128xf32, #tpu.memory_space<hbm>> -> memref<1x51200x128xf32, #tpu.memory_space<hbm>>
    %dma_wait3A_357 = tpu.memref_squeeze %dma_wait3A_356 : memref<1x51200x128xf32, #tpu.memory_space<hbm>> -> memref<51200x128xf32, #tpu.memory_space<hbm>>
    %dma_wait3A_358 = arith.constant 0 : i32
    %dma_wait3A_359 = arith.constant 0 : i32
    %dma_wait3A_360 = tpu.memref_slice %dma_wait3A_357[%dma_wait3A_358, %dma_wait3A_359] : memref<51200x128xf32, #tpu.memory_space<hbm>> -> memref<51200x128xf32, #tpu.memory_space<hbm>>
    tpu.wait_indirect_dma semaphore(%arg10 : memref<!tpu.dma_semaphore, #tpu.memory_space<semaphore_mem>>) src(%dma_wait3A_360 : memref<51200x128xf32, #tpu.memory_space<hbm>>) dst(%arg6 : memref<128x128xf32, #tpu.memory_space<vmem>>)
    %dma_start3A_361 = arith.constant 2 : i32
    %dma_start3A_362 = arith.constant 0 : i32
    %dma_start3A_363 = tpu.memref_slice %arg4[%dma_start3A_361, %add3A_22, %dma_start3A_362] : memref<4x16384x128xf32, #tpu.memory_space<hbm>> -> memref<1x128x128xf32, #tpu.memory_space<hbm>>
    %dma_start3A_364 = tpu.memref_squeeze %dma_start3A_363 : memref<1x128x128xf32, #tpu.memory_space<hbm>> -> memref<128x128xf32, #tpu.memory_space<hbm>>
    %dma_start3A_365 = arith.constant 0 : i32
    %dma_start3A_366 = tpu.memref_slice %arg4[%dma_start3A_361, %add3A_22, %dma_start3A_365] : memref<4x16384x128xf32, #tpu.memory_space<hbm>> -> memref<1x128x128xf32, #tpu.memory_space<hbm>>
    %dma_start3A_367 = tpu.memref_squeeze %dma_start3A_366 : memref<1x128x128xf32, #tpu.memory_space<hbm>> -> memref<128x128xf32, #tpu.memory_space<hbm>>
    tpu.enqueue_dma source(%arg6 : memref<128x128xf32, #tpu.memory_space<vmem>>) target(%dma_start3A_367 : memref<128x128xf32, #tpu.memory_space<hbm>>) target_semaphore(%arg11 : memref<!tpu.dma_semaphore, #tpu.memory_space<semaphore_mem>>)
    %dma_wait3A_368 = arith.constant 1 : i32
    %dma_wait3A_369 = arith.constant 0 : i32
    %dma_wait3A_370 = tpu.memref_slice %arg4[%dma_wait3A_368, %add3A_18, %dma_wait3A_369] : memref<4x16384x128xf32, #tpu.memory_space<hbm>> -> memref<1x128x128xf32, #tpu.memory_space<hbm>>
    %dma_wait3A_371 = tpu.memref_squeeze %dma_wait3A_370 : memref<1x128x128xf32, #tpu.memory_space<hbm>> -> memref<128x128xf32, #tpu.memory_space<hbm>>
    %dma_wait3A_372 = arith.constant 0 : i32
    %dma_wait3A_373 = tpu.memref_slice %arg4[%dma_wait3A_368, %add3A_18, %dma_wait3A_372] : memref<4x16384x128xf32, #tpu.memory_space<hbm>> -> memref<1x128x128xf32, #tpu.memory_space<hbm>>
    %dma_wait3A_374 = tpu.memref_squeeze %dma_wait3A_373 : memref<1x128x128xf32, #tpu.memory_space<hbm>> -> memref<128x128xf32, #tpu.memory_space<hbm>>
    tpu.wait_dma2 semaphore(%arg11 : memref<!tpu.dma_semaphore, #tpu.memory_space<semaphore_mem>>) src(%arg8 : memref<128x128xf32, #tpu.memory_space<vmem>>) dst(%dma_wait3A_374 : memref<128x128xf32, #tpu.memory_space<hbm>>)
    %dma_start3A_375 = arith.constant 2 : i32
    %dma_start3A_376 = arith.constant 2 : i32
    %dma_start3A_377 = arith.constant 0 : i32
    %dma_start3A_378 = tpu.memref_slice %arg5[%dma_start3A_376, %dma_start3A_377] : memref<4x128xi32, #tpu.memory_space<vmem>> -> memref<1x128xi32, #tpu.memory_space<vmem>>
    %dma_start3A_379 = tpu.memref_squeeze %dma_start3A_378 : memref<1x128xi32, #tpu.memory_space<vmem>> -> memref<128xi32, #tpu.memory_space<vmem>>
    %dma_start3A_380 = arith.constant 0 : i32
    %dma_start3A_381 = arith.constant 0 : i32
    %dma_start3A_382 = tpu.memref_slice %arg2[%dma_start3A_375, %dma_start3A_380, %dma_start3A_381] : memref<4x51200x128xf32, #tpu.memory_space<hbm>> -> memref<1x51200x128xf32, #tpu.memory_space<hbm>>
    %dma_start3A_383 = tpu.memref_squeeze %dma_start3A_382 : memref<1x51200x128xf32, #tpu.memory_space<hbm>> -> memref<51200x128xf32, #tpu.memory_space<hbm>>
    %dma_start3A_384 = arith.constant 0 : i32
    %dma_start3A_385 = arith.constant 0 : i32
    %dma_start3A_386 = tpu.memref_slice %dma_start3A_383[%dma_start3A_384, %dma_start3A_385] : memref<51200x128xf32, #tpu.memory_space<hbm>> -> memref<51200x128xf32, #tpu.memory_space<hbm>>
    tpu.enqueue_indirect_dma source(%dma_start3A_386 : memref<51200x128xf32, #tpu.memory_space<hbm>>) target(%arg8 : memref<128x128xf32, #tpu.memory_space<vmem>>) offsets(%dma_start3A_379 : memref<128xi32, #tpu.memory_space<vmem>>) semaphore(%arg10 : memref<!tpu.dma_semaphore, #tpu.memory_space<semaphore_mem>>)
    %dma_wait3A_387 = arith.constant 2 : i32
    %dma_wait3A_388 = arith.constant 1 : i32
    %dma_wait3A_389 = arith.constant 0 : i32
    %dma_wait3A_390 = tpu.memref_slice %arg5[%dma_wait3A_388, %dma_wait3A_389] : memref<4x128xi32, #tpu.memory_space<vmem>> -> memref<1x128xi32, #tpu.memory_space<vmem>>
    %dma_wait3A_391 = tpu.memref_squeeze %dma_wait3A_390 : memref<1x128xi32, #tpu.memory_space<vmem>> -> memref<128xi32, #tpu.memory_space<vmem>>
    %dma_wait3A_392 = arith.constant 0 : i32
    %dma_wait3A_393 = arith.constant 0 : i32
    %dma_wait3A_394 = tpu.memref_slice %arg2[%dma_wait3A_387, %dma_wait3A_392, %dma_wait3A_393] : memref<4x51200x128xf32, #tpu.memory_space<hbm>> -> memref<1x51200x128xf32, #tpu.memory_space<hbm>>
    %dma_wait3A_395 = tpu.memref_squeeze %dma_wait3A_394 : memref<1x51200x128xf32, #tpu.memory_space<hbm>> -> memref<51200x128xf32, #tpu.memory_space<hbm>>
    %dma_wait3A_396 = arith.constant 0 : i32
    %dma_wait3A_397 = arith.constant 0 : i32
    %dma_wait3A_398 = tpu.memref_slice %dma_wait3A_395[%dma_wait3A_396, %dma_wait3A_397] : memref<51200x128xf32, #tpu.memory_space<hbm>> -> memref<51200x128xf32, #tpu.memory_space<hbm>>
    tpu.wait_indirect_dma semaphore(%arg10 : memref<!tpu.dma_semaphore, #tpu.memory_space<semaphore_mem>>) src(%dma_wait3A_398 : memref<51200x128xf32, #tpu.memory_space<hbm>>) dst(%arg7 : memref<128x128xf32, #tpu.memory_space<vmem>>)
    %dma_start3A_399 = arith.constant 2 : i32
    %dma_start3A_400 = arith.constant 0 : i32
    %dma_start3A_401 = tpu.memref_slice %arg4[%dma_start3A_399, %add3A_24, %dma_start3A_400] : memref<4x16384x128xf32, #tpu.memory_space<hbm>> -> memref<1x128x128xf32, #tpu.memory_space<hbm>>
    %dma_start3A_402 = tpu.memref_squeeze %dma_start3A_401 : memref<1x128x128xf32, #tpu.memory_space<hbm>> -> memref<128x128xf32, #tpu.memory_space<hbm>>
    %dma_start3A_403 = arith.constant 0 : i32
    %dma_start3A_404 = tpu.memref_slice %arg4[%dma_start3A_399, %add3A_24, %dma_start3A_403] : memref<4x16384x128xf32, #tpu.memory_space<hbm>> -> memref<1x128x128xf32, #tpu.memory_space<hbm>>
    %dma_start3A_405 = tpu.memref_squeeze %dma_start3A_404 : memref<1x128x128xf32, #tpu.memory_space<hbm>> -> memref<128x128xf32, #tpu.memory_space<hbm>>
    tpu.enqueue_dma source(%arg7 : memref<128x128xf32, #tpu.memory_space<vmem>>) target(%dma_start3A_405 : memref<128x128xf32, #tpu.memory_space<hbm>>) target_semaphore(%arg11 : memref<!tpu.dma_semaphore, #tpu.memory_space<semaphore_mem>>)
    %dma_wait3A_406 = arith.constant 1 : i32
    %dma_wait3A_407 = arith.constant 0 : i32
    %dma_wait3A_408 = tpu.memref_slice %arg4[%dma_wait3A_406, %add3A_20, %dma_wait3A_407] : memref<4x16384x128xf32, #tpu.memory_space<hbm>> -> memref<1x128x128xf32, #tpu.memory_space<hbm>>
    %dma_wait3A_409 = tpu.memref_squeeze %dma_wait3A_408 : memref<1x128x128xf32, #tpu.memory_space<hbm>> -> memref<128x128xf32, #tpu.memory_space<hbm>>
    %dma_wait3A_410 = arith.constant 0 : i32
    %dma_wait3A_411 = tpu.memref_slice %arg4[%dma_wait3A_406, %add3A_20, %dma_wait3A_410] : memref<4x16384x128xf32, #tpu.memory_space<hbm>> -> memref<1x128x128xf32, #tpu.memory_space<hbm>>
    %dma_wait3A_412 = tpu.memref_squeeze %dma_wait3A_411 : memref<1x128x128xf32, #tpu.memory_space<hbm>> -> memref<128x128xf32, #tpu.memory_space<hbm>>
    tpu.wait_dma2 semaphore(%arg11 : memref<!tpu.dma_semaphore, #tpu.memory_space<semaphore_mem>>) src(%arg9 : memref<128x128xf32, #tpu.memory_space<vmem>>) dst(%dma_wait3A_412 : memref<128x128xf32, #tpu.memory_space<hbm>>)
    %dma_start3A_413 = arith.constant 2 : i32
    %dma_start3A_414 = arith.constant 3 : i32
    %dma_start3A_415 = arith.constant 0 : i32
    %dma_start3A_416 = tpu.memref_slice %arg5[%dma_start3A_414, %dma_start3A_415] : memref<4x128xi32, #tpu.memory_space<vmem>> -> memref<1x128xi32, #tpu.memory_space<vmem>>
    %dma_start3A_417 = tpu.memref_squeeze %dma_start3A_416 : memref<1x128xi32, #tpu.memory_space<vmem>> -> memref<128xi32, #tpu.memory_space<vmem>>
    %dma_start3A_418 = arith.constant 0 : i32
    %dma_start3A_419 = arith.constant 0 : i32
    %dma_start3A_420 = tpu.memref_slice %arg2[%dma_start3A_413, %dma_start3A_418, %dma_start3A_419] : memref<4x51200x128xf32, #tpu.memory_space<hbm>> -> memref<1x51200x128xf32, #tpu.memory_space<hbm>>
    %dma_start3A_421 = tpu.memref_squeeze %dma_start3A_420 : memref<1x51200x128xf32, #tpu.memory_space<hbm>> -> memref<51200x128xf32, #tpu.memory_space<hbm>>
    %dma_start3A_422 = arith.constant 0 : i32
    %dma_start3A_423 = arith.constant 0 : i32
    %dma_start3A_424 = tpu.memref_slice %dma_start3A_421[%dma_start3A_422, %dma_start3A_423] : memref<51200x128xf32, #tpu.memory_space<hbm>> -> memref<51200x128xf32, #tpu.memory_space<hbm>>
    tpu.enqueue_indirect_dma source(%dma_start3A_424 : memref<51200x128xf32, #tpu.memory_space<hbm>>) target(%arg9 : memref<128x128xf32, #tpu.memory_space<vmem>>) offsets(%dma_start3A_417 : memref<128xi32, #tpu.memory_space<vmem>>) semaphore(%arg10 : memref<!tpu.dma_semaphore, #tpu.memory_space<semaphore_mem>>)
    %dma_wait3A_425 = arith.constant 2 : i32
    %dma_wait3A_426 = arith.constant 2 : i32
    %dma_wait3A_427 = arith.constant 0 : i32
    %dma_wait3A_428 = tpu.memref_slice %arg5[%dma_wait3A_426, %dma_wait3A_427] : memref<4x128xi32, #tpu.memory_space<vmem>> -> memref<1x128xi32, #tpu.memory_space<vmem>>
    %dma_wait3A_429 = tpu.memref_squeeze %dma_wait3A_428 : memref<1x128xi32, #tpu.memory_space<vmem>> -> memref<128xi32, #tpu.memory_space<vmem>>
    %dma_wait3A_430 = arith.constant 0 : i32
    %dma_wait3A_431 = arith.constant 0 : i32
    %dma_wait3A_432 = tpu.memref_slice %arg2[%dma_wait3A_425, %dma_wait3A_430, %dma_wait3A_431] : memref<4x51200x128xf32, #tpu.memory_space<hbm>> -> memref<1x51200x128xf32, #tpu.memory_space<hbm>>
    %dma_wait3A_433 = tpu.memref_squeeze %dma_wait3A_432 : memref<1x51200x128xf32, #tpu.memory_space<hbm>> -> memref<51200x128xf32, #tpu.memory_space<hbm>>
    %dma_wait3A_434 = arith.constant 0 : i32
    %dma_wait3A_435 = arith.constant 0 : i32
    %dma_wait3A_436 = tpu.memref_slice %dma_wait3A_433[%dma_wait3A_434, %dma_wait3A_435] : memref<51200x128xf32, #tpu.memory_space<hbm>> -> memref<51200x128xf32, #tpu.memory_space<hbm>>
    tpu.wait_indirect_dma semaphore(%arg10 : memref<!tpu.dma_semaphore, #tpu.memory_space<semaphore_mem>>) src(%dma_wait3A_436 : memref<51200x128xf32, #tpu.memory_space<hbm>>) dst(%arg8 : memref<128x128xf32, #tpu.memory_space<vmem>>)
    %dma_start3A_437 = arith.constant 2 : i32
    %dma_start3A_438 = arith.constant 0 : i32
    %dma_start3A_439 = tpu.memref_slice %arg4[%dma_start3A_437, %add3A_26, %dma_start3A_438] : memref<4x16384x128xf32, #tpu.memory_space<hbm>> -> memref<1x128x128xf32, #tpu.memory_space<hbm>>
    %dma_start3A_440 = tpu.memref_squeeze %dma_start3A_439 : memref<1x128x128xf32, #tpu.memory_space<hbm>> -> memref<128x128xf32, #tpu.memory_space<hbm>>
    %dma_start3A_441 = arith.constant 0 : i32
    %dma_start3A_442 = tpu.memref_slice %arg4[%dma_start3A_437, %add3A_26, %dma_start3A_441] : memref<4x16384x128xf32, #tpu.memory_space<hbm>> -> memref<1x128x128xf32, #tpu.memory_space<hbm>>
    %dma_start3A_443 = tpu.memref_squeeze %dma_start3A_442 : memref<1x128x128xf32, #tpu.memory_space<hbm>> -> memref<128x128xf32, #tpu.memory_space<hbm>>
    tpu.enqueue_dma source(%arg8 : memref<128x128xf32, #tpu.memory_space<vmem>>) target(%dma_start3A_443 : memref<128x128xf32, #tpu.memory_space<hbm>>) target_semaphore(%arg11 : memref<!tpu.dma_semaphore, #tpu.memory_space<semaphore_mem>>)
    %dma_wait3A_444 = arith.constant 2 : i32
    %dma_wait3A_445 = arith.constant 0 : i32
    %dma_wait3A_446 = tpu.memref_slice %arg4[%dma_wait3A_444, %add3A_22, %dma_wait3A_445] : memref<4x16384x128xf32, #tpu.memory_space<hbm>> -> memref<1x128x128xf32, #tpu.memory_space<hbm>>
    %dma_wait3A_447 = tpu.memref_squeeze %dma_wait3A_446 : memref<1x128x128xf32, #tpu.memory_space<hbm>> -> memref<128x128xf32, #tpu.memory_space<hbm>>
    %dma_wait3A_448 = arith.constant 0 : i32
    %dma_wait3A_449 = tpu.memref_slice %arg4[%dma_wait3A_444, %add3A_22, %dma_wait3A_448] : memref<4x16384x128xf32, #tpu.memory_space<hbm>> -> memref<1x128x128xf32, #tpu.memory_space<hbm>>
    %dma_wait3A_450 = tpu.memref_squeeze %dma_wait3A_449 : memref<1x128x128xf32, #tpu.memory_space<hbm>> -> memref<128x128xf32, #tpu.memory_space<hbm>>
    tpu.wait_dma2 semaphore(%arg11 : memref<!tpu.dma_semaphore, #tpu.memory_space<semaphore_mem>>) src(%arg6 : memref<128x128xf32, #tpu.memory_space<vmem>>) dst(%dma_wait3A_450 : memref<128x128xf32, #tpu.memory_space<hbm>>)
    %dma_start3A_451 = arith.constant 3 : i32
    %dma_start3A_452 = arith.constant 0 : i32
    %dma_start3A_453 = arith.constant 0 : i32
    %dma_start3A_454 = tpu.memref_slice %arg5[%dma_start3A_452, %dma_start3A_453] : memref<4x128xi32, #tpu.memory_space<vmem>> -> memref<1x128xi32, #tpu.memory_space<vmem>>
    %dma_start3A_455 = tpu.memref_squeeze %dma_start3A_454 : memref<1x128xi32, #tpu.memory_space<vmem>> -> memref<128xi32, #tpu.memory_space<vmem>>
    %dma_start3A_456 = arith.constant 0 : i32
    %dma_start3A_457 = arith.constant 0 : i32
    %dma_start3A_458 = tpu.memref_slice %arg2[%dma_start3A_451, %dma_start3A_456, %dma_start3A_457] : memref<4x51200x128xf32, #tpu.memory_space<hbm>> -> memref<1x51200x128xf32, #tpu.memory_space<hbm>>
    %dma_start3A_459 = tpu.memref_squeeze %dma_start3A_458 : memref<1x51200x128xf32, #tpu.memory_space<hbm>> -> memref<51200x128xf32, #tpu.memory_space<hbm>>
    %dma_start3A_460 = arith.constant 0 : i32
    %dma_start3A_461 = arith.constant 0 : i32
    %dma_start3A_462 = tpu.memref_slice %dma_start3A_459[%dma_start3A_460, %dma_start3A_461] : memref<51200x128xf32, #tpu.memory_space<hbm>> -> memref<51200x128xf32, #tpu.memory_space<hbm>>
    tpu.enqueue_indirect_dma source(%dma_start3A_462 : memref<51200x128xf32, #tpu.memory_space<hbm>>) target(%arg6 : memref<128x128xf32, #tpu.memory_space<vmem>>) offsets(%dma_start3A_455 : memref<128xi32, #tpu.memory_space<vmem>>) semaphore(%arg10 : memref<!tpu.dma_semaphore, #tpu.memory_space<semaphore_mem>>)
    %dma_wait3A_463 = arith.constant 2 : i32
    %dma_wait3A_464 = arith.constant 3 : i32
    %dma_wait3A_465 = arith.constant 0 : i32
    %dma_wait3A_466 = tpu.memref_slice %arg5[%dma_wait3A_464, %dma_wait3A_465] : memref<4x128xi32, #tpu.memory_space<vmem>> -> memref<1x128xi32, #tpu.memory_space<vmem>>
    %dma_wait3A_467 = tpu.memref_squeeze %dma_wait3A_466 : memref<1x128xi32, #tpu.memory_space<vmem>> -> memref<128xi32, #tpu.memory_space<vmem>>
    %dma_wait3A_468 = arith.constant 0 : i32
    %dma_wait3A_469 = arith.constant 0 : i32
    %dma_wait3A_470 = tpu.memref_slice %arg2[%dma_wait3A_463, %dma_wait3A_468, %dma_wait3A_469] : memref<4x51200x128xf32, #tpu.memory_space<hbm>> -> memref<1x51200x128xf32, #tpu.memory_space<hbm>>
    %dma_wait3A_471 = tpu.memref_squeeze %dma_wait3A_470 : memref<1x51200x128xf32, #tpu.memory_space<hbm>> -> memref<51200x128xf32, #tpu.memory_space<hbm>>
    %dma_wait3A_472 = arith.constant 0 : i32
    %dma_wait3A_473 = arith.constant 0 : i32
    %dma_wait3A_474 = tpu.memref_slice %dma_wait3A_471[%dma_wait3A_472, %dma_wait3A_473] : memref<51200x128xf32, #tpu.memory_space<hbm>> -> memref<51200x128xf32, #tpu.memory_space<hbm>>
    tpu.wait_indirect_dma semaphore(%arg10 : memref<!tpu.dma_semaphore, #tpu.memory_space<semaphore_mem>>) src(%dma_wait3A_474 : memref<51200x128xf32, #tpu.memory_space<hbm>>) dst(%arg9 : memref<128x128xf32, #tpu.memory_space<vmem>>)
    %dma_start3A_475 = arith.constant 2 : i32
    %dma_start3A_476 = arith.constant 0 : i32
    %dma_start3A_477 = tpu.memref_slice %arg4[%dma_start3A_475, %add3A_28, %dma_start3A_476] : memref<4x16384x128xf32, #tpu.memory_space<hbm>> -> memref<1x128x128xf32, #tpu.memory_space<hbm>>
    %dma_start3A_478 = tpu.memref_squeeze %dma_start3A_477 : memref<1x128x128xf32, #tpu.memory_space<hbm>> -> memref<128x128xf32, #tpu.memory_space<hbm>>
    %dma_start3A_479 = arith.constant 0 : i32
    %dma_start3A_480 = tpu.memref_slice %arg4[%dma_start3A_475, %add3A_28, %dma_start3A_479] : memref<4x16384x128xf32, #tpu.memory_space<hbm>> -> memref<1x128x128xf32, #tpu.memory_space<hbm>>
    %dma_start3A_481 = tpu.memref_squeeze %dma_start3A_480 : memref<1x128x128xf32, #tpu.memory_space<hbm>> -> memref<128x128xf32, #tpu.memory_space<hbm>>
    tpu.enqueue_dma source(%arg9 : memref<128x128xf32, #tpu.memory_space<vmem>>) target(%dma_start3A_481 : memref<128x128xf32, #tpu.memory_space<hbm>>) target_semaphore(%arg11 : memref<!tpu.dma_semaphore, #tpu.memory_space<semaphore_mem>>)
    %dma_wait3A_482 = arith.constant 2 : i32
    %dma_wait3A_483 = arith.constant 0 : i32
    %dma_wait3A_484 = tpu.memref_slice %arg4[%dma_wait3A_482, %add3A_24, %dma_wait3A_483] : memref<4x16384x128xf32, #tpu.memory_space<hbm>> -> memref<1x128x128xf32, #tpu.memory_space<hbm>>
    %dma_wait3A_485 = tpu.memref_squeeze %dma_wait3A_484 : memref<1x128x128xf32, #tpu.memory_space<hbm>> -> memref<128x128xf32, #tpu.memory_space<hbm>>
    %dma_wait3A_486 = arith.constant 0 : i32
    %dma_wait3A_487 = tpu.memref_slice %arg4[%dma_wait3A_482, %add3A_24, %dma_wait3A_486] : memref<4x16384x128xf32, #tpu.memory_space<hbm>> -> memref<1x128x128xf32, #tpu.memory_space<hbm>>
    %dma_wait3A_488 = tpu.memref_squeeze %dma_wait3A_487 : memref<1x128x128xf32, #tpu.memory_space<hbm>> -> memref<128x128xf32, #tpu.memory_space<hbm>>
    tpu.wait_dma2 semaphore(%arg11 : memref<!tpu.dma_semaphore, #tpu.memory_space<semaphore_mem>>) src(%arg7 : memref<128x128xf32, #tpu.memory_space<vmem>>) dst(%dma_wait3A_488 : memref<128x128xf32, #tpu.memory_space<hbm>>)
    %dma_start3A_489 = arith.constant 3 : i32
    %dma_start3A_490 = arith.constant 1 : i32
    %dma_start3A_491 = arith.constant 0 : i32
    %dma_start3A_492 = tpu.memref_slice %arg5[%dma_start3A_490, %dma_start3A_491] : memref<4x128xi32, #tpu.memory_space<vmem>> -> memref<1x128xi32, #tpu.memory_space<vmem>>
    %dma_start3A_493 = tpu.memref_squeeze %dma_start3A_492 : memref<1x128xi32, #tpu.memory_space<vmem>> -> memref<128xi32, #tpu.memory_space<vmem>>
    %dma_start3A_494 = arith.constant 0 : i32
    %dma_start3A_495 = arith.constant 0 : i32
    %dma_start3A_496 = tpu.memref_slice %arg2[%dma_start3A_489, %dma_start3A_494, %dma_start3A_495] : memref<4x51200x128xf32, #tpu.memory_space<hbm>> -> memref<1x51200x128xf32, #tpu.memory_space<hbm>>
    %dma_start3A_497 = tpu.memref_squeeze %dma_start3A_496 : memref<1x51200x128xf32, #tpu.memory_space<hbm>> -> memref<51200x128xf32, #tpu.memory_space<hbm>>
    %dma_start3A_498 = arith.constant 0 : i32
    %dma_start3A_499 = arith.constant 0 : i32
    %dma_start3A_500 = tpu.memref_slice %dma_start3A_497[%dma_start3A_498, %dma_start3A_499] : memref<51200x128xf32, #tpu.memory_space<hbm>> -> memref<51200x128xf32, #tpu.memory_space<hbm>>
    tpu.enqueue_indirect_dma source(%dma_start3A_500 : memref<51200x128xf32, #tpu.memory_space<hbm>>) target(%arg7 : memref<128x128xf32, #tpu.memory_space<vmem>>) offsets(%dma_start3A_493 : memref<128xi32, #tpu.memory_space<vmem>>) semaphore(%arg10 : memref<!tpu.dma_semaphore, #tpu.memory_space<semaphore_mem>>)
    %dma_wait3A_501 = arith.constant 3 : i32
    %dma_wait3A_502 = arith.constant 0 : i32
    %dma_wait3A_503 = arith.constant 0 : i32
    %dma_wait3A_504 = tpu.memref_slice %arg5[%dma_wait3A_502, %dma_wait3A_503] : memref<4x128xi32, #tpu.memory_space<vmem>> -> memref<1x128xi32, #tpu.memory_space<vmem>>
    %dma_wait3A_505 = tpu.memref_squeeze %dma_wait3A_504 : memref<1x128xi32, #tpu.memory_space<vmem>> -> memref<128xi32, #tpu.memory_space<vmem>>
    %dma_wait3A_506 = arith.constant 0 : i32
    %dma_wait3A_507 = arith.constant 0 : i32
    %dma_wait3A_508 = tpu.memref_slice %arg2[%dma_wait3A_501, %dma_wait3A_506, %dma_wait3A_507] : memref<4x51200x128xf32, #tpu.memory_space<hbm>> -> memref<1x51200x128xf32, #tpu.memory_space<hbm>>
    %dma_wait3A_509 = tpu.memref_squeeze %dma_wait3A_508 : memref<1x51200x128xf32, #tpu.memory_space<hbm>> -> memref<51200x128xf32, #tpu.memory_space<hbm>>
    %dma_wait3A_510 = arith.constant 0 : i32
    %dma_wait3A_511 = arith.constant 0 : i32
    %dma_wait3A_512 = tpu.memref_slice %dma_wait3A_509[%dma_wait3A_510, %dma_wait3A_511] : memref<51200x128xf32, #tpu.memory_space<hbm>> -> memref<51200x128xf32, #tpu.memory_space<hbm>>
    tpu.wait_indirect_dma semaphore(%arg10 : memref<!tpu.dma_semaphore, #tpu.memory_space<semaphore_mem>>) src(%dma_wait3A_512 : memref<51200x128xf32, #tpu.memory_space<hbm>>) dst(%arg6 : memref<128x128xf32, #tpu.memory_space<vmem>>)
    %dma_start3A_513 = arith.constant 3 : i32
    %dma_start3A_514 = arith.constant 0 : i32
    %dma_start3A_515 = tpu.memref_slice %arg4[%dma_start3A_513, %add3A_30, %dma_start3A_514] : memref<4x16384x128xf32, #tpu.memory_space<hbm>> -> memref<1x128x128xf32, #tpu.memory_space<hbm>>
    %dma_start3A_516 = tpu.memref_squeeze %dma_start3A_515 : memref<1x128x128xf32, #tpu.memory_space<hbm>> -> memref<128x128xf32, #tpu.memory_space<hbm>>
    %dma_start3A_517 = arith.constant 0 : i32
    %dma_start3A_518 = tpu.memref_slice %arg4[%dma_start3A_513, %add3A_30, %dma_start3A_517] : memref<4x16384x128xf32, #tpu.memory_space<hbm>> -> memref<1x128x128xf32, #tpu.memory_space<hbm>>
    %dma_start3A_519 = tpu.memref_squeeze %dma_start3A_518 : memref<1x128x128xf32, #tpu.memory_space<hbm>> -> memref<128x128xf32, #tpu.memory_space<hbm>>
    tpu.enqueue_dma source(%arg6 : memref<128x128xf32, #tpu.memory_space<vmem>>) target(%dma_start3A_519 : memref<128x128xf32, #tpu.memory_space<hbm>>) target_semaphore(%arg11 : memref<!tpu.dma_semaphore, #tpu.memory_space<semaphore_mem>>)
    %dma_wait3A_520 = arith.constant 2 : i32
    %dma_wait3A_521 = arith.constant 0 : i32
    %dma_wait3A_522 = tpu.memref_slice %arg4[%dma_wait3A_520, %add3A_26, %dma_wait3A_521] : memref<4x16384x128xf32, #tpu.memory_space<hbm>> -> memref<1x128x128xf32, #tpu.memory_space<hbm>>
    %dma_wait3A_523 = tpu.memref_squeeze %dma_wait3A_522 : memref<1x128x128xf32, #tpu.memory_space<hbm>> -> memref<128x128xf32, #tpu.memory_space<hbm>>
    %dma_wait3A_524 = arith.constant 0 : i32
    %dma_wait3A_525 = tpu.memref_slice %arg4[%dma_wait3A_520, %add3A_26, %dma_wait3A_524] : memref<4x16384x128xf32, #tpu.memory_space<hbm>> -> memref<1x128x128xf32, #tpu.memory_space<hbm>>
    %dma_wait3A_526 = tpu.memref_squeeze %dma_wait3A_525 : memref<1x128x128xf32, #tpu.memory_space<hbm>> -> memref<128x128xf32, #tpu.memory_space<hbm>>
    tpu.wait_dma2 semaphore(%arg11 : memref<!tpu.dma_semaphore, #tpu.memory_space<semaphore_mem>>) src(%arg8 : memref<128x128xf32, #tpu.memory_space<vmem>>) dst(%dma_wait3A_526 : memref<128x128xf32, #tpu.memory_space<hbm>>)
    %dma_start3A_527 = arith.constant 3 : i32
    %dma_start3A_528 = arith.constant 2 : i32
    %dma_start3A_529 = arith.constant 0 : i32
    %dma_start3A_530 = tpu.memref_slice %arg5[%dma_start3A_528, %dma_start3A_529] : memref<4x128xi32, #tpu.memory_space<vmem>> -> memref<1x128xi32, #tpu.memory_space<vmem>>
    %dma_start3A_531 = tpu.memref_squeeze %dma_start3A_530 : memref<1x128xi32, #tpu.memory_space<vmem>> -> memref<128xi32, #tpu.memory_space<vmem>>
    %dma_start3A_532 = arith.constant 0 : i32
    %dma_start3A_533 = arith.constant 0 : i32
    %dma_start3A_534 = tpu.memref_slice %arg2[%dma_start3A_527, %dma_start3A_532, %dma_start3A_533] : memref<4x51200x128xf32, #tpu.memory_space<hbm>> -> memref<1x51200x128xf32, #tpu.memory_space<hbm>>
    %dma_start3A_535 = tpu.memref_squeeze %dma_start3A_534 : memref<1x51200x128xf32, #tpu.memory_space<hbm>> -> memref<51200x128xf32, #tpu.memory_space<hbm>>
    %dma_start3A_536 = arith.constant 0 : i32
    %dma_start3A_537 = arith.constant 0 : i32
    %dma_start3A_538 = tpu.memref_slice %dma_start3A_535[%dma_start3A_536, %dma_start3A_537] : memref<51200x128xf32, #tpu.memory_space<hbm>> -> memref<51200x128xf32, #tpu.memory_space<hbm>>
    tpu.enqueue_indirect_dma source(%dma_start3A_538 : memref<51200x128xf32, #tpu.memory_space<hbm>>) target(%arg8 : memref<128x128xf32, #tpu.memory_space<vmem>>) offsets(%dma_start3A_531 : memref<128xi32, #tpu.memory_space<vmem>>) semaphore(%arg10 : memref<!tpu.dma_semaphore, #tpu.memory_space<semaphore_mem>>)
    %dma_wait3A_539 = arith.constant 3 : i32
    %dma_wait3A_540 = arith.constant 1 : i32
    %dma_wait3A_541 = arith.constant 0 : i32
    %dma_wait3A_542 = tpu.memref_slice %arg5[%dma_wait3A_540, %dma_wait3A_541] : memref<4x128xi32, #tpu.memory_space<vmem>> -> memref<1x128xi32, #tpu.memory_space<vmem>>
    %dma_wait3A_543 = tpu.memref_squeeze %dma_wait3A_542 : memref<1x128xi32, #tpu.memory_space<vmem>> -> memref<128xi32, #tpu.memory_space<vmem>>
    %dma_wait3A_544 = arith.constant 0 : i32
    %dma_wait3A_545 = arith.constant 0 : i32
    %dma_wait3A_546 = tpu.memref_slice %arg2[%dma_wait3A_539, %dma_wait3A_544, %dma_wait3A_545] : memref<4x51200x128xf32, #tpu.memory_space<hbm>> -> memref<1x51200x128xf32, #tpu.memory_space<hbm>>
    %dma_wait3A_547 = tpu.memref_squeeze %dma_wait3A_546 : memref<1x51200x128xf32, #tpu.memory_space<hbm>> -> memref<51200x128xf32, #tpu.memory_space<hbm>>
    %dma_wait3A_548 = arith.constant 0 : i32
    %dma_wait3A_549 = arith.constant 0 : i32
    %dma_wait3A_550 = tpu.memref_slice %dma_wait3A_547[%dma_wait3A_548, %dma_wait3A_549] : memref<51200x128xf32, #tpu.memory_space<hbm>> -> memref<51200x128xf32, #tpu.memory_space<hbm>>
    tpu.wait_indirect_dma semaphore(%arg10 : memref<!tpu.dma_semaphore, #tpu.memory_space<semaphore_mem>>) src(%dma_wait3A_550 : memref<51200x128xf32, #tpu.memory_space<hbm>>) dst(%arg7 : memref<128x128xf32, #tpu.memory_space<vmem>>)
    %dma_start3A_551 = arith.constant 3 : i32
    %dma_start3A_552 = arith.constant 0 : i32
    %dma_start3A_553 = tpu.memref_slice %arg4[%dma_start3A_551, %add3A_32, %dma_start3A_552] : memref<4x16384x128xf32, #tpu.memory_space<hbm>> -> memref<1x128x128xf32, #tpu.memory_space<hbm>>
    %dma_start3A_554 = tpu.memref_squeeze %dma_start3A_553 : memref<1x128x128xf32, #tpu.memory_space<hbm>> -> memref<128x128xf32, #tpu.memory_space<hbm>>
    %dma_start3A_555 = arith.constant 0 : i32
    %dma_start3A_556 = tpu.memref_slice %arg4[%dma_start3A_551, %add3A_32, %dma_start3A_555] : memref<4x16384x128xf32, #tpu.memory_space<hbm>> -> memref<1x128x128xf32, #tpu.memory_space<hbm>>
    %dma_start3A_557 = tpu.memref_squeeze %dma_start3A_556 : memref<1x128x128xf32, #tpu.memory_space<hbm>> -> memref<128x128xf32, #tpu.memory_space<hbm>>
    tpu.enqueue_dma source(%arg7 : memref<128x128xf32, #tpu.memory_space<vmem>>) target(%dma_start3A_557 : memref<128x128xf32, #tpu.memory_space<hbm>>) target_semaphore(%arg11 : memref<!tpu.dma_semaphore, #tpu.memory_space<semaphore_mem>>)
    %dma_wait3A_558 = arith.constant 2 : i32
    %dma_wait3A_559 = arith.constant 0 : i32
    %dma_wait3A_560 = tpu.memref_slice %arg4[%dma_wait3A_558, %add3A_28, %dma_wait3A_559] : memref<4x16384x128xf32, #tpu.memory_space<hbm>> -> memref<1x128x128xf32, #tpu.memory_space<hbm>>
    %dma_wait3A_561 = tpu.memref_squeeze %dma_wait3A_560 : memref<1x128x128xf32, #tpu.memory_space<hbm>> -> memref<128x128xf32, #tpu.memory_space<hbm>>
    %dma_wait3A_562 = arith.constant 0 : i32
    %dma_wait3A_563 = tpu.memref_slice %arg4[%dma_wait3A_558, %add3A_28, %dma_wait3A_562] : memref<4x16384x128xf32, #tpu.memory_space<hbm>> -> memref<1x128x128xf32, #tpu.memory_space<hbm>>
    %dma_wait3A_564 = tpu.memref_squeeze %dma_wait3A_563 : memref<1x128x128xf32, #tpu.memory_space<hbm>> -> memref<128x128xf32, #tpu.memory_space<hbm>>
    tpu.wait_dma2 semaphore(%arg11 : memref<!tpu.dma_semaphore, #tpu.memory_space<semaphore_mem>>) src(%arg9 : memref<128x128xf32, #tpu.memory_space<vmem>>) dst(%dma_wait3A_564 : memref<128x128xf32, #tpu.memory_space<hbm>>)
    %dma_start3A_565 = arith.constant 3 : i32
    %dma_start3A_566 = arith.constant 3 : i32
    %dma_start3A_567 = arith.constant 0 : i32
    %dma_start3A_568 = tpu.memref_slice %arg5[%dma_start3A_566, %dma_start3A_567] : memref<4x128xi32, #tpu.memory_space<vmem>> -> memref<1x128xi32, #tpu.memory_space<vmem>>
    %dma_start3A_569 = tpu.memref_squeeze %dma_start3A_568 : memref<1x128xi32, #tpu.memory_space<vmem>> -> memref<128xi32, #tpu.memory_space<vmem>>
    %dma_start3A_570 = arith.constant 0 : i32
    %dma_start3A_571 = arith.constant 0 : i32
    %dma_start3A_572 = tpu.memref_slice %arg2[%dma_start3A_565, %dma_start3A_570, %dma_start3A_571] : memref<4x51200x128xf32, #tpu.memory_space<hbm>> -> memref<1x51200x128xf32, #tpu.memory_space<hbm>>
    %dma_start3A_573 = tpu.memref_squeeze %dma_start3A_572 : memref<1x51200x128xf32, #tpu.memory_space<hbm>> -> memref<51200x128xf32, #tpu.memory_space<hbm>>
    %dma_start3A_574 = arith.constant 0 : i32
    %dma_start3A_575 = arith.constant 0 : i32
    %dma_start3A_576 = tpu.memref_slice %dma_start3A_573[%dma_start3A_574, %dma_start3A_575] : memref<51200x128xf32, #tpu.memory_space<hbm>> -> memref<51200x128xf32, #tpu.memory_space<hbm>>
    tpu.enqueue_indirect_dma source(%dma_start3A_576 : memref<51200x128xf32, #tpu.memory_space<hbm>>) target(%arg9 : memref<128x128xf32, #tpu.memory_space<vmem>>) offsets(%dma_start3A_569 : memref<128xi32, #tpu.memory_space<vmem>>) semaphore(%arg10 : memref<!tpu.dma_semaphore, #tpu.memory_space<semaphore_mem>>)
    %dma_wait3A_577 = arith.constant 3 : i32
    %dma_wait3A_578 = arith.constant 2 : i32
    %dma_wait3A_579 = arith.constant 0 : i32
    %dma_wait3A_580 = tpu.memref_slice %arg5[%dma_wait3A_578, %dma_wait3A_579] : memref<4x128xi32, #tpu.memory_space<vmem>> -> memref<1x128xi32, #tpu.memory_space<vmem>>
    %dma_wait3A_581 = tpu.memref_squeeze %dma_wait3A_580 : memref<1x128xi32, #tpu.memory_space<vmem>> -> memref<128xi32, #tpu.memory_space<vmem>>
    %dma_wait3A_582 = arith.constant 0 : i32
    %dma_wait3A_583 = arith.constant 0 : i32
    %dma_wait3A_584 = tpu.memref_slice %arg2[%dma_wait3A_577, %dma_wait3A_582, %dma_wait3A_583] : memref<4x51200x128xf32, #tpu.memory_space<hbm>> -> memref<1x51200x128xf32, #tpu.memory_space<hbm>>
    %dma_wait3A_585 = tpu.memref_squeeze %dma_wait3A_584 : memref<1x51200x128xf32, #tpu.memory_space<hbm>> -> memref<51200x128xf32, #tpu.memory_space<hbm>>
    %dma_wait3A_586 = arith.constant 0 : i32
    %dma_wait3A_587 = arith.constant 0 : i32
    %dma_wait3A_588 = tpu.memref_slice %dma_wait3A_585[%dma_wait3A_586, %dma_wait3A_587] : memref<51200x128xf32, #tpu.memory_space<hbm>> -> memref<51200x128xf32, #tpu.memory_space<hbm>>
    tpu.wait_indirect_dma semaphore(%arg10 : memref<!tpu.dma_semaphore, #tpu.memory_space<semaphore_mem>>) src(%dma_wait3A_588 : memref<51200x128xf32, #tpu.memory_space<hbm>>) dst(%arg8 : memref<128x128xf32, #tpu.memory_space<vmem>>)
    %dma_start3A_589 = arith.constant 3 : i32
    %dma_start3A_590 = arith.constant 0 : i32
    %dma_start3A_591 = tpu.memref_slice %arg4[%dma_start3A_589, %add3A_34, %dma_start3A_590] : memref<4x16384x128xf32, #tpu.memory_space<hbm>> -> memref<1x128x128xf32, #tpu.memory_space<hbm>>
    %dma_start3A_592 = tpu.memref_squeeze %dma_start3A_591 : memref<1x128x128xf32, #tpu.memory_space<hbm>> -> memref<128x128xf32, #tpu.memory_space<hbm>>
    %dma_start3A_593 = arith.constant 0 : i32
    %dma_start3A_594 = tpu.memref_slice %arg4[%dma_start3A_589, %add3A_34, %dma_start3A_593] : memref<4x16384x128xf32, #tpu.memory_space<hbm>> -> memref<1x128x128xf32, #tpu.memory_space<hbm>>
    %dma_start3A_595 = tpu.memref_squeeze %dma_start3A_594 : memref<1x128x128xf32, #tpu.memory_space<hbm>> -> memref<128x128xf32, #tpu.memory_space<hbm>>
    tpu.enqueue_dma source(%arg8 : memref<128x128xf32, #tpu.memory_space<vmem>>) target(%dma_start3A_595 : memref<128x128xf32, #tpu.memory_space<hbm>>) target_semaphore(%arg11 : memref<!tpu.dma_semaphore, #tpu.memory_space<semaphore_mem>>)
    %dma_wait3A_596 = arith.constant 3 : i32
    %dma_wait3A_597 = arith.constant 3 : i32
    %dma_wait3A_598 = arith.constant 0 : i32
    %dma_wait3A_599 = tpu.memref_slice %arg5[%dma_wait3A_597, %dma_wait3A_598] : memref<4x128xi32, #tpu.memory_space<vmem>> -> memref<1x128xi32, #tpu.memory_space<vmem>>
    %dma_wait3A_600 = tpu.memref_squeeze %dma_wait3A_599 : memref<1x128xi32, #tpu.memory_space<vmem>> -> memref<128xi32, #tpu.memory_space<vmem>>
    %dma_wait3A_601 = arith.constant 0 : i32
    %dma_wait3A_602 = arith.constant 0 : i32
    %dma_wait3A_603 = tpu.memref_slice %arg2[%dma_wait3A_596, %dma_wait3A_601, %dma_wait3A_602] : memref<4x51200x128xf32, #tpu.memory_space<hbm>> -> memref<1x51200x128xf32, #tpu.memory_space<hbm>>
    %dma_wait3A_604 = tpu.memref_squeeze %dma_wait3A_603 : memref<1x51200x128xf32, #tpu.memory_space<hbm>> -> memref<51200x128xf32, #tpu.memory_space<hbm>>
    %dma_wait3A_605 = arith.constant 0 : i32
    %dma_wait3A_606 = arith.constant 0 : i32
    %dma_wait3A_607 = tpu.memref_slice %dma_wait3A_604[%dma_wait3A_605, %dma_wait3A_606] : memref<51200x128xf32, #tpu.memory_space<hbm>> -> memref<51200x128xf32, #tpu.memory_space<hbm>>
    tpu.wait_indirect_dma semaphore(%arg10 : memref<!tpu.dma_semaphore, #tpu.memory_space<semaphore_mem>>) src(%dma_wait3A_607 : memref<51200x128xf32, #tpu.memory_space<hbm>>) dst(%arg9 : memref<128x128xf32, #tpu.memory_space<vmem>>)
    %dma_start3A_608 = arith.constant 3 : i32
    %dma_start3A_609 = arith.constant 0 : i32
    %dma_start3A_610 = tpu.memref_slice %arg4[%dma_start3A_608, %add3A_36, %dma_start3A_609] : memref<4x16384x128xf32, #tpu.memory_space<hbm>> -> memref<1x128x128xf32, #tpu.memory_space<hbm>>
    %dma_start3A_611 = tpu.memref_squeeze %dma_start3A_610 : memref<1x128x128xf32, #tpu.memory_space<hbm>> -> memref<128x128xf32, #tpu.memory_space<hbm>>
    %dma_start3A_612 = arith.constant 0 : i32
    %dma_start3A_613 = tpu.memref_slice %arg4[%dma_start3A_608, %add3A_36, %dma_start3A_612] : memref<4x16384x128xf32, #tpu.memory_space<hbm>> -> memref<1x128x128xf32, #tpu.memory_space<hbm>>
    %dma_start3A_614 = tpu.memref_squeeze %dma_start3A_613 : memref<1x128x128xf32, #tpu.memory_space<hbm>> -> memref<128x128xf32, #tpu.memory_space<hbm>>
    tpu.enqueue_dma source(%arg9 : memref<128x128xf32, #tpu.memory_space<vmem>>) target(%dma_start3A_614 : memref<128x128xf32, #tpu.memory_space<hbm>>) target_semaphore(%arg11 : memref<!tpu.dma_semaphore, #tpu.memory_space<semaphore_mem>>)
    %dma_wait3A_615 = arith.constant 3 : i32
    %dma_wait3A_616 = arith.constant 0 : i32
    %dma_wait3A_617 = tpu.memref_slice %arg4[%dma_wait3A_615, %add3A_30, %dma_wait3A_616] : memref<4x16384x128xf32, #tpu.memory_space<hbm>> -> memref<1x128x128xf32, #tpu.memory_space<hbm>>
    %dma_wait3A_618 = tpu.memref_squeeze %dma_wait3A_617 : memref<1x128x128xf32, #tpu.memory_space<hbm>> -> memref<128x128xf32, #tpu.memory_space<hbm>>
    %dma_wait3A_619 = arith.constant 0 : i32
    %dma_wait3A_620 = tpu.memref_slice %arg4[%dma_wait3A_615, %add3A_30, %dma_wait3A_619] : memref<4x16384x128xf32, #tpu.memory_space<hbm>> -> memref<1x128x128xf32, #tpu.memory_space<hbm>>
    %dma_wait3A_621 = tpu.memref_squeeze %dma_wait3A_620 : memref<1x128x128xf32, #tpu.memory_space<hbm>> -> memref<128x128xf32, #tpu.memory_space<hbm>>
    tpu.wait_dma2 semaphore(%arg11 : memref<!tpu.dma_semaphore, #tpu.memory_space<semaphore_mem>>) src(%arg6 : memref<128x128xf32, #tpu.memory_space<vmem>>) dst(%dma_wait3A_621 : memref<128x128xf32, #tpu.memory_space<hbm>>)
    %dma_wait3A_622 = arith.constant 3 : i32
    %dma_wait3A_623 = arith.constant 0 : i32
    %dma_wait3A_624 = tpu.memref_slice %arg4[%dma_wait3A_622, %add3A_32, %dma_wait3A_623] : memref<4x16384x128xf32, #tpu.memory_space<hbm>> -> memref<1x128x128xf32, #tpu.memory_space<hbm>>
    %dma_wait3A_625 = tpu.memref_squeeze %dma_wait3A_624 : memref<1x128x128xf32, #tpu.memory_space<hbm>> -> memref<128x128xf32, #tpu.memory_space<hbm>>
    %dma_wait3A_626 = arith.constant 0 : i32
    %dma_wait3A_627 = tpu.memref_slice %arg4[%dma_wait3A_622, %add3A_32, %dma_wait3A_626] : memref<4x16384x128xf32, #tpu.memory_space<hbm>> -> memref<1x128x128xf32, #tpu.memory_space<hbm>>
    %dma_wait3A_628 = tpu.memref_squeeze %dma_wait3A_627 : memref<1x128x128xf32, #tpu.memory_space<hbm>> -> memref<128x128xf32, #tpu.memory_space<hbm>>
    tpu.wait_dma2 semaphore(%arg11 : memref<!tpu.dma_semaphore, #tpu.memory_space<semaphore_mem>>) src(%arg7 : memref<128x128xf32, #tpu.memory_space<vmem>>) dst(%dma_wait3A_628 : memref<128x128xf32, #tpu.memory_space<hbm>>)
    %dma_wait3A_629 = arith.constant 3 : i32
    %dma_wait3A_630 = arith.constant 0 : i32
    %dma_wait3A_631 = tpu.memref_slice %arg4[%dma_wait3A_629, %add3A_34, %dma_wait3A_630] : memref<4x16384x128xf32, #tpu.memory_space<hbm>> -> memref<1x128x128xf32, #tpu.memory_space<hbm>>
    %dma_wait3A_632 = tpu.memref_squeeze %dma_wait3A_631 : memref<1x128x128xf32, #tpu.memory_space<hbm>> -> memref<128x128xf32, #tpu.memory_space<hbm>>
    %dma_wait3A_633 = arith.constant 0 : i32
    %dma_wait3A_634 = tpu.memref_slice %arg4[%dma_wait3A_629, %add3A_34, %dma_wait3A_633] : memref<4x16384x128xf32, #tpu.memory_space<hbm>> -> memref<1x128x128xf32, #tpu.memory_space<hbm>>
    %dma_wait3A_635 = tpu.memref_squeeze %dma_wait3A_634 : memref<1x128x128xf32, #tpu.memory_space<hbm>> -> memref<128x128xf32, #tpu.memory_space<hbm>>
    tpu.wait_dma2 semaphore(%arg11 : memref<!tpu.dma_semaphore, #tpu.memory_space<semaphore_mem>>) src(%arg8 : memref<128x128xf32, #tpu.memory_space<vmem>>) dst(%dma_wait3A_635 : memref<128x128xf32, #tpu.memory_space<hbm>>)
    %dma_wait3A_636 = arith.constant 3 : i32
    %dma_wait3A_637 = arith.constant 0 : i32
    %dma_wait3A_638 = tpu.memref_slice %arg4[%dma_wait3A_636, %add3A_36, %dma_wait3A_637] : memref<4x16384x128xf32, #tpu.memory_space<hbm>> -> memref<1x128x128xf32, #tpu.memory_space<hbm>>
    %dma_wait3A_639 = tpu.memref_squeeze %dma_wait3A_638 : memref<1x128x128xf32, #tpu.memory_space<hbm>> -> memref<128x128xf32, #tpu.memory_space<hbm>>
    %dma_wait3A_640 = arith.constant 0 : i32
    %dma_wait3A_641 = tpu.memref_slice %arg4[%dma_wait3A_636, %add3A_36, %dma_wait3A_640] : memref<4x16384x128xf32, #tpu.memory_space<hbm>> -> memref<1x128x128xf32, #tpu.memory_space<hbm>>
    %dma_wait3A_642 = tpu.memref_squeeze %dma_wait3A_641 : memref<1x128x128xf32, #tpu.memory_space<hbm>> -> memref<128x128xf32, #tpu.memory_space<hbm>>
    tpu.wait_dma2 semaphore(%arg11 : memref<!tpu.dma_semaphore, #tpu.memory_space<semaphore_mem>>) src(%arg9 : memref<128x128xf32, #tpu.memory_space<vmem>>) dst(%dma_wait3A_642 : memref<128x128xf32, #tpu.memory_space<hbm>>)
    return
  }
}

module attributes {stable_mosaic.version = 14 : i64} {
  func.func @body(%arg0: i32, %arg1: memref<4x64x2560xf32, #tpu.memory_space<vmem>>, %arg2: memref<4x64x2560xf32, #tpu.memory_space<vmem>>, %arg3: memref<64x64xf32, #tpu.memory_space<vmem>>, %arg4: memref<4x2560x128xf32, #tpu.memory_space<vmem>>) attributes {dimension_semantics = [#tpu.dimension_semantics<arbitrary>], iteration_bounds = array<i64: 20>, scalar_prefetch = 0 : i64, scratch_operands = 0 : i64, tpu.core_type = #tpu.core_type<tc>, window_params = [{transform_indices = @transform_0, window_bounds = array<i64: 4, 64, 2560>}, {transform_indices = @transform_1, window_bounds = array<i64: 4, 64, 2560>}, {pipeline_mode = #tpu.pipeline_mode<synchronous>, transform_indices = @transform_2, window_bounds = array<i64: 64, 64>}, {transform_indices = @transform_3, window_bounds = array<i64: 4, 2560, 128>}]} {
    %get3A = arith.constant 0 : index
    %get3A_0 = arith.constant 0 : index
    %get3A_1 = vector.load %arg3[%get3A, %get3A_0] : memref<64x64xf32, #tpu.memory_space<vmem>>, vector<64x64xf32>
    %get3A_2 = arith.constant 0 : index
    %get3A_3 = arith.constant 0 : index
    %get3A_4 = arith.constant 0 : index
    %get3A_5 = vector.load %arg1[%get3A_2, %get3A_3, %get3A_4] : memref<4x64x2560xf32, #tpu.memory_space<vmem>>, vector<1x64x2560xf32>
    %get3A_6 = vector.shape_cast %get3A_5 : vector<1x64x2560xf32> to vector<64x2560xf32>
    %dot_general3A = arith.constant dense<0.000000e+00> : vector<2560x64xf32>
    %dot_general3A_7 = tpu.matmul %get3A_6, %get3A_1, %dot_general3A {dimension_numbers = #tpu.dot_dimension_numbers<[0], [0], [1], [1], [0, 1, 1, 1], [], []>, transpose_lhs_hint = false} : vector<64x2560xf32>, vector<64x64xf32>, vector<2560x64xf32> -> vector<2560x64xf32>
    %get3A_8 = arith.constant 0 : index
    %get3A_9 = arith.constant 0 : index
    %get3A_10 = arith.constant 0 : index
    %get3A_11 = vector.load %arg2[%get3A_8, %get3A_9, %get3A_10] : memref<4x64x2560xf32, #tpu.memory_space<vmem>>, vector<1x64x2560xf32>
    %get3A_12 = vector.shape_cast %get3A_11 : vector<1x64x2560xf32> to vector<64x2560xf32>
    %dot_general3A_13 = arith.constant dense<0.000000e+00> : vector<2560x64xf32>
    %dot_general3A_14 = tpu.matmul %get3A_12, %get3A_1, %dot_general3A_13 {dimension_numbers = #tpu.dot_dimension_numbers<[0], [0], [1], [1], [0, 1, 1, 1], [], []>, transpose_lhs_hint = false} : vector<64x2560xf32>, vector<64x64xf32>, vector<2560x64xf32> -> vector<2560x64xf32>
    %concatenate3A = tpu.concatenate %dot_general3A_7, %dot_general3A_14 in 1 : vector<2560x64xf32>, vector<2560x64xf32> -> vector<2560x128xf32>
    %swap3A = arith.constant 0 : index
    %swap3A_15 = arith.constant 0 : index
    %swap3A_16 = arith.constant 0 : index
    %swap3A_17 = vector.load %arg4[%swap3A, %swap3A_15, %swap3A_16] : memref<4x2560x128xf32, #tpu.memory_space<vmem>>, vector<1x2560x128xf32>
    %swap3A_18 = vector.shape_cast %swap3A_17 : vector<1x2560x128xf32> to vector<2560x128xf32>
    %swap3A_19 = vector.shape_cast %concatenate3A : vector<2560x128xf32> to vector<1x2560x128xf32>
    tpu.vector_store %arg4[%swap3A, %swap3A_15, %swap3A_16], %swap3A_19 {strides = array<i32>} : memref<4x2560x128xf32, #tpu.memory_space<vmem>>, vector<1x2560x128xf32>,
    %get3A_20 = arith.constant 1 : index
    %get3A_21 = arith.constant 0 : index
    %get3A_22 = arith.constant 0 : index
    %get3A_23 = vector.load %arg1[%get3A_20, %get3A_21, %get3A_22] : memref<4x64x2560xf32, #tpu.memory_space<vmem>>, vector<1x64x2560xf32>
    %get3A_24 = vector.shape_cast %get3A_23 : vector<1x64x2560xf32> to vector<64x2560xf32>
    %dot_general3A_25 = arith.constant dense<0.000000e+00> : vector<2560x64xf32>
    %dot_general3A_26 = tpu.matmul %get3A_24, %get3A_1, %dot_general3A_25 {dimension_numbers = #tpu.dot_dimension_numbers<[0], [0], [1], [1], [0, 1, 1, 1], [], []>, transpose_lhs_hint = false} : vector<64x2560xf32>, vector<64x64xf32>, vector<2560x64xf32> -> vector<2560x64xf32>
    %get3A_27 = arith.constant 1 : index
    %get3A_28 = arith.constant 0 : index
    %get3A_29 = arith.constant 0 : index
    %get3A_30 = vector.load %arg2[%get3A_27, %get3A_28, %get3A_29] : memref<4x64x2560xf32, #tpu.memory_space<vmem>>, vector<1x64x2560xf32>
    %get3A_31 = vector.shape_cast %get3A_30 : vector<1x64x2560xf32> to vector<64x2560xf32>
    %dot_general3A_32 = arith.constant dense<0.000000e+00> : vector<2560x64xf32>
    %dot_general3A_33 = tpu.matmul %get3A_31, %get3A_1, %dot_general3A_32 {dimension_numbers = #tpu.dot_dimension_numbers<[0], [0], [1], [1], [0, 1, 1, 1], [], []>, transpose_lhs_hint = false} : vector<64x2560xf32>, vector<64x64xf32>, vector<2560x64xf32> -> vector<2560x64xf32>
    %concatenate3A_34 = tpu.concatenate %dot_general3A_26, %dot_general3A_33 in 1 : vector<2560x64xf32>, vector<2560x64xf32> -> vector<2560x128xf32>
    %swap3A_35 = arith.constant 1 : index
    %swap3A_36 = arith.constant 0 : index
    %swap3A_37 = arith.constant 0 : index
    %swap3A_38 = vector.load %arg4[%swap3A_35, %swap3A_36, %swap3A_37] : memref<4x2560x128xf32, #tpu.memory_space<vmem>>, vector<1x2560x128xf32>
    %swap3A_39 = vector.shape_cast %swap3A_38 : vector<1x2560x128xf32> to vector<2560x128xf32>
    %swap3A_40 = vector.shape_cast %concatenate3A_34 : vector<2560x128xf32> to vector<1x2560x128xf32>
    tpu.vector_store %arg4[%swap3A_35, %swap3A_36, %swap3A_37], %swap3A_40 {strides = array<i32>} : memref<4x2560x128xf32, #tpu.memory_space<vmem>>, vector<1x2560x128xf32>,
    %get3A_41 = arith.constant 2 : index
    %get3A_42 = arith.constant 0 : index
    %get3A_43 = arith.constant 0 : index
    %get3A_44 = vector.load %arg1[%get3A_41, %get3A_42, %get3A_43] : memref<4x64x2560xf32, #tpu.memory_space<vmem>>, vector<1x64x2560xf32>
    %get3A_45 = vector.shape_cast %get3A_44 : vector<1x64x2560xf32> to vector<64x2560xf32>
    %dot_general3A_46 = arith.constant dense<0.000000e+00> : vector<2560x64xf32>
    %dot_general3A_47 = tpu.matmul %get3A_45, %get3A_1, %dot_general3A_46 {dimension_numbers = #tpu.dot_dimension_numbers<[0], [0], [1], [1], [0, 1, 1, 1], [], []>, transpose_lhs_hint = false} : vector<64x2560xf32>, vector<64x64xf32>, vector<2560x64xf32> -> vector<2560x64xf32>
    %get3A_48 = arith.constant 2 : index
    %get3A_49 = arith.constant 0 : index
    %get3A_50 = arith.constant 0 : index
    %get3A_51 = vector.load %arg2[%get3A_48, %get3A_49, %get3A_50] : memref<4x64x2560xf32, #tpu.memory_space<vmem>>, vector<1x64x2560xf32>
    %get3A_52 = vector.shape_cast %get3A_51 : vector<1x64x2560xf32> to vector<64x2560xf32>
    %dot_general3A_53 = arith.constant dense<0.000000e+00> : vector<2560x64xf32>
    %dot_general3A_54 = tpu.matmul %get3A_52, %get3A_1, %dot_general3A_53 {dimension_numbers = #tpu.dot_dimension_numbers<[0], [0], [1], [1], [0, 1, 1, 1], [], []>, transpose_lhs_hint = false} : vector<64x2560xf32>, vector<64x64xf32>, vector<2560x64xf32> -> vector<2560x64xf32>
    %concatenate3A_55 = tpu.concatenate %dot_general3A_47, %dot_general3A_54 in 1 : vector<2560x64xf32>, vector<2560x64xf32> -> vector<2560x128xf32>
    %swap3A_56 = arith.constant 2 : index
    %swap3A_57 = arith.constant 0 : index
    %swap3A_58 = arith.constant 0 : index
    %swap3A_59 = vector.load %arg4[%swap3A_56, %swap3A_57, %swap3A_58] : memref<4x2560x128xf32, #tpu.memory_space<vmem>>, vector<1x2560x128xf32>
    %swap3A_60 = vector.shape_cast %swap3A_59 : vector<1x2560x128xf32> to vector<2560x128xf32>
    %swap3A_61 = vector.shape_cast %concatenate3A_55 : vector<2560x128xf32> to vector<1x2560x128xf32>
    tpu.vector_store %arg4[%swap3A_56, %swap3A_57, %swap3A_58], %swap3A_61 {strides = array<i32>} : memref<4x2560x128xf32, #tpu.memory_space<vmem>>, vector<1x2560x128xf32>,
    %get3A_62 = arith.constant 3 : index
    %get3A_63 = arith.constant 0 : index
    %get3A_64 = arith.constant 0 : index
    %get3A_65 = vector.load %arg1[%get3A_62, %get3A_63, %get3A_64] : memref<4x64x2560xf32, #tpu.memory_space<vmem>>, vector<1x64x2560xf32>
    %get3A_66 = vector.shape_cast %get3A_65 : vector<1x64x2560xf32> to vector<64x2560xf32>
    %dot_general3A_67 = arith.constant dense<0.000000e+00> : vector<2560x64xf32>
    %dot_general3A_68 = tpu.matmul %get3A_66, %get3A_1, %dot_general3A_67 {dimension_numbers = #tpu.dot_dimension_numbers<[0], [0], [1], [1], [0, 1, 1, 1], [], []>, transpose_lhs_hint = false} : vector<64x2560xf32>, vector<64x64xf32>, vector<2560x64xf32> -> vector<2560x64xf32>
    %get3A_69 = arith.constant 3 : index
    %get3A_70 = arith.constant 0 : index
    %get3A_71 = arith.constant 0 : index
    %get3A_72 = vector.load %arg2[%get3A_69, %get3A_70, %get3A_71] : memref<4x64x2560xf32, #tpu.memory_space<vmem>>, vector<1x64x2560xf32>
    %get3A_73 = vector.shape_cast %get3A_72 : vector<1x64x2560xf32> to vector<64x2560xf32>
    %dot_general3A_74 = arith.constant dense<0.000000e+00> : vector<2560x64xf32>
    %dot_general3A_75 = tpu.matmul %get3A_73, %get3A_1, %dot_general3A_74 {dimension_numbers = #tpu.dot_dimension_numbers<[0], [0], [1], [1], [0, 1, 1, 1], [], []>, transpose_lhs_hint = false} : vector<64x2560xf32>, vector<64x64xf32>, vector<2560x64xf32> -> vector<2560x64xf32>
    %concatenate3A_76 = tpu.concatenate %dot_general3A_68, %dot_general3A_75 in 1 : vector<2560x64xf32>, vector<2560x64xf32> -> vector<2560x128xf32>
    %swap3A_77 = arith.constant 3 : index
    %swap3A_78 = arith.constant 0 : index
    %swap3A_79 = arith.constant 0 : index
    %swap3A_80 = vector.load %arg4[%swap3A_77, %swap3A_78, %swap3A_79] : memref<4x2560x128xf32, #tpu.memory_space<vmem>>, vector<1x2560x128xf32>
    %swap3A_81 = vector.shape_cast %swap3A_80 : vector<1x2560x128xf32> to vector<2560x128xf32>
    %swap3A_82 = vector.shape_cast %concatenate3A_76 : vector<2560x128xf32> to vector<1x2560x128xf32>
    tpu.vector_store %arg4[%swap3A_77, %swap3A_78, %swap3A_79], %swap3A_82 {strides = array<i32>} : memref<4x2560x128xf32, #tpu.memory_space<vmem>>, vector<1x2560x128xf32>,
    return
  }
  func.func @transform_0(%arg0: i32) -> (i32, i32, i32) {
    %c0_i32 = arith.constant 0 : i32
    %c0_i32_0 = arith.constant 0 : i32
    %c0_i32_1 = arith.constant 0 : i32
    return %c0_i32, %c0_i32_0, %arg0 : i32, i32, i32
  }
  func.func @transform_1(%arg0: i32) -> (i32, i32, i32) {
    %add3A = arith.constant 20 : i32
    %add3A_0 = arith.addi %arg0, %add3A : i32
    %min3A = arith.constant 39 : i32
    %min3A_1 = arith.minsi %add3A_0, %min3A : i32
    %c0_i32 = arith.constant 0 : i32
    %c0_i32_2 = arith.constant 0 : i32
    %c0_i32_3 = arith.constant 0 : i32
    return %c0_i32, %c0_i32_2, %min3A_1 : i32, i32, i32
  }
  func.func @transform_2(%arg0: i32) -> (i32, i32) {
    %c0_i32 = arith.constant 0 : i32
    %c0_i32_0 = arith.constant 0 : i32
    %c0_i32_1 = arith.constant 0 : i32
    return %c0_i32, %c0_i32_0 : i32, i32
  }
  func.func @transform_3(%arg0: i32) -> (i32, i32, i32) {
    %c0_i32 = arith.constant 0 : i32
    %c0_i32_0 = arith.constant 0 : i32
    %c0_i32_1 = arith.constant 0 : i32
    return %c0_i32, %arg0, %c0_i32_0 : i32, i32, i32
  }
}

module attributes {stable_mosaic.version = 14 : i64} {
  func.func @body(%arg0: i32, %arg1: memref<4x2048x128xf32, #tpu.memory_space<vmem>>, %arg2: memref<4x2048x128xf32, #tpu.memory_space<vmem>>, %arg3: memref<2x2048xf32, #tpu.memory_space<vmem>>, %arg4: memref<4x128x128xf32, #tpu.memory_space<vmem>>, %arg5: memref<4x128xf32, #tpu.memory_space<vmem>>, %arg6: memref<2048xf32, #tpu.memory_space<vmem>>) attributes {dimension_semantics = [#tpu.dimension_semantics<arbitrary>], iteration_bounds = array<i64: 8>, scalar_prefetch = 0 : i64, scratch_operands = 0 : i64, tpu.core_type = #tpu.core_type<tc>, window_params = [{transform_indices = @transform_0, window_bounds = array<i64: 4, 2048, 128>}, {transform_indices = @transform_1, window_bounds = array<i64: 4, 2048, 128>}, {transform_indices = @transform_2, window_bounds = array<i64: 2, 2048>}, {pipeline_mode = #tpu.pipeline_mode<synchronous>, transform_indices = @transform_3, window_bounds = array<i64: 4, 128, 128>}, {pipeline_mode = #tpu.pipeline_mode<synchronous>, transform_indices = @transform_4, window_bounds = array<i64: 4, 128>}, {transform_indices = @transform_5, window_bounds = array<i64: 2048>}]} {
    %iota3A = tpu.iota {dimensions = array<i32: 1>} : vector<1x128xi32>
    %lt3A = arith.constant 64 : i32
    %lt3A_0 = vector.broadcast %lt3A : i32 to vector<1x128xi32>
    %lt3A_1 = arith.cmpi slt, %iota3A, %lt3A_0 : vector<1x128xi32>
    %convert_element_type3A = arith.extui %lt3A_1 : vector<1x128xi1> to vector<1x128xi32>
    %convert_element_type3A_2 = arith.sitofp %convert_element_type3A : vector<1x128xi32> to vector<1x128xf32>
    %get3A = arith.constant 0 : index
    %get3A_3 = arith.constant 0 : index
    %get3A_4 = vector.load %arg3[%get3A, %get3A_3] : memref<2x2048xf32, #tpu.memory_space<vmem>>, vector<1x2048xf32>
    %get3A_5 = vector.shape_cast %get3A_4 : vector<1x2048xf32> to vector<2048xf32>
    %broadcast_in_dim3A = vector.shape_cast %get3A_5 : vector<2048xf32> to vector<2048x1xf32>
    %get3A_6 = arith.constant 1 : index
    %get3A_7 = arith.constant 0 : index
    %get3A_8 = vector.load %arg3[%get3A_6, %get3A_7] : memref<2x2048xf32, #tpu.memory_space<vmem>>, vector<1x2048xf32>
    %get3A_9 = vector.shape_cast %get3A_8 : vector<1x2048xf32> to vector<2048xf32>
    %broadcast_in_dim3A_10 = vector.shape_cast %get3A_9 : vector<2048xf32> to vector<2048x1xf32>
    %get3A_11 = arith.constant 0 : index
    %get3A_12 = arith.constant 0 : index
    %get3A_13 = arith.constant 0 : index
    %get3A_14 = vector.load %arg1[%get3A_11, %get3A_12, %get3A_13] : memref<4x2048x128xf32, #tpu.memory_space<vmem>>, vector<1x2048x128xf32>
    %get3A_15 = vector.shape_cast %get3A_14 : vector<1x2048x128xf32> to vector<2048x128xf32>
    %get3A_16 = arith.constant 0 : index
    %get3A_17 = arith.constant 0 : index
    %get3A_18 = arith.constant 0 : index
    %get3A_19 = vector.load %arg2[%get3A_16, %get3A_17, %get3A_18] : memref<4x2048x128xf32, #tpu.memory_space<vmem>>, vector<1x2048x128xf32>
    %get3A_20 = vector.shape_cast %get3A_19 : vector<1x2048x128xf32> to vector<2048x128xf32>
    %gt3A = arith.constant 0.000000e+00 : f32
    %gt3A_21 = vector.broadcast %gt3A : f32 to vector<2048x1xf32>
    %gt3A_22 = arith.cmpf ogt, %broadcast_in_dim3A, %gt3A_21 : vector<2048x1xf32>
    %roll3A = arith.constant 64 : i32
    %roll3A_23 = tpu.dynamic_rotate %get3A_15 by %roll3A dim 1 : vector<2048x128xf32>, i32 -> vector<2048x128xf32>
    %broadcast_in_dim3A_24 = vector.shape_cast %gt3A_22 : vector<2048x1xi1> to vector<2048x1xi1>
    %broadcast_in_dim3A_25 = vector.broadcast %broadcast_in_dim3A_24 : vector<2048x1xi1> to vector<2048x128xi1>
    %select_n3A = arith.select %broadcast_in_dim3A_25, %roll3A_23, %get3A_15 : vector<2048x128xi1>, vector<2048x128xf32>
    %gt3A_26 = arith.constant 0.000000e+00 : f32
    %gt3A_27 = vector.broadcast %gt3A_26 : f32 to vector<2048x1xf32>
    %gt3A_28 = arith.cmpf ogt, %broadcast_in_dim3A_10, %gt3A_27 : vector<2048x1xf32>
    %roll3A_29 = arith.constant 64 : i32
    %roll3A_30 = tpu.dynamic_rotate %get3A_20 by %roll3A_29 dim 1 : vector<2048x128xf32>, i32 -> vector<2048x128xf32>
    %broadcast_in_dim3A_31 = vector.shape_cast %gt3A_28 : vector<2048x1xi1> to vector<2048x1xi1>
    %broadcast_in_dim3A_32 = vector.broadcast %broadcast_in_dim3A_31 : vector<2048x1xi1> to vector<2048x128xi1>
    %select_n3A_33 = arith.select %broadcast_in_dim3A_32, %get3A_20, %roll3A_30 : vector<2048x128xi1>, vector<2048x128xf32>
    %gt3A_34 = arith.constant 0.000000e+00 : f32
    %gt3A_35 = vector.broadcast %gt3A_34 : f32 to vector<1x128xf32>
    %gt3A_36 = arith.cmpf ogt, %convert_element_type3A_2, %gt3A_35 : vector<1x128xf32>
    %broadcast_in_dim3A_37 = vector.shape_cast %gt3A_36 : vector<1x128xi1> to vector<1x128xi1>
    %broadcast_in_dim3A_38 = vector.broadcast %broadcast_in_dim3A_37 : vector<1x128xi1> to vector<2048x128xi1>
    %select_n3A_39 = arith.select %broadcast_in_dim3A_38, %select_n3A, %select_n3A_33 : vector<2048x128xi1>, vector<2048x128xf32>
    %get3A_40 = arith.constant 1 : index
    %get3A_41 = arith.constant 0 : index
    %get3A_42 = arith.constant 0 : index
    %get3A_43 = vector.load %arg1[%get3A_40, %get3A_41, %get3A_42] : memref<4x2048x128xf32, #tpu.memory_space<vmem>>, vector<1x2048x128xf32>
    %get3A_44 = vector.shape_cast %get3A_43 : vector<1x2048x128xf32> to vector<2048x128xf32>
    %get3A_45 = arith.constant 1 : index
    %get3A_46 = arith.constant 0 : index
    %get3A_47 = arith.constant 0 : index
    %get3A_48 = vector.load %arg2[%get3A_45, %get3A_46, %get3A_47] : memref<4x2048x128xf32, #tpu.memory_space<vmem>>, vector<1x2048x128xf32>
    %get3A_49 = vector.shape_cast %get3A_48 : vector<1x2048x128xf32> to vector<2048x128xf32>
    %gt3A_50 = arith.constant 0.000000e+00 : f32
    %gt3A_51 = vector.broadcast %gt3A_50 : f32 to vector<2048x1xf32>
    %gt3A_52 = arith.cmpf ogt, %broadcast_in_dim3A, %gt3A_51 : vector<2048x1xf32>
    %roll3A_53 = arith.constant 64 : i32
    %roll3A_54 = tpu.dynamic_rotate %get3A_44 by %roll3A_53 dim 1 : vector<2048x128xf32>, i32 -> vector<2048x128xf32>
    %broadcast_in_dim3A_55 = vector.shape_cast %gt3A_52 : vector<2048x1xi1> to vector<2048x1xi1>
    %broadcast_in_dim3A_56 = vector.broadcast %broadcast_in_dim3A_55 : vector<2048x1xi1> to vector<2048x128xi1>
    %select_n3A_57 = arith.select %broadcast_in_dim3A_56, %roll3A_54, %get3A_44 : vector<2048x128xi1>, vector<2048x128xf32>
    %gt3A_58 = arith.constant 0.000000e+00 : f32
    %gt3A_59 = vector.broadcast %gt3A_58 : f32 to vector<2048x1xf32>
    %gt3A_60 = arith.cmpf ogt, %broadcast_in_dim3A_10, %gt3A_59 : vector<2048x1xf32>
    %roll3A_61 = arith.constant 64 : i32
    %roll3A_62 = tpu.dynamic_rotate %get3A_49 by %roll3A_61 dim 1 : vector<2048x128xf32>, i32 -> vector<2048x128xf32>
    %broadcast_in_dim3A_63 = vector.shape_cast %gt3A_60 : vector<2048x1xi1> to vector<2048x1xi1>
    %broadcast_in_dim3A_64 = vector.broadcast %broadcast_in_dim3A_63 : vector<2048x1xi1> to vector<2048x128xi1>
    %select_n3A_65 = arith.select %broadcast_in_dim3A_64, %get3A_49, %roll3A_62 : vector<2048x128xi1>, vector<2048x128xf32>
    %gt3A_66 = arith.constant 0.000000e+00 : f32
    %gt3A_67 = vector.broadcast %gt3A_66 : f32 to vector<1x128xf32>
    %gt3A_68 = arith.cmpf ogt, %convert_element_type3A_2, %gt3A_67 : vector<1x128xf32>
    %broadcast_in_dim3A_69 = vector.shape_cast %gt3A_68 : vector<1x128xi1> to vector<1x128xi1>
    %broadcast_in_dim3A_70 = vector.broadcast %broadcast_in_dim3A_69 : vector<1x128xi1> to vector<2048x128xi1>
    %select_n3A_71 = arith.select %broadcast_in_dim3A_70, %select_n3A_57, %select_n3A_65 : vector<2048x128xi1>, vector<2048x128xf32>
    %get3A_72 = arith.constant 2 : index
    %get3A_73 = arith.constant 0 : index
    %get3A_74 = arith.constant 0 : index
    %get3A_75 = vector.load %arg1[%get3A_72, %get3A_73, %get3A_74] : memref<4x2048x128xf32, #tpu.memory_space<vmem>>, vector<1x2048x128xf32>
    %get3A_76 = vector.shape_cast %get3A_75 : vector<1x2048x128xf32> to vector<2048x128xf32>
    %get3A_77 = arith.constant 2 : index
    %get3A_78 = arith.constant 0 : index
    %get3A_79 = arith.constant 0 : index
    %get3A_80 = vector.load %arg2[%get3A_77, %get3A_78, %get3A_79] : memref<4x2048x128xf32, #tpu.memory_space<vmem>>, vector<1x2048x128xf32>
    %get3A_81 = vector.shape_cast %get3A_80 : vector<1x2048x128xf32> to vector<2048x128xf32>
    %gt3A_82 = arith.constant 0.000000e+00 : f32
    %gt3A_83 = vector.broadcast %gt3A_82 : f32 to vector<2048x1xf32>
    %gt3A_84 = arith.cmpf ogt, %broadcast_in_dim3A, %gt3A_83 : vector<2048x1xf32>
    %roll3A_85 = arith.constant 64 : i32
    %roll3A_86 = tpu.dynamic_rotate %get3A_76 by %roll3A_85 dim 1 : vector<2048x128xf32>, i32 -> vector<2048x128xf32>
    %broadcast_in_dim3A_87 = vector.shape_cast %gt3A_84 : vector<2048x1xi1> to vector<2048x1xi1>
    %broadcast_in_dim3A_88 = vector.broadcast %broadcast_in_dim3A_87 : vector<2048x1xi1> to vector<2048x128xi1>
    %select_n3A_89 = arith.select %broadcast_in_dim3A_88, %roll3A_86, %get3A_76 : vector<2048x128xi1>, vector<2048x128xf32>
    %gt3A_90 = arith.constant 0.000000e+00 : f32
    %gt3A_91 = vector.broadcast %gt3A_90 : f32 to vector<2048x1xf32>
    %gt3A_92 = arith.cmpf ogt, %broadcast_in_dim3A_10, %gt3A_91 : vector<2048x1xf32>
    %roll3A_93 = arith.constant 64 : i32
    %roll3A_94 = tpu.dynamic_rotate %get3A_81 by %roll3A_93 dim 1 : vector<2048x128xf32>, i32 -> vector<2048x128xf32>
    %broadcast_in_dim3A_95 = vector.shape_cast %gt3A_92 : vector<2048x1xi1> to vector<2048x1xi1>
    %broadcast_in_dim3A_96 = vector.broadcast %broadcast_in_dim3A_95 : vector<2048x1xi1> to vector<2048x128xi1>
    %select_n3A_97 = arith.select %broadcast_in_dim3A_96, %get3A_81, %roll3A_94 : vector<2048x128xi1>, vector<2048x128xf32>
    %gt3A_98 = arith.constant 0.000000e+00 : f32
    %gt3A_99 = vector.broadcast %gt3A_98 : f32 to vector<1x128xf32>
    %gt3A_100 = arith.cmpf ogt, %convert_element_type3A_2, %gt3A_99 : vector<1x128xf32>
    %broadcast_in_dim3A_101 = vector.shape_cast %gt3A_100 : vector<1x128xi1> to vector<1x128xi1>
    %broadcast_in_dim3A_102 = vector.broadcast %broadcast_in_dim3A_101 : vector<1x128xi1> to vector<2048x128xi1>
    %select_n3A_103 = arith.select %broadcast_in_dim3A_102, %select_n3A_89, %select_n3A_97 : vector<2048x128xi1>, vector<2048x128xf32>
    %get3A_104 = arith.constant 3 : index
    %get3A_105 = arith.constant 0 : index
    %get3A_106 = arith.constant 0 : index
    %get3A_107 = vector.load %arg1[%get3A_104, %get3A_105, %get3A_106] : memref<4x2048x128xf32, #tpu.memory_space<vmem>>, vector<1x2048x128xf32>
    %get3A_108 = vector.shape_cast %get3A_107 : vector<1x2048x128xf32> to vector<2048x128xf32>
    %get3A_109 = arith.constant 3 : index
    %get3A_110 = arith.constant 0 : index
    %get3A_111 = arith.constant 0 : index
    %get3A_112 = vector.load %arg2[%get3A_109, %get3A_110, %get3A_111] : memref<4x2048x128xf32, #tpu.memory_space<vmem>>, vector<1x2048x128xf32>
    %get3A_113 = vector.shape_cast %get3A_112 : vector<1x2048x128xf32> to vector<2048x128xf32>
    %gt3A_114 = arith.constant 0.000000e+00 : f32
    %gt3A_115 = vector.broadcast %gt3A_114 : f32 to vector<2048x1xf32>
    %gt3A_116 = arith.cmpf ogt, %broadcast_in_dim3A, %gt3A_115 : vector<2048x1xf32>
    %roll3A_117 = arith.constant 64 : i32
    %roll3A_118 = tpu.dynamic_rotate %get3A_108 by %roll3A_117 dim 1 : vector<2048x128xf32>, i32 -> vector<2048x128xf32>
    %broadcast_in_dim3A_119 = vector.shape_cast %gt3A_116 : vector<2048x1xi1> to vector<2048x1xi1>
    %broadcast_in_dim3A_120 = vector.broadcast %broadcast_in_dim3A_119 : vector<2048x1xi1> to vector<2048x128xi1>
    %select_n3A_121 = arith.select %broadcast_in_dim3A_120, %roll3A_118, %get3A_108 : vector<2048x128xi1>, vector<2048x128xf32>
    %gt3A_122 = arith.constant 0.000000e+00 : f32
    %gt3A_123 = vector.broadcast %gt3A_122 : f32 to vector<2048x1xf32>
    %gt3A_124 = arith.cmpf ogt, %broadcast_in_dim3A_10, %gt3A_123 : vector<2048x1xf32>
    %roll3A_125 = arith.constant 64 : i32
    %roll3A_126 = tpu.dynamic_rotate %get3A_113 by %roll3A_125 dim 1 : vector<2048x128xf32>, i32 -> vector<2048x128xf32>
    %broadcast_in_dim3A_127 = vector.shape_cast %gt3A_124 : vector<2048x1xi1> to vector<2048x1xi1>
    %broadcast_in_dim3A_128 = vector.broadcast %broadcast_in_dim3A_127 : vector<2048x1xi1> to vector<2048x128xi1>
    %select_n3A_129 = arith.select %broadcast_in_dim3A_128, %get3A_113, %roll3A_126 : vector<2048x128xi1>, vector<2048x128xf32>
    %gt3A_130 = arith.constant 0.000000e+00 : f32
    %gt3A_131 = vector.broadcast %gt3A_130 : f32 to vector<1x128xf32>
    %gt3A_132 = arith.cmpf ogt, %convert_element_type3A_2, %gt3A_131 : vector<1x128xf32>
    %broadcast_in_dim3A_133 = vector.shape_cast %gt3A_132 : vector<1x128xi1> to vector<1x128xi1>
    %broadcast_in_dim3A_134 = vector.broadcast %broadcast_in_dim3A_133 : vector<1x128xi1> to vector<2048x128xi1>
    %select_n3A_135 = arith.select %broadcast_in_dim3A_134, %select_n3A_121, %select_n3A_129 : vector<2048x128xi1>, vector<2048x128xf32>
    %broadcast_in_dim3A_136 = arith.constant 0.000000e+00 : f32
    %broadcast_in_dim3A_137 = vector.broadcast %broadcast_in_dim3A_136 : f32 to vector<2048x128xf32>
    %get3A_138 = arith.constant 0 : index
    %get3A_139 = arith.constant 0 : index
    %get3A_140 = arith.constant 0 : index
    %get3A_141 = vector.load %arg4[%get3A_138, %get3A_139, %get3A_140] : memref<4x128x128xf32, #tpu.memory_space<vmem>>, vector<1x128x128xf32>
    %get3A_142 = vector.shape_cast %get3A_141 : vector<1x128x128xf32> to vector<128x128xf32>
    %dot_general3A = arith.constant dense<0.000000e+00> : vector<2048x128xf32>
    %dot_general3A_143 = tpu.matmul %broadcast_in_dim3A_137, %get3A_142, %dot_general3A {dimension_numbers = #tpu.dot_dimension_numbers<[1], [0], [0], [1], [0, 0, 1, 1], [], []>, transpose_lhs_hint = false} : vector<2048x128xf32>, vector<128x128xf32>, vector<2048x128xf32> -> vector<2048x128xf32>
    %add3A = arith.addf %dot_general3A_143, %select_n3A_39 : vector<2048x128xf32>
    %get3A_144 = arith.constant 0 : index
    %get3A_145 = arith.constant 0 : index
    %get3A_146 = vector.load %arg5[%get3A_144, %get3A_145] : memref<4x128xf32, #tpu.memory_space<vmem>>, vector<1x128xf32>
    %get3A_147 = vector.shape_cast %get3A_146 : vector<1x128xf32> to vector<128xf32>
    %broadcast_in_dim3A_148 = vector.shape_cast %get3A_147 : vector<128xf32> to vector<1x128xf32>
    %add3A_149 = vector.broadcast %broadcast_in_dim3A_148 : vector<1x128xf32> to vector<2048x128xf32>
    %add3A_150 = arith.addf %add3A, %add3A_149 : vector<2048x128xf32>
    %get3A_151 = arith.constant 1 : index
    %get3A_152 = arith.constant 0 : index
    %get3A_153 = arith.constant 0 : index
    %get3A_154 = vector.load %arg4[%get3A_151, %get3A_152, %get3A_153] : memref<4x128x128xf32, #tpu.memory_space<vmem>>, vector<1x128x128xf32>
    %get3A_155 = vector.shape_cast %get3A_154 : vector<1x128x128xf32> to vector<128x128xf32>
    %dot_general3A_156 = arith.constant dense<0.000000e+00> : vector<2048x128xf32>
    %dot_general3A_157 = tpu.matmul %broadcast_in_dim3A_137, %get3A_155, %dot_general3A_156 {dimension_numbers = #tpu.dot_dimension_numbers<[1], [0], [0], [1], [0, 0, 1, 1], [], []>, transpose_lhs_hint = false} : vector<2048x128xf32>, vector<128x128xf32>, vector<2048x128xf32> -> vector<2048x128xf32>
    %add3A_158 = arith.addf %dot_general3A_157, %select_n3A_71 : vector<2048x128xf32>
    %get3A_159 = arith.constant 1 : index
    %get3A_160 = arith.constant 0 : index
    %get3A_161 = vector.load %arg5[%get3A_159, %get3A_160] : memref<4x128xf32, #tpu.memory_space<vmem>>, vector<1x128xf32>
    %get3A_162 = vector.shape_cast %get3A_161 : vector<1x128xf32> to vector<128xf32>
    %broadcast_in_dim3A_163 = vector.shape_cast %get3A_162 : vector<128xf32> to vector<1x128xf32>
    %add3A_164 = vector.broadcast %broadcast_in_dim3A_163 : vector<1x128xf32> to vector<2048x128xf32>
    %add3A_165 = arith.addf %add3A_158, %add3A_164 : vector<2048x128xf32>
    %get3A_166 = arith.constant 2 : index
    %get3A_167 = arith.constant 0 : index
    %get3A_168 = arith.constant 0 : index
    %get3A_169 = vector.load %arg4[%get3A_166, %get3A_167, %get3A_168] : memref<4x128x128xf32, #tpu.memory_space<vmem>>, vector<1x128x128xf32>
    %get3A_170 = vector.shape_cast %get3A_169 : vector<1x128x128xf32> to vector<128x128xf32>
    %dot_general3A_171 = arith.constant dense<0.000000e+00> : vector<2048x128xf32>
    %dot_general3A_172 = tpu.matmul %broadcast_in_dim3A_137, %get3A_170, %dot_general3A_171 {dimension_numbers = #tpu.dot_dimension_numbers<[1], [0], [0], [1], [0, 0, 1, 1], [], []>, transpose_lhs_hint = false} : vector<2048x128xf32>, vector<128x128xf32>, vector<2048x128xf32> -> vector<2048x128xf32>
    %add3A_173 = arith.addf %dot_general3A_172, %select_n3A_103 : vector<2048x128xf32>
    %get3A_174 = arith.constant 2 : index
    %get3A_175 = arith.constant 0 : index
    %get3A_176 = vector.load %arg5[%get3A_174, %get3A_175] : memref<4x128xf32, #tpu.memory_space<vmem>>, vector<1x128xf32>
    %get3A_177 = vector.shape_cast %get3A_176 : vector<1x128xf32> to vector<128xf32>
    %broadcast_in_dim3A_178 = vector.shape_cast %get3A_177 : vector<128xf32> to vector<1x128xf32>
    %add3A_179 = vector.broadcast %broadcast_in_dim3A_178 : vector<1x128xf32> to vector<2048x128xf32>
    %add3A_180 = arith.addf %add3A_173, %add3A_179 : vector<2048x128xf32>
    %get3A_181 = arith.constant 3 : index
    %get3A_182 = arith.constant 0 : index
    %get3A_183 = arith.constant 0 : index
    %get3A_184 = vector.load %arg4[%get3A_181, %get3A_182, %get3A_183] : memref<4x128x128xf32, #tpu.memory_space<vmem>>, vector<1x128x128xf32>
    %get3A_185 = vector.shape_cast %get3A_184 : vector<1x128x128xf32> to vector<128x128xf32>
    %dot_general3A_186 = arith.constant dense<0.000000e+00> : vector<2048x128xf32>
    %dot_general3A_187 = tpu.matmul %broadcast_in_dim3A_137, %get3A_185, %dot_general3A_186 {dimension_numbers = #tpu.dot_dimension_numbers<[1], [0], [0], [1], [0, 0, 1, 1], [], []>, transpose_lhs_hint = false} : vector<2048x128xf32>, vector<128x128xf32>, vector<2048x128xf32> -> vector<2048x128xf32>
    %add3A_188 = arith.addf %dot_general3A_187, %select_n3A_135 : vector<2048x128xf32>
    %get3A_189 = arith.constant 3 : index
    %get3A_190 = arith.constant 0 : index
    %get3A_191 = vector.load %arg5[%get3A_189, %get3A_190] : memref<4x128xf32, #tpu.memory_space<vmem>>, vector<1x128xf32>
    %get3A_192 = vector.shape_cast %get3A_191 : vector<1x128xf32> to vector<128xf32>
    %broadcast_in_dim3A_193 = vector.shape_cast %get3A_192 : vector<128xf32> to vector<1x128xf32>
    %add3A_194 = vector.broadcast %broadcast_in_dim3A_193 : vector<1x128xf32> to vector<2048x128xf32>
    %add3A_195 = arith.addf %add3A_188, %add3A_194 : vector<2048x128xf32>
    %logistic3A = arith.negf %add3A_150 : vector<2048x128xf32>
    %logistic3A_196 = math.exp %logistic3A : vector<2048x128xf32>
    %logistic3A_197 = arith.constant 1.000000e+00 : f32
    %logistic3A_198 = vector.broadcast %logistic3A_197 : f32 to vector<2048x128xf32>
    %logistic3A_199 = arith.addf %logistic3A_198, %logistic3A_196 : vector<2048x128xf32>
    %logistic3A_200 = arith.divf %logistic3A_198, %logistic3A_199 : vector<2048x128xf32>
    %logistic3A_201 = arith.negf %add3A_165 : vector<2048x128xf32>
    %logistic3A_202 = math.exp %logistic3A_201 : vector<2048x128xf32>
    %logistic3A_203 = arith.constant 1.000000e+00 : f32
    %logistic3A_204 = vector.broadcast %logistic3A_203 : f32 to vector<2048x128xf32>
    %logistic3A_205 = arith.addf %logistic3A_204, %logistic3A_202 : vector<2048x128xf32>
    %logistic3A_206 = arith.divf %logistic3A_204, %logistic3A_205 : vector<2048x128xf32>
    %tanh3A = math.tanh %add3A_180 : vector<2048x128xf32>
    %logistic3A_207 = arith.negf %add3A_195 : vector<2048x128xf32>
    %logistic3A_208 = math.exp %logistic3A_207 : vector<2048x128xf32>
    %logistic3A_209 = arith.constant 1.000000e+00 : f32
    %logistic3A_210 = vector.broadcast %logistic3A_209 : f32 to vector<2048x128xf32>
    %logistic3A_211 = arith.addf %logistic3A_210, %logistic3A_208 : vector<2048x128xf32>
    %logistic3A_212 = arith.divf %logistic3A_210, %logistic3A_211 : vector<2048x128xf32>
    %mul3A = arith.mulf %logistic3A_200, %broadcast_in_dim3A_137 : vector<2048x128xf32>
    %mul3A_213 = arith.mulf %logistic3A_206, %tanh3A : vector<2048x128xf32>
    %add3A_214 = arith.addf %mul3A, %mul3A_213 : vector<2048x128xf32>
    %tanh3A_215 = math.tanh %add3A_214 : vector<2048x128xf32>
    %mul3A_216 = arith.mulf %logistic3A_212, %tanh3A_215 : vector<2048x128xf32>
    %get3A_217 = arith.constant 0 : index
    %get3A_218 = arith.constant 0 : index
    %get3A_219 = arith.constant 0 : index
    %get3A_220 = vector.load %arg4[%get3A_217, %get3A_218, %get3A_219] : memref<4x128x128xf32, #tpu.memory_space<vmem>>, vector<1x128x128xf32>
    %get3A_221 = vector.shape_cast %get3A_220 : vector<1x128x128xf32> to vector<128x128xf32>
    %dot_general3A_222 = arith.constant dense<0.000000e+00> : vector<2048x128xf32>
    %dot_general3A_223 = tpu.matmul %mul3A_216, %get3A_221, %dot_general3A_222 {dimension_numbers = #tpu.dot_dimension_numbers<[1], [0], [0], [1], [0, 0, 1, 1], [], []>, transpose_lhs_hint = false} : vector<2048x128xf32>, vector<128x128xf32>, vector<2048x128xf32> -> vector<2048x128xf32>
    %add3A_224 = arith.addf %dot_general3A_223, %select_n3A_39 : vector<2048x128xf32>
    %get3A_225 = arith.constant 0 : index
    %get3A_226 = arith.constant 0 : index
    %get3A_227 = vector.load %arg5[%get3A_225, %get3A_226] : memref<4x128xf32, #tpu.memory_space<vmem>>, vector<1x128xf32>
    %get3A_228 = vector.shape_cast %get3A_227 : vector<1x128xf32> to vector<128xf32>
    %broadcast_in_dim3A_229 = vector.shape_cast %get3A_228 : vector<128xf32> to vector<1x128xf32>
    %add3A_230 = vector.broadcast %broadcast_in_dim3A_229 : vector<1x128xf32> to vector<2048x128xf32>
    %add3A_231 = arith.addf %add3A_224, %add3A_230 : vector<2048x128xf32>
    %get3A_232 = arith.constant 1 : index
    %get3A_233 = arith.constant 0 : index
    %get3A_234 = arith.constant 0 : index
    %get3A_235 = vector.load %arg4[%get3A_232, %get3A_233, %get3A_234] : memref<4x128x128xf32, #tpu.memory_space<vmem>>, vector<1x128x128xf32>
    %get3A_236 = vector.shape_cast %get3A_235 : vector<1x128x128xf32> to vector<128x128xf32>
    %dot_general3A_237 = arith.constant dense<0.000000e+00> : vector<2048x128xf32>
    %dot_general3A_238 = tpu.matmul %mul3A_216, %get3A_236, %dot_general3A_237 {dimension_numbers = #tpu.dot_dimension_numbers<[1], [0], [0], [1], [0, 0, 1, 1], [], []>, transpose_lhs_hint = false} : vector<2048x128xf32>, vector<128x128xf32>, vector<2048x128xf32> -> vector<2048x128xf32>
    %add3A_239 = arith.addf %dot_general3A_238, %select_n3A_71 : vector<2048x128xf32>
    %get3A_240 = arith.constant 1 : index
    %get3A_241 = arith.constant 0 : index
    %get3A_242 = vector.load %arg5[%get3A_240, %get3A_241] : memref<4x128xf32, #tpu.memory_space<vmem>>, vector<1x128xf32>
    %get3A_243 = vector.shape_cast %get3A_242 : vector<1x128xf32> to vector<128xf32>
    %broadcast_in_dim3A_244 = vector.shape_cast %get3A_243 : vector<128xf32> to vector<1x128xf32>
    %add3A_245 = vector.broadcast %broadcast_in_dim3A_244 : vector<1x128xf32> to vector<2048x128xf32>
    %add3A_246 = arith.addf %add3A_239, %add3A_245 : vector<2048x128xf32>
    %get3A_247 = arith.constant 2 : index
    %get3A_248 = arith.constant 0 : index
    %get3A_249 = arith.constant 0 : index
    %get3A_250 = vector.load %arg4[%get3A_247, %get3A_248, %get3A_249] : memref<4x128x128xf32, #tpu.memory_space<vmem>>, vector<1x128x128xf32>
    %get3A_251 = vector.shape_cast %get3A_250 : vector<1x128x128xf32> to vector<128x128xf32>
    %dot_general3A_252 = arith.constant dense<0.000000e+00> : vector<2048x128xf32>
    %dot_general3A_253 = tpu.matmul %mul3A_216, %get3A_251, %dot_general3A_252 {dimension_numbers = #tpu.dot_dimension_numbers<[1], [0], [0], [1], [0, 0, 1, 1], [], []>, transpose_lhs_hint = false} : vector<2048x128xf32>, vector<128x128xf32>, vector<2048x128xf32> -> vector<2048x128xf32>
    %add3A_254 = arith.addf %dot_general3A_253, %select_n3A_103 : vector<2048x128xf32>
    %get3A_255 = arith.constant 2 : index
    %get3A_256 = arith.constant 0 : index
    %get3A_257 = vector.load %arg5[%get3A_255, %get3A_256] : memref<4x128xf32, #tpu.memory_space<vmem>>, vector<1x128xf32>
    %get3A_258 = vector.shape_cast %get3A_257 : vector<1x128xf32> to vector<128xf32>
    %broadcast_in_dim3A_259 = vector.shape_cast %get3A_258 : vector<128xf32> to vector<1x128xf32>
    %add3A_260 = vector.broadcast %broadcast_in_dim3A_259 : vector<1x128xf32> to vector<2048x128xf32>
    %add3A_261 = arith.addf %add3A_254, %add3A_260 : vector<2048x128xf32>
    %get3A_262 = arith.constant 3 : index
    %get3A_263 = arith.constant 0 : index
    %get3A_264 = arith.constant 0 : index
    %get3A_265 = vector.load %arg4[%get3A_262, %get3A_263, %get3A_264] : memref<4x128x128xf32, #tpu.memory_space<vmem>>, vector<1x128x128xf32>
    %get3A_266 = vector.shape_cast %get3A_265 : vector<1x128x128xf32> to vector<128x128xf32>
    %dot_general3A_267 = arith.constant dense<0.000000e+00> : vector<2048x128xf32>
    %dot_general3A_268 = tpu.matmul %mul3A_216, %get3A_266, %dot_general3A_267 {dimension_numbers = #tpu.dot_dimension_numbers<[1], [0], [0], [1], [0, 0, 1, 1], [], []>, transpose_lhs_hint = false} : vector<2048x128xf32>, vector<128x128xf32>, vector<2048x128xf32> -> vector<2048x128xf32>
    %add3A_269 = arith.addf %dot_general3A_268, %select_n3A_135 : vector<2048x128xf32>
    %get3A_270 = arith.constant 3 : index
    %get3A_271 = arith.constant 0 : index
    %get3A_272 = vector.load %arg5[%get3A_270, %get3A_271] : memref<4x128xf32, #tpu.memory_space<vmem>>, vector<1x128xf32>
    %get3A_273 = vector.shape_cast %get3A_272 : vector<1x128xf32> to vector<128xf32>
    %broadcast_in_dim3A_274 = vector.shape_cast %get3A_273 : vector<128xf32> to vector<1x128xf32>
    %add3A_275 = vector.broadcast %broadcast_in_dim3A_274 : vector<1x128xf32> to vector<2048x128xf32>
    %add3A_276 = arith.addf %add3A_269, %add3A_275 : vector<2048x128xf32>
    %logistic3A_277 = arith.negf %add3A_231 : vector<2048x128xf32>
    %logistic3A_278 = math.exp %logistic3A_277 : vector<2048x128xf32>
    %logistic3A_279 = arith.constant 1.000000e+00 : f32
    %logistic3A_280 = vector.broadcast %logistic3A_279 : f32 to vector<2048x128xf32>
    %logistic3A_281 = arith.addf %logistic3A_280, %logistic3A_278 : vector<2048x128xf32>
    %logistic3A_282 = arith.divf %logistic3A_280, %logistic3A_281 : vector<2048x128xf32>
    %logistic3A_283 = arith.negf %add3A_246 : vector<2048x128xf32>
    %logistic3A_284 = math.exp %logistic3A_283 : vector<2048x128xf32>
    %logistic3A_285 = arith.constant 1.000000e+00 : f32
    %logistic3A_286 = vector.broadcast %logistic3A_285 : f32 to vector<2048x128xf32>
    %logistic3A_287 = arith.addf %logistic3A_286, %logistic3A_284 : vector<2048x128xf32>
    %logistic3A_288 = arith.divf %logistic3A_286, %logistic3A_287 : vector<2048x128xf32>
    %tanh3A_289 = math.tanh %add3A_261 : vector<2048x128xf32>
    %logistic3A_290 = arith.negf %add3A_276 : vector<2048x128xf32>
    %logistic3A_291 = math.exp %logistic3A_290 : vector<2048x128xf32>
    %logistic3A_292 = arith.constant 1.000000e+00 : f32
    %logistic3A_293 = vector.broadcast %logistic3A_292 : f32 to vector<2048x128xf32>
    %logistic3A_294 = arith.addf %logistic3A_293, %logistic3A_291 : vector<2048x128xf32>
    %logistic3A_295 = arith.divf %logistic3A_293, %logistic3A_294 : vector<2048x128xf32>
    %mul3A_296 = arith.mulf %logistic3A_282, %add3A_214 : vector<2048x128xf32>
    %mul3A_297 = arith.mulf %logistic3A_288, %tanh3A_289 : vector<2048x128xf32>
    %add3A_298 = arith.addf %mul3A_296, %mul3A_297 : vector<2048x128xf32>
    %tanh3A_299 = math.tanh %add3A_298 : vector<2048x128xf32>
    %mul3A_300 = arith.mulf %logistic3A_295, %tanh3A_299 : vector<2048x128xf32>
    %roll3A_301 = arith.constant 64 : i32
    %roll3A_302 = tpu.dynamic_rotate %mul3A_300 by %roll3A_301 dim 1 : vector<2048x128xf32>, i32 -> vector<2048x128xf32>
    %mul3A_303 = arith.mulf %mul3A_300, %roll3A_302 : vector<2048x128xf32>
    %mul3A_304 = vector.broadcast %convert_element_type3A_2 : vector<1x128xf32> to vector<2048x128xf32>
    %mul3A_305 = arith.mulf %mul3A_303, %mul3A_304 : vector<2048x128xf32>
    %reduce_sum3A = arith.constant dense<0.000000e+00> : vector<2048xf32>
    %reduce_sum3A_306 = vector.multi_reduction <add>, %mul3A_305, %reduce_sum3A [1] : vector<2048x128xf32> to vector<2048xf32>
    %swap3A = arith.constant 0 : index
    %swap3A_307 = vector.load %arg6[%swap3A] : memref<2048xf32, #tpu.memory_space<vmem>>, vector<2048xf32>
    tpu.vector_store %arg6[%swap3A], %reduce_sum3A_306 {strides = array<i32>} : memref<2048xf32, #tpu.memory_space<vmem>>, vector<2048xf32>,
    return
  }
  func.func @transform_0(%arg0: i32) -> (i32, i32, i32) {
    %c0_i32 = arith.constant 0 : i32
    %c0_i32_0 = arith.constant 0 : i32
    %c0_i32_1 = arith.constant 0 : i32
    return %c0_i32, %arg0, %c0_i32_0 : i32, i32, i32
  }
  func.func @transform_1(%arg0: i32) -> (i32, i32, i32) {
    %c0_i32 = arith.constant 0 : i32
    %c0_i32_0 = arith.constant 0 : i32
    %c0_i32_1 = arith.constant 0 : i32
    return %c0_i32, %arg0, %c0_i32_0 : i32, i32, i32
  }
  func.func @transform_2(%arg0: i32) -> (i32, i32) {
    %c0_i32 = arith.constant 0 : i32
    %c0_i32_0 = arith.constant 0 : i32
    return %c0_i32, %arg0 : i32, i32
  }
  func.func @transform_3(%arg0: i32) -> (i32, i32, i32) {
    %c0_i32 = arith.constant 0 : i32
    %c0_i32_0 = arith.constant 0 : i32
    %c0_i32_1 = arith.constant 0 : i32
    %c0_i32_2 = arith.constant 0 : i32
    return %c0_i32, %c0_i32_0, %c0_i32_1 : i32, i32, i32
  }
  func.func @transform_4(%arg0: i32) -> (i32, i32) {
    %c0_i32 = arith.constant 0 : i32
    %c0_i32_0 = arith.constant 0 : i32
    %c0_i32_1 = arith.constant 0 : i32
    return %c0_i32, %c0_i32_0 : i32, i32
  }
  func.func @transform_5(%arg0: i32) -> i32 {
    %c0_i32 = arith.constant 0 : i32
    return %arg0 : i32
  }
}

</mosaic_0001>

<sc_bundles>
// kernel: kernel.10.cloned.1.call-start
scs
__scs_entry_jumppad:
0x0: {  	(pc) =	sbr.rel $0x88, $3  }
0x1: {  	(tag) =	ssettag $0x0;
	lr =	simm.s32 $0x1  }
0x2: {  	[smem:$0x3F9A] =	sst lr;
	_ =	strace $0xD0000000  }
0x3: {  	_ = 	snop  }
0x4: {  	_ = 	snop  }
0x5: {  	_ = 	snop  }
0x6: {  	_ = 	snop  }
0x7: {  	_ = 	snop  }
__scs_overlays_trampoline_lowered:
0x8: {  	[smem:$0x3FA9] =	sst s0  }
0x9: {  	[smem:$0x3FAA] =	sst s1  }
0xa: {  	[smem:$0x3FAB] =	sst s2  }
0xb: {  	[smem:$0x3FAC] =	sst s3  }
0xc: {  	[smem:$0x3FAD] =	sst s4  }
0xd: {  	[smem:$0x3FAE] =	sst s5  }
0xe: {  	[smem:$0x3FAF] =	sst s6  }
0xf: {  	[smem:$0x3FB0] =	sst s7  }
0x10: {  	[smem:$0x3FB1] =	sst s8  }
0x11: {  	[smem:$0x3FB2] =	sst s9;
	s0 =	simm.s32 @!p0 $0x0  }
0x12: {  	s1 =	sld [smem:$0x3F98];
	s0 =	simm.s32 @p0 $0x1  }
0x13: {  	[smem:$0x3FB3] =	sst s0;
	s0 =	simm.s32 @!p1 $0x0  }
0x14: {  	s2 =	sld [smem:$0x3F97];
	s0 =	simm.s32 @p1 $0x1  }
0x15: {  	[smem:$0x3FB4] =	sst s0;
	s0 =	simm.s32 @!p2 $0x0  }
0x16: {  	s3 =	sld [smem:$0x3FDB];
	s0 =	simm.s32 @p2 $0x1  }
0x17: {  	s4 =	simm.s32 $0x1BF5;
	[smem:$0x3FB6] =	sst s0  }
0x18: {  	s0 =	sld [smem:$0x3F99];
	_ =	swait.ge [sflag:s4], $0x0  }
0x19: {  	s7 =	sld [smem:$0x3F9A]  }
0x1a: {  	s8 =	sadd.s32 $0xFFFFE003, lr  }
0x1b: {  	s9 =	sadd.s32 $0xFFFFFEF7, lr;
	s5 =	simm.s32 $0xFFFFFFFF;
	p2 =	slt.u32 s8, $0xFFFFF086  }
0x1c: {  	p1 =	slt.u32 s9, $0xF7A;
	s5 =	simm.s32 @!p2 $0x0  }
0x1d: {  	s5 =	simm.s32 @p1 $0x1;
	p0 =	seq.s32 s7, s2  }
0x1e: {  	s7 =	smul.u32 @!p0 $0xF7A, s2;
	p2 =	seq.s32 @!p0 s5, $0x0  }
0x1f: {  	s9 =	smul.u32 $0xF7A, s1;
	s8 =	simm.s32 @!p0 $0x1BF5;
	p2 =	por !p2, p0  }
0x20: {  	[sflag:s8] =	ssyncset.s32 @!p0 $0xFFFFF086;
	s6 =	sadd.s32 @!p0 s3, s7;
	s7 =	simm.s32 @!p0 $0x108  }
0x21: {  	s3 =	sadd.s32 s3, s9;
	s6 =	sadd.s32 @!p0 $0x88, s6;
	s7 =	simm.s32 @p2 $0x1082  }
0x22: {  	[simem:s7], [sflag:s8] =	dma.local @!p0 [hbm:s6], $0xF7A  }
0x23: {  	s9 =	sor.u32 $0xD0000000, s2;
	s6 =	simm.s32 $0x108;
	_ =	swait.ge @!p0 [sflag:s8], $0x0  }
0x24: {  	s3 =	sadd.s32 $0x88, s3;
	s6 =	simm.s32 @!p1 $0x1082;
	[sflag:s4] =	ssyncset.s32 $0xFFFFF086  }
0x25: {  	[simem:s6], [sflag:s4] =	dma.local [hbm:s3], $0xF7A  }
0x26: {  	[smem:$0x3F9A] =	sst s1;
	(tag) =	ssettag s2;
	_ =	strace s9  }
0x27: {  	s1 =	sld [smem:$0x3FAA]  }
0x28: {  	s2 =	sld [smem:$0x3FAB]  }
0x29: {  	s4 =	sld [smem:$0x3FAD]  }
0x2a: {  	p0 =	seq.s32 s5, $0x0;
	s5 =	sld [smem:$0x3FAE]  }
0x2b: {  	s6 =	sld [smem:$0x3FAF]  }
0x2c: {  	s7 =	sld [smem:$0x3FB0]  }
0x2d: {  	s3 =	simm.s32 $0x108;
	s8 =	sld [smem:$0x3FB1]  }
0x2e: {  	s3 =	simm.s32 @!p0 $0x1082;
	s9 =	sld [smem:$0x3FB2]  }
0x2f: {  	lr =	sadd.s32 s0, s3;
	s0 =	sld [smem:$0x3FA9]  }
0x30: {  	s3 =	sld [smem:$0x3FAC]  }
0x31: {  	[smem:$0x3FB5] =	sst s10  }
0x32: {  	s10 =	sld [smem:$0x3FB3];
	_ =	sdelay $0x3  }
0x33: {  	p0 =	seq.s32 s10, $0x1;
	s10 =	sld [smem:$0x3FB5];
	_ =	sdelay $0x3  }
0x34: {  	[smem:$0x3FB5] =	sst s10  }
0x35: {  	s10 =	sld [smem:$0x3FB4];
	_ =	sdelay $0x3  }
0x36: {  	p1 =	seq.s32 s10, $0x1;
	s10 =	sld [smem:$0x3FB5];
	_ =	sdelay $0x3  }
0x37: {  	[smem:$0x3FB5] =	sst s10  }
0x38: {  	s10 =	sld [smem:$0x3FB6]  }
0x39: {  	_ = 	snop;
	(pc) =	sbr.ind lr, $3  }
0x3a: {  	_ = 	snop  }
0x3b: {  	_ = 	snop  }
0x3c: {  	p2 =	seq.s32 s10, $0x1;
	s10 =	sld [smem:$0x3FB5]  }
0x3d: {  	_ =	shalt  }
0x3e: {  	_ =	shalt  }
0x3f: {  	_ =	shalt  }
0x40: {  	_ =	shalt  }
0x41: {  	_ =	shalt  }
0x42: {  	_ =	shalt  }
0x43: {  	_ =	shalt  }
0x44: {  	_ =	shalt  }
0x45: {  	_ =	shalt  }
0x46: {  	_ =	shalt  }
0x47: {  	_ =	shalt  }
0x48: {  	_ =	shalt  }
0x49: {  	_ =	shalt  }
0x4a: {  	_ =	shalt  }
0x4b: {  	_ =	shalt  }
0x4c: {  	_ =	shalt  }
0x4d: {  	_ =	shalt  }
0x4e: {  	_ =	shalt  }
0x4f: {  	_ =	shalt  }
0x50: {  	_ =	shalt  }
0x51: {  	_ =	shalt  }
0x52: {  	_ =	shalt  }
0x53: {  	_ =	shalt  }
0x54: {  	_ =	shalt  }
0x55: {  	_ =	shalt  }
0x56: {  	_ =	shalt  }
0x57: {  	_ =	shalt  }
0x58: {  	_ =	shalt  }
0x59: {  	_ =	shalt  }
0x5a: {  	_ =	shalt  }
0x5b: {  	_ =	shalt  }
0x5c: {  	_ =	shalt  }
0x5d: {  	_ =	shalt  }
0x5e: {  	_ =	shalt  }
0x5f: {  	_ =	shalt  }
0x60: {  	_ =	shalt  }
0x61: {  	_ =	shalt  }
0x62: {  	_ =	shalt  }
0x63: {  	_ =	shalt  }
0x64: {  	_ =	shalt  }
0x65: {  	_ =	shalt  }
0x66: {  	_ =	shalt  }
0x67: {  	_ =	shalt  }
0x68: {  	_ =	shalt  }
0x69: {  	_ =	shalt  }
0x6a: {  	_ =	shalt  }
0x6b: {  	_ =	shalt  }
0x6c: {  	_ =	shalt  }
0x6d: {  	_ =	shalt  }
0x6e: {  	_ =	shalt  }
0x6f: {  	_ =	shalt  }
0x70: {  	_ =	shalt  }
0x71: {  	_ =	shalt  }
0x72: {  	_ =	shalt  }
0x73: {  	_ =	shalt  }
0x74: {  	_ =	shalt  }
0x75: {  	_ =	shalt  }
0x76: {  	_ =	shalt  }
0x77: {  	_ =	shalt  }
0x78: {  	_ =	shalt  }
0x79: {  	_ =	shalt  }
0x7a: {  	_ =	shalt  }
0x7b: {  	_ =	shalt  }
0x7c: {  	_ =	shalt  }
0x7d: {  	_ =	shalt  }
0x7e: {  	_ =	shalt  }
0x7f: {  	_ =	shalt  }
0x80: {  	_ =	shalt  }
0x81: {  	_ =	shalt  }
0x82: {  	_ =	shalt  }
0x83: {  	_ =	shalt  }
0x84: {  	_ =	shalt  }
0x85: {  	_ =	shalt  }
0x86: {  	_ =	shalt  }
0x87: {  	_ =	shalt  }
.Lfunc_end0:
.L_simem_size_0:
called_computation.1_lowered:
.L_overlay_start_0:
0x88: {  	s2 =	sld [smem:$0x3FD9]  }
0x89: {  	s3 =	sld [smem:$0x3FFE];
	_ =	sdelay $0x1  }
0x8a: {  	s1 =	srdreg.scid  }
0x8b: {  	s0 =	sand.u32 $0x1, s1  }
0x8c: {  	s17 =	sshll.u32 s0, $0xA;
	s2 =	sadd.s32 s3, s2  }
0x8d: {  	s2 =	sadd.s32 s2, s17  }
0x8e: {  	[smem:$0x3FC1] =	sst s2  }
0x8f: {  	_ = 	snop  }
0x90: {  	s18 =	sld [smem:$0x3FD0];
	(tm) =	ssettm $0x1  }
0x91: {  	s19 =	sld [smem:$0x3FFB];
	_ =	sdelay $0x3  }
0x92: {  	_ =	strace s19  }
0x93: {  	s2 =	sld [smem:$0x3FFC];
	_ =	sdelay $0x3  }
0x94: {  	_ =	strace s2  }
0x95: {  	s2 =	sld [smem:$0x3FFD];
	_ =	sdelay $0x3  }
0x96: {  	_ =	strace s2  }
0x97: {  	_ =	strace $0x8FFFFFFF  }
0x98: {  	s20 =	sld [smem:$0x3FDB];
	_ =	sdelay $0x1  }
0x99: {  	s4 =	simm.s32 $_scs_section_size  }
0x9a: {  	s5 =	simm.s32 $_size__tile_overlayer_lowered;
	s6 =	simm.s32 $_tile_overlayer_lowered  }
0x9b: {  	s7 =	simm.s32 $0x1BFF;
	s21 =	sshll.u32 s6, $0x1;
	s4 =	sadd.s32 s4, s20  }
0x9c: {  	s22 =	simm.s32 $0x0;
	s5 =	sshll.u32 s5, $0x1;
	s6 =	sadd.s32 s21, s4  }
0x9d: {  	[timem:s22], [sflag:s7] =	dma.local [hbm:s6], s5  }
0x9e: {  	_ =	swait.ge [sflag:s7], s5  }
0x9f: {  	s5 =	ssub.s32 $0x0, s5;
	[sflag:s7] =	ssyncset.done $0x0  }
0xa0: {  	[sflag:s7] =	ssyncadd.s32 s5;
	_ =	sdelay $0x1  }
0xa1: {  	s23 =	simm.s32 $0x1B8B  }
0xa2: {  	_ =	swait.ge [sflag:s23], $0x1  }
0xa3: {  	[sflag:s23] =	ssyncset.done $0x0  }
0xa4: {  	[sflag:s23] =	ssyncadd.s32 $0xFFFFFFFF  }
0xa5: {  	s5 =	sld [smem:$0x0]  }
0xa6: {  	s6 =	sand.u32 $0xFFFFFFFE, s1  }
0xa7: {  	p0 =	sne.s32 s1, s6  }
0xa8: {  	s6 =	sshll.u32 @p0 s6, $0xE  }
0xa9: {  	s6 =	sadd.s32 @p0 $0x11B8D, s6;
	s7 =	sshll.u32 @p0 s5, $0x11  }
0xaa: {  	s6 =	sor.u32 @p0 s7, s6  }
0xab: {  	[sflag:s6] =	ssyncadd.remote.s32 @p0 $0x1;
	_ =	sdelay $0x1  }
0xac: {  	s6 =	simm.s32 @p0 $0x1B8D  }
0xad: {  	_ =	swait.eq @p0 [sflag:s6], $0x1  }
0xae: {  	[sflag:s6] =	ssyncadd.s32 @p0 $0xFFFFFFFF  }
0xaf: {  	s7 =	sshll.u32 @!p0 s1, $0xE  }
0xb0: {  	s7 =	sor.u32 @!p0 $0x4000, s7;
	s6 =	simm.s32 @!p0 $0x1B8D  }
0xb1: {  	s5 =	sshll.u32 @!p0 s5, $0x11;
	s7 =	sadd.s32 @!p0 $0x11B8D, s7;
	_ =	swait.eq @!p0 [sflag:s6], $0x1  }
0xb2: {  	s5 =	sor.u32 @!p0 s5, s7;
	[sflag:s6] =	ssyncadd.s32 @!p0 $0xFFFFFFFF  }
0xb3: {  	s25 =	simm.s32 $0x1B8E;
	s24 =	sld [smem:$0x3FFE];
	[sflag:s5] =	ssyncadd.remote.s32 @!p0 $0x1  }
0xb4: {  	s26 =	simm.s32 $execute0_lowered;
	[smem:$0x3FD2] =	sst s25  }
0xb5: {  	s6 =	sshll.u32 s26, $0x1;
	_ =	strace $0x80000049;
	[dreg:$0x1] =	wrdreg $0xFFFFFFFF  }
0xb6: {  	s28 =	simm.s32 $_size_execute0_lowered;
	s4 =	sadd.s32 s4, s6;
	[dreg:$0x0] =	wrdreg $0x0  }
0xb7: {  	s6 =	sshll.u32 s28, $0x1;
	[dreg:$0x2] =	wrdreg s4  }
0xb8: {  	[dreg:$0x3] =	wrdreg s6  }
0xb9: {  	[dreg:$0x4] =	wrdreg $0xC0  }
0xba: {  	_ =	task [dreg:s22], $0x5FFFF  }
0xbb: {  	[dreg:$0x1] =	wrdreg $0xFFFFFFFF  }
0xbc: {  	[dreg:$0x0] =	wrdreg $0x60  }
0xbd: {  	[dreg:$0x2] =	wrdreg s24  }
0xbe: {  	[dreg:$0x3] =	wrdreg s18  }
0xbf: {  	[dreg:$0x4] =	wrdreg $0xA  }
0xc0: {  	_ =	task.clear_ibuf [dreg:s22], $0x5FFFF;
	_ =	strace $0x90000049  }
0xc1: {  	s29 =	simm.s32 $0xA;
	_ =	strace $0x8000004B  }
0xc2: {  	_ =	swait.ge [sflag:s29], $0x1  }
0xc3: {  	[sflag:s29] =	ssyncadd.s32 $0xFFFFFFFF  }
0xc4: {  	_ =	strace $0x9000004B  }
0xc5: {  	_ =	sfence  }
0xc6: {  	s30 =	sld [smem:$0x0];
	_ =	sdelay $0x2  }
0xc7: {  	s31 =	sshll.u32 s1, $0xD;
	s1 =	sshrl.u32 s1, $0x2  }
0xc8: {  	s4 =	sand.u32 $0x4000, s31;
	s1 =	sadd.s32 s1, s30  }
0xc9: {  	s0 =	sor.u32 s4, s0;
	s1 =	sshll.u32 s1, $0x11  }
0xca: {  	s0 =	sor.u32 s1, s0  }
0xcb: {  	s0 =	sadd.s32 $0x8F2B, s0  }
0xcc: {  	[sflag:s0] =	ssyncadd.remote.s32 $0x1  }
0xcd: {  	_ =	sfence.sel $0xFFFF  }
0xce: {  	[dreg:$0x0] =	wrdreg $0xFFFFFFFF;
	(pc) =	sbr.abs _section_cstart, $3  }
0xcf: {  	[dreg:$0x1] =	wrdreg $0xFFFFFFFF  }
0xd0: {  	_ =	task.clear_ibuf [dreg:s22], $0x2FFFF;
	_ =	strace $0x9FFFFFFF  }
0xd1: {  	(tm) =	ssettm $0x7FFFFFFF  }
tec
execute0_lowered:
.L_overlay_start_1:
0x0: {  	(tag) =	ssettag $0x1  }
0x1: {  	s1 =	srdreg.scid;
	s0 =	stileid.u32  }
0x2: {  	s1 =	sand.u32 $0x1, s1;
	s4 =	sshll.u32 s0, $0x1  }
0x3: {  	s25 =	rddreg [dreg:$0x0];
	s4 =	sor.u32 s1, s4  }
0x4: {  	s3 =	rddreg [dreg:$0x1];
	s2 =	simm.s32 $0x0;
	s5 =	sshll.u32 s4, $0x6  }
0x5: {  	[smem:$0x7FF] =	sst s2;
	s4 =	sshll.u32 s4, $0xD;
	s3 =	sadd.s32 s3, s5  }
0x6: {  	_ =	strace $0x8000004A;
	s31 =	sadd.s32 s4, s25;
	[dreg:$0x3] =	wrdreg s3  }
0x7: {  	s23 =	sadd.s32 $0x742000, s31;
	s24 =	rddreg [dreg:$0x3]  }
0x8: {  	s26 =	sadd.s32 $0x742800, s31;
	[dreg:$0x4] =	wrdreg s23  }
0x9: {  	s3 =	simm.s32 $0x3;
	[dreg:$0x5] =	wrdreg s26  }
0xa: {  	[tilespmem:s2], [sflag:$0x3] =	stream.linear.gather [hbm4b:s24+s2], $0x200, $0x38;
	[tilespmem:$0x10200] =	vst v63  }
0xb: {  	_ =	swait.ge [sflag:s3], $0x200  }
0xc: {  	s6 =	simm.s32 $0x200;
	[sflag:s3] =	ssyncset.done $0x0  }
0xd: {  	s4 =	sadd.s32 $0x422000, s25;
	s5 =	simm.s32 $0x80;
	[sflag:s3] =	ssyncadd.s32 $0xFFFFFE00  }
0xe: {  	[tilespmem:s6], [sflag:$0x1] =	stream.indirect.gather [hbm4b:s4+s5], $0x80, s2, s5, $0xb8;
	[tilespmem:$0x10200] =	vst v63  }
0xf: {  	s7 =	simm.s32 $0x4200;
	s8 =	simm.s32 $0x1  }
0x10: {  	[tilespmem:s7], [sflag:$0x1] =	stream.indirect.gather [hbm4b:s4+s5], $0x80, s5, s5, $0xb8;
	[tilespmem:$0x10200] =	vst v63  }
0x11: {  	_ =	swait.ge [sflag:s8], $0x4000  }
0x12: {  	[sflag:s8] =	ssyncset.done $0x0  }
0x13: {  	s9 =	rddreg [dreg:$0x4];
	[sflag:s8] =	ssyncadd.s32 $0xFFFFC000  }
0x14: {  	[hbm4b:s9+s2] =	stream.linear.scatter [tilespmem:s6], [sflag:$0x2], $0x4000, $0x38;
	[tilespmem:$0x10200] =	vst v63  }
0x15: {  	s10 =	simm.s32 $0x8200;
	s9 =	simm.s32 $0x100  }
0x16: {  	[tilespmem:s10], [sflag:$0x1] =	stream.indirect.gather [hbm4b:s4+s5], $0x80, s9, s5, $0xb8;
	[tilespmem:$0x10200] =	vst v63  }
0x17: {  	_ =	swait.ge [sflag:s8], $0x4000  }
0x18: {  	[sflag:s8] =	ssyncset.done $0x0  }
0x19: {  	s11 =	rddreg [dreg:$0x5];
	[sflag:s8] =	ssyncadd.s32 $0xFFFFC000  }
0x1a: {  	[hbm4b:s11+s2] =	stream.linear.scatter [tilespmem:s7], [sflag:$0x2], $0x4000, $0x38;
	[tilespmem:$0x10200] =	vst v63  }
0x1b: {  	s12 =	simm.s32 $0xC200;
	s11 =	simm.s32 $0x180  }
0x1c: {  	[tilespmem:s12], [sflag:$0x1] =	stream.indirect.gather [hbm4b:s4+s5], $0x80, s11, s5, $0xb8;
	[tilespmem:$0x10200] =	vst v63  }
0x1d: {  	_ =	swait.ge [sflag:s8], $0x4000  }
0x1e: {  	[sflag:s8] =	ssyncset.done $0x0  }
0x1f: {  	s13 =	simm.s32 $0x2;
	s14 =	sadd.s32 $0x743000, s31;
	[sflag:s8] =	ssyncadd.s32 $0xFFFFC000  }
0x20: {  	[hbm4b:s14+s2] =	stream.linear.scatter [tilespmem:s10], [sflag:$0x2], $0x4000, $0x38;
	[tilespmem:$0x10200] =	vst v63  }
0x21: {  	_ =	swait.ge [sflag:s13], $0x4000  }
0x22: {  	[sflag:s13] =	ssyncset.done $0x0  }
0x23: {  	s15 =	sadd.s32 $0x4EA000, s25;
	[sflag:s13] =	ssyncadd.s32 $0xFFFFC000  }
0x24: {  	[tilespmem:s6], [sflag:$0x1] =	stream.indirect.gather [hbm4b:s15+s5], $0x80, s2, s5, $0xb8;
	[tilespmem:$0x10200] =	vst v63  }
0x25: {  	_ =	swait.ge [sflag:s8], $0x4000  }
0x26: {  	[sflag:s8] =	ssyncset.done $0x0  }
0x27: {  	s16 =	sadd.s32 $0x743800, s31;
	[sflag:s8] =	ssyncadd.s32 $0xFFFFC000  }
0x28: {  	[hbm4b:s16+s2] =	stream.linear.scatter [tilespmem:s12], [sflag:$0x2], $0x4000, $0x38;
	[tilespmem:$0x10200] =	vst v63  }
0x29: {  	_ =	swait.ge [sflag:s13], $0x4000  }
0x2a: {  	[sflag:s13] =	ssyncset.done $0x0  }
0x2b: {  	[sflag:s13] =	ssyncadd.s32 $0xFFFFC000  }
0x2c: {  	[tilespmem:s7], [sflag:$0x1] =	stream.indirect.gather [hbm4b:s15+s5], $0x80, s5, s5, $0xb8;
	[tilespmem:$0x10200] =	vst v63  }
0x2d: {  	_ =	swait.ge [sflag:s8], $0x4000  }
0x2e: {  	[sflag:s8] =	ssyncset.done $0x0  }
0x2f: {  	s17 =	sadd.s32 $0x782000, s31;
	[sflag:s8] =	ssyncadd.s32 $0xFFFFC000  }
0x30: {  	[hbm4b:s17+s2] =	stream.linear.scatter [tilespmem:s6], [sflag:$0x2], $0x4000, $0x38;
	[tilespmem:$0x10200] =	vst v63  }
0x31: {  	_ =	swait.ge [sflag:s13], $0x4000  }
0x32: {  	[sflag:s13] =	ssyncset.done $0x0  }
0x33: {  	[sflag:s13] =	ssyncadd.s32 $0xFFFFC000  }
0x34: {  	[tilespmem:s10], [sflag:$0x1] =	stream.indirect.gather [hbm4b:s15+s5], $0x80, s9, s5, $0xb8;
	[tilespmem:$0x10200] =	vst v63  }
0x35: {  	_ =	swait.ge [sflag:s8], $0x4000  }
0x36: {  	[sflag:s8] =	ssyncset.done $0x0  }
0x37: {  	s18 =	sadd.s32 $0x782800, s31;
	[sflag:s8] =	ssyncadd.s32 $0xFFFFC000  }
0x38: {  	[hbm4b:s18+s2] =	stream.linear.scatter [tilespmem:s7], [sflag:$0x2], $0x4000, $0x38;
	[tilespmem:$0x10200] =	vst v63  }
0x39: {  	_ =	swait.ge [sflag:s13], $0x4000  }
0x3a: {  	[sflag:s13] =	ssyncset.done $0x0  }
0x3b: {  	[sflag:s13] =	ssyncadd.s32 $0xFFFFC000  }
0x3c: {  	[tilespmem:s12], [sflag:$0x1] =	stream.indirect.gather [hbm4b:s15+s5], $0x80, s11, s5, $0xb8;
	[tilespmem:$0x10200] =	vst v63  }
0x3d: {  	_ =	swait.ge [sflag:s8], $0x4000  }
0x3e: {  	[sflag:s8] =	ssyncset.done $0x0  }
0x3f: {  	s19 =	sadd.s32 $0x783000, s31;
	[sflag:s8] =	ssyncadd.s32 $0xFFFFC000  }
0x40: {  	[hbm4b:s19+s2] =	stream.linear.scatter [tilespmem:s10], [sflag:$0x2], $0x4000, $0x38;
	[tilespmem:$0x10200] =	vst v63  }
0x41: {  	_ =	swait.ge [sflag:s13], $0x4000  }
0x42: {  	[sflag:s13] =	ssyncset.done $0x0  }
0x43: {  	s20 =	sadd.s32 $0x5B2000, s25;
	[sflag:s13] =	ssyncadd.s32 $0xFFFFC000  }
0x44: {  	[tilespmem:s6], [sflag:$0x1] =	stream.indirect.gather [hbm4b:s20+s5], $0x80, s2, s5, $0xb8;
	[tilespmem:$0x10200] =	vst v63  }
0x45: {  	_ =	swait.ge [sflag:s8], $0x4000  }
0x46: {  	[sflag:s8] =	ssyncset.done $0x0  }
0x47: {  	s21 =	sadd.s32 $0x783800, s31;
	[sflag:s8] =	ssyncadd.s32 $0xFFFFC000  }
0x48: {  	[hbm4b:s21+s2] =	stream.linear.scatter [tilespmem:s12], [sflag:$0x2], $0x4000, $0x38;
	[tilespmem:$0x10200] =	vst v63  }
0x49: {  	_ =	swait.ge [sflag:s13], $0x4000  }
0x4a: {  	[sflag:s13] =	ssyncset.done $0x0  }
0x4b: {  	[sflag:s13] =	ssyncadd.s32 $0xFFFFC000  }
0x4c: {  	[tilespmem:s7], [sflag:$0x1] =	stream.indirect.gather [hbm4b:s20+s5], $0x80, s5, s5, $0xb8;
	[tilespmem:$0x10200] =	vst v63  }
0x4d: {  	_ =	swait.ge [sflag:s8], $0x4000  }
0x4e: {  	[sflag:s8] =	ssyncset.done $0x0  }
0x4f: {  	s22 =	sadd.s32 $0x7C2000, s31;
	[sflag:s8] =	ssyncadd.s32 $0xFFFFC000  }
0x50: {  	[hbm4b:s22+s2] =	stream.linear.scatter [tilespmem:s6], [sflag:$0x2], $0x4000, $0x38;
	[tilespmem:$0x10200] =	vst v63  }
0x51: {  	_ =	swait.ge [sflag:s13], $0x4000  }
0x52: {  	[sflag:s13] =	ssyncset.done $0x0  }
0x53: {  	[sflag:s13] =	ssyncadd.s32 $0xFFFFC000  }
0x54: {  	[tilespmem:s10], [sflag:$0x1] =	stream.indirect.gather [hbm4b:s20+s5], $0x80, s9, s5, $0xb8;
	[tilespmem:$0x10200] =	vst v63  }
0x55: {  	_ =	swait.ge [sflag:s8], $0x4000  }
0x56: {  	[sflag:s8] =	ssyncset.done $0x0  }
0x57: {  	s23 =	sadd.s32 $0x7C2800, s31;
	[sflag:s8] =	ssyncadd.s32 $0xFFFFC000  }
0x58: {  	[hbm4b:s23+s2] =	stream.linear.scatter [tilespmem:s7], [sflag:$0x2], $0x4000, $0x38;
	[tilespmem:$0x10200] =	vst v63  }
0x59: {  	_ =	swait.ge [sflag:s13], $0x4000  }
0x5a: {  	[sflag:s13] =	ssyncset.done $0x0  }
0x5b: {  	[sflag:s13] =	ssyncadd.s32 $0xFFFFC000  }
0x5c: {  	[tilespmem:s12], [sflag:$0x1] =	stream.indirect.gather [hbm4b:s20+s5], $0x80, s11, s5, $0xb8;
	[tilespmem:$0x10200] =	vst v63  }
0x5d: {  	_ =	swait.ge [sflag:s8], $0x4000  }
0x5e: {  	[sflag:s8] =	ssyncset.done $0x0  }
0x5f: {  	s24 =	sadd.s32 $0x7C3000, s31;
	[sflag:s8] =	ssyncadd.s32 $0xFFFFC000  }
0x60: {  	[hbm4b:s24+s2] =	stream.linear.scatter [tilespmem:s10], [sflag:$0x2], $0x4000, $0x38;
	[tilespmem:$0x10200] =	vst v63  }
0x61: {  	_ =	swait.ge [sflag:s13], $0x4000  }
0x62: {  	[sflag:s13] =	ssyncset.done $0x0  }
0x63: {  	s25 =	sadd.s32 $0x67A000, s25;
	[sflag:s13] =	ssyncadd.s32 $0xFFFFC000  }
0x64: {  	[tilespmem:s6], [sflag:$0x1] =	stream.indirect.gather [hbm4b:s25+s5], $0x80, s2, s5, $0xb8;
	[tilespmem:$0x10200] =	vst v63  }
0x65: {  	_ =	swait.ge [sflag:s8], $0x4000  }
0x66: {  	[sflag:s8] =	ssyncset.done $0x0  }
0x67: {  	s26 =	sadd.s32 $0x7C3800, s31;
	[sflag:s8] =	ssyncadd.s32 $0xFFFFC000  }
0x68: {  	[hbm4b:s26+s2] =	stream.linear.scatter [tilespmem:s12], [sflag:$0x2], $0x4000, $0x38;
	[tilespmem:$0x10200] =	vst v63  }
0x69: {  	_ =	swait.ge [sflag:s13], $0x4000  }
0x6a: {  	[sflag:s13] =	ssyncset.done $0x0  }
0x6b: {  	[sflag:s13] =	ssyncadd.s32 $0xFFFFC000  }
0x6c: {  	[tilespmem:s7], [sflag:$0x1] =	stream.indirect.gather [hbm4b:s25+s5], $0x80, s5, s5, $0xb8;
	[tilespmem:$0x10200] =	vst v63  }
0x6d: {  	_ =	swait.ge [sflag:s8], $0x4000  }
0x6e: {  	[sflag:s8] =	ssyncset.done $0x0  }
0x6f: {  	s28 =	sadd.s32 $0x802000, s31;
	[sflag:s8] =	ssyncadd.s32 $0xFFFFC000  }
0x70: {  	[hbm4b:s28+s2] =	stream.linear.scatter [tilespmem:s6], [sflag:$0x2], $0x4000, $0x38;
	[tilespmem:$0x10200] =	vst v63  }
0x71: {  	_ =	swait.ge [sflag:s13], $0x4000  }
0x72: {  	[sflag:s13] =	ssyncset.done $0x0  }
0x73: {  	[sflag:s13] =	ssyncadd.s32 $0xFFFFC000  }
0x74: {  	[tilespmem:s10], [sflag:$0x1] =	stream.indirect.gather [hbm4b:s25+s5], $0x80, s9, s5, $0xb8;
	[tilespmem:$0x10200] =	vst v63  }
0x75: {  	_ =	swait.ge [sflag:s8], $0x4000  }
0x76: {  	[sflag:s8] =	ssyncset.done $0x0  }
0x77: {  	s29 =	sadd.s32 $0x802800, s31;
	[sflag:s8] =	ssyncadd.s32 $0xFFFFC000  }
0x78: {  	[hbm4b:s29+s2] =	stream.linear.scatter [tilespmem:s7], [sflag:$0x2], $0x4000, $0x38;
	[tilespmem:$0x10200] =	vst v63  }
0x79: {  	_ =	swait.ge [sflag:s13], $0x4000  }
0x7a: {  	[sflag:s13] =	ssyncset.done $0x0  }
0x7b: {  	[sflag:s13] =	ssyncadd.s32 $0xFFFFC000  }
0x7c: {  	[tilespmem:s12], [sflag:$0x1] =	stream.indirect.gather [hbm4b:s25+s5], $0x80, s11, s5, $0xb8;
	[tilespmem:$0x10200] =	vst v63  }
0x7d: {  	_ =	swait.ge [sflag:s8], $0x4000  }
0x7e: {  	[sflag:s8] =	ssyncset.done $0x0  }
0x7f: {  	s30 =	sadd.s32 $0x803000, s31;
	[sflag:s8] =	ssyncadd.s32 $0xFFFFC000  }
0x80: {  	[hbm4b:s30+s2] =	stream.linear.scatter [tilespmem:s10], [sflag:$0x2], $0x4000, $0x38;
	[tilespmem:$0x10200] =	vst v63  }
0x81: {  	_ =	swait.ge [sflag:s8], $0x4000  }
0x82: {  	[sflag:s8] =	ssyncset.done $0x0  }
0x83: {  	s31 =	sadd.s32 $0x803800, s31;
	[sflag:s8] =	ssyncadd.s32 $0xFFFFC000  }
0x84: {  	[hbm4b:s31+s2] =	stream.linear.scatter [tilespmem:s12], [sflag:$0x2], $0x4000, $0x38;
	[tilespmem:$0x10200] =	vst v63  }
0x85: {  	s1 =	ssub.s32 $0x2, s1;
	_ =	swait.ge [sflag:s13], $0x4000  }
0x86: {  	s0 =	sshrl.u32 s1, $0x1;
	[sflag:s13] =	ssyncset.done $0x0  }
0x87: {  	s0 =	ssub.s32 s1, s0;
	[sflag:s13] =	ssyncadd.s32 $0xFFFFC000  }
0x88: {  	s0 =	smax.u32 s0, $0x1;
	_ =	swait.ge [sflag:s13], $0x4000  }
0x89: {  	p0 =	sne.s32 s0, $0x1;
	[sflag:s13] =	ssyncset.done $0x0  }
.Ltmp0:
0x8a: {  	[sflag:s13] =	ssyncadd.s32 $0xFFFFC000;
	(pc) =	sbr.rel @!p0 .LBB2_2-.Ltmp0, $4  }
0x8b: {  	_ =	swait.ge [sflag:s13], $0x4000  }
0x8c: {  	[sflag:s13] =	ssyncset.done $0x0  }
0x8d: {  	[sflag:s13] =	ssyncadd.s32 $0xFFFFC000  }
0x8e: {  	s1 =	sadd.s32 $0xFFFFFFFF, s0;
	_ =	swait.ge [sflag:s13], $0x4000  }
.LBB2_1:
0x8f: {  	[sflag:s13] =	ssyncset.done $0x0  }
0x90: {  	s0 =	rddreg [dreg:$0x3];
	[sflag:s13] =	ssyncadd.s32 $0xFFFFC000  }
0x91: {  	[tilespmem:s2], [sflag:$0x3] =	stream.linear.gather [hbm4b:s0+s2], $0x200, $0x38;
	[tilespmem:$0x10200] =	vst v63  }
0x92: {  	_ =	swait.ge [sflag:s3], $0x200  }
0x93: {  	[sflag:s3] =	ssyncset.done $0x0  }
0x94: {  	[sflag:s3] =	ssyncadd.s32 $0xFFFFFE00  }
0x95: {  	[tilespmem:s6], [sflag:$0x1] =	stream.indirect.gather [hbm4b:s4+s5], $0x80, s2, s5, $0xb8;
	[tilespmem:$0x10200] =	vst v63  }
0x96: {  	_ = 	snop  }
0x97: {  	[tilespmem:s7], [sflag:$0x1] =	stream.indirect.gather [hbm4b:s4+s5], $0x80, s5, s5, $0xb8;
	[tilespmem:$0x10200] =	vst v63  }
0x98: {  	_ =	swait.ge [sflag:s8], $0x4000  }
0x99: {  	[sflag:s8] =	ssyncset.done $0x0  }
0x9a: {  	s0 =	rddreg [dreg:$0x4];
	[sflag:s8] =	ssyncadd.s32 $0xFFFFC000  }
0x9b: {  	[hbm4b:s0+s2] =	stream.linear.scatter [tilespmem:s6], [sflag:$0x2], $0x4000, $0x38;
	[tilespmem:$0x10200] =	vst v63  }
0x9c: {  	_ = 	snop  }
0x9d: {  	[tilespmem:s10], [sflag:$0x1] =	stream.indirect.gather [hbm4b:s4+s5], $0x80, s9, s5, $0xb8;
	[tilespmem:$0x10200] =	vst v63  }
0x9e: {  	_ =	swait.ge [sflag:s8], $0x4000  }
0x9f: {  	[sflag:s8] =	ssyncset.done $0x0  }
0xa0: {  	s0 =	rddreg [dreg:$0x5];
	[sflag:s8] =	ssyncadd.s32 $0xFFFFC000  }
0xa1: {  	[hbm4b:s0+s2] =	stream.linear.scatter [tilespmem:s7], [sflag:$0x2], $0x4000, $0x38;
	[tilespmem:$0x10200] =	vst v63  }
0xa2: {  	_ = 	snop  }
0xa3: {  	[tilespmem:s12], [sflag:$0x1] =	stream.indirect.gather [hbm4b:s4+s5], $0x80, s11, s5, $0xb8;
	[tilespmem:$0x10200] =	vst v63  }
0xa4: {  	_ =	swait.ge [sflag:s8], $0x4000  }
0xa5: {  	[sflag:s8] =	ssyncset.done $0x0  }
0xa6: {  	[sflag:s8] =	ssyncadd.s32 $0xFFFFC000  }
0xa7: {  	[hbm4b:s14+s2] =	stream.linear.scatter [tilespmem:s10], [sflag:$0x2], $0x4000, $0x38;
	[tilespmem:$0x10200] =	vst v63  }
0xa8: {  	_ =	swait.ge [sflag:s13], $0x4000  }
0xa9: {  	[sflag:s13] =	ssyncset.done $0x0  }
0xaa: {  	[sflag:s13] =	ssyncadd.s32 $0xFFFFC000  }
0xab: {  	[tilespmem:s6], [sflag:$0x1] =	stream.indirect.gather [hbm4b:s15+s5], $0x80, s2, s5, $0xb8;
	[tilespmem:$0x10200] =	vst v63  }
0xac: {  	_ =	swait.ge [sflag:s8], $0x4000  }
0xad: {  	[sflag:s8] =	ssyncset.done $0x0  }
0xae: {  	[sflag:s8] =	ssyncadd.s32 $0xFFFFC000  }
0xaf: {  	[hbm4b:s16+s2] =	stream.linear.scatter [tilespmem:s12], [sflag:$0x2], $0x4000, $0x38;
	[tilespmem:$0x10200] =	vst v63  }
0xb0: {  	_ =	swait.ge [sflag:s13], $0x4000  }
0xb1: {  	[sflag:s13] =	ssyncset.done $0x0  }
0xb2: {  	[sflag:s13] =	ssyncadd.s32 $0xFFFFC000  }
0xb3: {  	[tilespmem:s7], [sflag:$0x1] =	stream.indirect.gather [hbm4b:s15+s5], $0x80, s5, s5, $0xb8;
	[tilespmem:$0x10200] =	vst v63  }
0xb4: {  	_ =	swait.ge [sflag:s8], $0x4000  }
0xb5: {  	[sflag:s8] =	ssyncset.done $0x0  }
0xb6: {  	[sflag:s8] =	ssyncadd.s32 $0xFFFFC000  }
0xb7: {  	[hbm4b:s17+s2] =	stream.linear.scatter [tilespmem:s6], [sflag:$0x2], $0x4000, $0x38;
	[tilespmem:$0x10200] =	vst v63  }
0xb8: {  	_ =	swait.ge [sflag:s13], $0x4000  }
0xb9: {  	[sflag:s13] =	ssyncset.done $0x0  }
0xba: {  	[sflag:s13] =	ssyncadd.s32 $0xFFFFC000  }
0xbb: {  	[tilespmem:s10], [sflag:$0x1] =	stream.indirect.gather [hbm4b:s15+s5], $0x80, s9, s5, $0xb8;
	[tilespmem:$0x10200] =	vst v63  }
0xbc: {  	_ =	swait.ge [sflag:s8], $0x4000  }
0xbd: {  	[sflag:s8] =	ssyncset.done $0x0  }
0xbe: {  	[sflag:s8] =	ssyncadd.s32 $0xFFFFC000  }
0xbf: {  	[hbm4b:s18+s2] =	stream.linear.scatter [tilespmem:s7], [sflag:$0x2], $0x4000, $0x38;
	[tilespmem:$0x10200] =	vst v63  }
0xc0: {  	_ =	swait.ge [sflag:s13], $0x4000  }
0xc1: {  	[sflag:s13] =	ssyncset.done $0x0  }
0xc2: {  	[sflag:s13] =	ssyncadd.s32 $0xFFFFC000  }
0xc3: {  	[tilespmem:s12], [sflag:$0x1] =	stream.indirect.gather [hbm4b:s15+s5], $0x80, s11, s5, $0xb8;
	[tilespmem:$0x10200] =	vst v63  }
0xc4: {  	_ =	swait.ge [sflag:s8], $0x4000  }
0xc5: {  	[sflag:s8] =	ssyncset.done $0x0  }
0xc6: {  	[sflag:s8] =	ssyncadd.s32 $0xFFFFC000  }
0xc7: {  	[hbm4b:s19+s2] =	stream.linear.scatter [tilespmem:s10], [sflag:$0x2], $0x4000, $0x38;
	[tilespmem:$0x10200] =	vst v63  }
0xc8: {  	_ =	swait.ge [sflag:s13], $0x4000  }
0xc9: {  	[sflag:s13] =	ssyncset.done $0x0  }
0xca: {  	[sflag:s13] =	ssyncadd.s32 $0xFFFFC000  }
0xcb: {  	[tilespmem:s6], [sflag:$0x1] =	stream.indirect.gather [hbm4b:s20+s5], $0x80, s2, s5, $0xb8;
	[tilespmem:$0x10200] =	vst v63  }
0xcc: {  	_ =	swait.ge [sflag:s8], $0x4000  }
0xcd: {  	[sflag:s8] =	ssyncset.done $0x0  }
0xce: {  	[sflag:s8] =	ssyncadd.s32 $0xFFFFC000  }
0xcf: {  	[hbm4b:s21+s2] =	stream.linear.scatter [tilespmem:s12], [sflag:$0x2], $0x4000, $0x38;
	[tilespmem:$0x10200] =	vst v63  }
0xd0: {  	_ =	swait.ge [sflag:s13], $0x4000  }
0xd1: {  	[sflag:s13] =	ssyncset.done $0x0  }
0xd2: {  	[sflag:s13] =	ssyncadd.s32 $0xFFFFC000  }
0xd3: {  	[tilespmem:s7], [sflag:$0x1] =	stream.indirect.gather [hbm4b:s20+s5], $0x80, s5, s5, $0xb8;
	[tilespmem:$0x10200] =	vst v63  }
0xd4: {  	_ =	swait.ge [sflag:s8], $0x4000  }
0xd5: {  	[sflag:s8] =	ssyncset.done $0x0  }
0xd6: {  	[sflag:s8] =	ssyncadd.s32 $0xFFFFC000  }
0xd7: {  	[hbm4b:s22+s2] =	stream.linear.scatter [tilespmem:s6], [sflag:$0x2], $0x4000, $0x38;
	[tilespmem:$0x10200] =	vst v63  }
0xd8: {  	_ =	swait.ge [sflag:s13], $0x4000  }
0xd9: {  	[sflag:s13] =	ssyncset.done $0x0  }
0xda: {  	[sflag:s13] =	ssyncadd.s32 $0xFFFFC000  }
0xdb: {  	[tilespmem:s10], [sflag:$0x1] =	stream.indirect.gather [hbm4b:s20+s5], $0x80, s9, s5, $0xb8;
	[tilespmem:$0x10200] =	vst v63  }
0xdc: {  	_ =	swait.ge [sflag:s8], $0x4000  }
0xdd: {  	[sflag:s8] =	ssyncset.done $0x0  }
0xde: {  	[sflag:s8] =	ssyncadd.s32 $0xFFFFC000  }
0xdf: {  	[hbm4b:s23+s2] =	stream.linear.scatter [tilespmem:s7], [sflag:$0x2], $0x4000, $0x38;
	[tilespmem:$0x10200] =	vst v63  }
0xe0: {  	_ =	swait.ge [sflag:s13], $0x4000  }
0xe1: {  	[sflag:s13] =	ssyncset.done $0x0  }
0xe2: {  	[sflag:s13] =	ssyncadd.s32 $0xFFFFC000  }
0xe3: {  	[tilespmem:s12], [sflag:$0x1] =	stream.indirect.gather [hbm4b:s20+s5], $0x80, s11, s5, $0xb8;
	[tilespmem:$0x10200] =	vst v63  }
0xe4: {  	_ =	swait.ge [sflag:s8], $0x4000  }
0xe5: {  	[sflag:s8] =	ssyncset.done $0x0  }
0xe6: {  	[sflag:s8] =	ssyncadd.s32 $0xFFFFC000  }
0xe7: {  	[hbm4b:s24+s2] =	stream.linear.scatter [tilespmem:s10], [sflag:$0x2], $0x4000, $0x38;
	[tilespmem:$0x10200] =	vst v63  }
0xe8: {  	_ =	swait.ge [sflag:s13], $0x4000  }
0xe9: {  	[sflag:s13] =	ssyncset.done $0x0  }
0xea: {  	[sflag:s13] =	ssyncadd.s32 $0xFFFFC000  }
0xeb: {  	[tilespmem:s6], [sflag:$0x1] =	stream.indirect.gather [hbm4b:s25+s5], $0x80, s2, s5, $0xb8;
	[tilespmem:$0x10200] =	vst v63  }
0xec: {  	_ =	swait.ge [sflag:s8], $0x4000  }
0xed: {  	[sflag:s8] =	ssyncset.done $0x0  }
0xee: {  	[sflag:s8] =	ssyncadd.s32 $0xFFFFC000  }
0xef: {  	[hbm4b:s26+s2] =	stream.linear.scatter [tilespmem:s12], [sflag:$0x2], $0x4000, $0x38;
	[tilespmem:$0x10200] =	vst v63  }
0xf0: {  	_ =	swait.ge [sflag:s13], $0x4000  }
0xf1: {  	[sflag:s13] =	ssyncset.done $0x0  }
0xf2: {  	[sflag:s13] =	ssyncadd.s32 $0xFFFFC000  }
0xf3: {  	[tilespmem:s7], [sflag:$0x1] =	stream.indirect.gather [hbm4b:s25+s5], $0x80, s5, s5, $0xb8;
	[tilespmem:$0x10200] =	vst v63  }
0xf4: {  	_ =	swait.ge [sflag:s8], $0x4000  }
0xf5: {  	[sflag:s8] =	ssyncset.done $0x0  }
0xf6: {  	[sflag:s8] =	ssyncadd.s32 $0xFFFFC000  }
0xf7: {  	[hbm4b:s28+s2] =	stream.linear.scatter [tilespmem:s6], [sflag:$0x2], $0x4000, $0x38;
	[tilespmem:$0x10200] =	vst v63  }
0xf8: {  	_ =	swait.ge [sflag:s13], $0x4000  }
0xf9: {  	[sflag:s13] =	ssyncset.done $0x0  }
0xfa: {  	[sflag:s13] =	ssyncadd.s32 $0xFFFFC000  }
0xfb: {  	[tilespmem:s10], [sflag:$0x1] =	stream.indirect.gather [hbm4b:s25+s5], $0x80, s9, s5, $0xb8;
	[tilespmem:$0x10200] =	vst v63  }
0xfc: {  	_ =	swait.ge [sflag:s8], $0x4000  }
0xfd: {  	[sflag:s8] =	ssyncset.done $0x0  }
0xfe: {  	[sflag:s8] =	ssyncadd.s32 $0xFFFFC000  }
0xff: {  	[hbm4b:s29+s2] =	stream.linear.scatter [tilespmem:s7], [sflag:$0x2], $0x4000, $0x38;
	[tilespmem:$0x10200] =	vst v63  }
0x100: {  	_ =	swait.ge [sflag:s13], $0x4000  }
0x101: {  	[sflag:s13] =	ssyncset.done $0x0  }
0x102: {  	[sflag:s13] =	ssyncadd.s32 $0xFFFFC000  }
0x103: {  	[tilespmem:s12], [sflag:$0x1] =	stream.indirect.gather [hbm4b:s25+s5], $0x80, s11, s5, $0xb8;
	[tilespmem:$0x10200] =	vst v63  }
0x104: {  	_ =	swait.ge [sflag:s8], $0x4000  }
0x105: {  	[sflag:s8] =	ssyncset.done $0x0  }
0x106: {  	[sflag:s8] =	ssyncadd.s32 $0xFFFFC000  }
0x107: {  	[hbm4b:s30+s2] =	stream.linear.scatter [tilespmem:s10], [sflag:$0x2], $0x4000, $0x38;
	[tilespmem:$0x10200] =	vst v63  }
0x108: {  	_ =	swait.ge [sflag:s8], $0x4000  }
0x109: {  	[sflag:s8] =	ssyncset.done $0x0  }
0x10a: {  	[sflag:s8] =	ssyncadd.s32 $0xFFFFC000  }
0x10b: {  	[hbm4b:s31+s2] =	stream.linear.scatter [tilespmem:s12], [sflag:$0x2], $0x4000, $0x38;
	[tilespmem:$0x10200] =	vst v63  }
0x10c: {  	_ =	swait.ge [sflag:s13], $0x4000  }
0x10d: {  	[sflag:s13] =	ssyncset.done $0x0  }
0x10e: {  	[sflag:s13] =	ssyncadd.s32 $0xFFFFC000  }
0x10f: {  	_ =	swait.ge [sflag:s13], $0x4000  }
0x110: {  	p0 =	sne.s32 s1, $0x1;
	[sflag:s13] =	ssyncset.done $0x0  }
.Ltmp1:
0x111: {  	[sflag:s13] =	ssyncadd.s32 $0xFFFFC000;
	(pc) =	sbr.rel @p0 .LBB2_1-.Ltmp1, $4  }
0x112: {  	_ =	swait.ge [sflag:s13], $0x4000  }
0x113: {  	[sflag:s13] =	ssyncset.done $0x0  }
0x114: {  	[sflag:s13] =	ssyncadd.s32 $0xFFFFC000  }
0x115: {  	s1 =	sadd.s32 $0xFFFFFFFF, s1;
	_ =	swait.ge [sflag:s13], $0x4000  }
.LBB2_2:
0x116: {  	[sflag:s13] =	ssyncset.done $0x0  }
0x117: {  	[sflag:s13] =	ssyncadd.s32 $0xFFFFC000  }
0x118: {  	_ =	sfence.sel $0x180000  }
0x119: {  	[bflag:$0x0] =	sbarrier.arrive $0xFFFF  }
0x11a: {  	_ =	strace $0x9000004A  }
0x11b: {  	s0 =	stileid.u32;
	[bflag:$0x2] =	sbarrier.arrive $0xFFFF  }
0x11c: {  	p0 =	sne.s32 s0, $0x0;
	s0 =	rddreg [dreg:$0x2]  }
0x11d: {  	s0 =	sadd.s32 @!p0 $0x100000, s0  }
0x11e: {  	[sflag:s0] =	ssyncadd.tile.s32 @!p0 $0x1;
	_ =	shalt  }
.Lfunc_end2:
_tile_overlayer_lowered:
.L_overlay_start_2:
0x11f: {  	(tag) =	ssettag $0x2  }
0x120: {  	s0 =	rddreg [dreg:$0x0];
	s2 =	stileid.u32  }
0x121: {  	s1 =	rddreg [dreg:$0x1];
	p0 =	sne.s32 s2, $0x0  }
0x122: {  	s3 =	rddreg [dreg:$0x2];
	[bflag:$0x3] =	sbarrier.arrive $0xFFFF;
	s2 =	simm.s32 @!p0 $0x1C03  }
0x123: {  	[timem:s3], [sflag:s2] =	dma.local @!p0 [hbm:s0], s1  }
0x124: {  	s0 =	simm.s32 @!p0 $0x3  }
0x125: {  	_ =	swait.ge @!p0 [sflag:s0], s1  }
0x126: {  	s1 =	ssub.s32 @!p0 $0x0, s1;
	[sflag:s0] =	ssyncset.done @!p0 $0x0  }
0x127: {  	[sflag:s0] =	ssyncadd.s32 @!p0 s1  }
0x128: {  	[bflag:$0x3] =	sbarrier.arrive $0xFFFF  }
0x129: {  	_ =	shalt  }

// kernel: kernel.7.cloned.1.call-start
scs
__scs_entry_jumppad:
0x0: {  	(pc) =	sbr.rel $0x88, $3  }
0x1: {  	(tag) =	ssettag $0x0;
	lr =	simm.s32 $0x1  }
0x2: {  	[smem:$0x3F9A] =	sst lr;
	_ =	strace $0xD0000000  }
0x3: {  	_ = 	snop  }
0x4: {  	_ = 	snop  }
0x5: {  	_ = 	snop  }
0x6: {  	_ = 	snop  }
0x7: {  	_ = 	snop  }
__scs_overlays_trampoline_lowered:
0x8: {  	[smem:$0x3FA9] =	sst s0  }
0x9: {  	[smem:$0x3FAA] =	sst s1  }
0xa: {  	[smem:$0x3FAB] =	sst s2  }
0xb: {  	[smem:$0x3FAC] =	sst s3  }
0xc: {  	[smem:$0x3FAD] =	sst s4  }
0xd: {  	[smem:$0x3FAE] =	sst s5  }
0xe: {  	[smem:$0x3FAF] =	sst s6  }
0xf: {  	[smem:$0x3FB0] =	sst s7  }
0x10: {  	[smem:$0x3FB1] =	sst s8  }
0x11: {  	[smem:$0x3FB2] =	sst s9;
	s0 =	simm.s32 @!p0 $0x0  }
0x12: {  	s1 =	sld [smem:$0x3F98];
	s0 =	simm.s32 @p0 $0x1  }
0x13: {  	[smem:$0x3FB3] =	sst s0;
	s0 =	simm.s32 @!p1 $0x0  }
0x14: {  	s2 =	sld [smem:$0x3F97];
	s0 =	simm.s32 @p1 $0x1  }
0x15: {  	[smem:$0x3FB4] =	sst s0;
	s0 =	simm.s32 @!p2 $0x0  }
0x16: {  	s3 =	sld [smem:$0x3FDB];
	s0 =	simm.s32 @p2 $0x1  }
0x17: {  	s4 =	simm.s32 $0x1BF5;
	[smem:$0x3FB6] =	sst s0  }
0x18: {  	s0 =	sld [smem:$0x3F99];
	_ =	swait.ge [sflag:s4], $0x0  }
0x19: {  	s7 =	sld [smem:$0x3F9A]  }
0x1a: {  	s8 =	sadd.s32 $0xFFFFE003, lr  }
0x1b: {  	s9 =	sadd.s32 $0xFFFFFEF7, lr;
	s5 =	simm.s32 $0xFFFFFFFF;
	p2 =	slt.u32 s8, $0xFFFFF086  }
0x1c: {  	p1 =	slt.u32 s9, $0xF7A;
	s5 =	simm.s32 @!p2 $0x0  }
0x1d: {  	s5 =	simm.s32 @p1 $0x1;
	p0 =	seq.s32 s7, s2  }
0x1e: {  	s7 =	smul.u32 @!p0 $0xF7A, s2;
	p2 =	seq.s32 @!p0 s5, $0x0  }
0x1f: {  	s9 =	smul.u32 $0xF7A, s1;
	s8 =	simm.s32 @!p0 $0x1BF5;
	p2 =	por !p2, p0  }
0x20: {  	[sflag:s8] =	ssyncset.s32 @!p0 $0xFFFFF086;
	s6 =	sadd.s32 @!p0 s3, s7;
	s7 =	simm.s32 @!p0 $0x108  }
0x21: {  	s3 =	sadd.s32 s3, s9;
	s6 =	sadd.s32 @!p0 $0x88, s6;
	s7 =	simm.s32 @p2 $0x1082  }
0x22: {  	[simem:s7], [sflag:s8] =	dma.local @!p0 [hbm:s6], $0xF7A  }
0x23: {  	s9 =	sor.u32 $0xD0000000, s2;
	s6 =	simm.s32 $0x108;
	_ =	swait.ge @!p0 [sflag:s8], $0x0  }
0x24: {  	s3 =	sadd.s32 $0x88, s3;
	s6 =	simm.s32 @!p1 $0x1082;
	[sflag:s4] =	ssyncset.s32 $0xFFFFF086  }
0x25: {  	[simem:s6], [sflag:s4] =	dma.local [hbm:s3], $0xF7A  }
0x26: {  	[smem:$0x3F9A] =	sst s1;
	(tag) =	ssettag s2;
	_ =	strace s9  }
0x27: {  	s1 =	sld [smem:$0x3FAA]  }
0x28: {  	s2 =	sld [smem:$0x3FAB]  }
0x29: {  	s4 =	sld [smem:$0x3FAD]  }
0x2a: {  	p0 =	seq.s32 s5, $0x0;
	s5 =	sld [smem:$0x3FAE]  }
0x2b: {  	s6 =	sld [smem:$0x3FAF]  }
0x2c: {  	s7 =	sld [smem:$0x3FB0]  }
0x2d: {  	s3 =	simm.s32 $0x108;
	s8 =	sld [smem:$0x3FB1]  }
0x2e: {  	s3 =	simm.s32 @!p0 $0x1082;
	s9 =	sld [smem:$0x3FB2]  }
0x2f: {  	lr =	sadd.s32 s0, s3;
	s0 =	sld [smem:$0x3FA9]  }
0x30: {  	s3 =	sld [smem:$0x3FAC]  }
0x31: {  	[smem:$0x3FB5] =	sst s10  }
0x32: {  	s10 =	sld [smem:$0x3FB3];
	_ =	sdelay $0x3  }
0x33: {  	p0 =	seq.s32 s10, $0x1;
	s10 =	sld [smem:$0x3FB5];
	_ =	sdelay $0x3  }
0x34: {  	[smem:$0x3FB5] =	sst s10  }
0x35: {  	s10 =	sld [smem:$0x3FB4];
	_ =	sdelay $0x3  }
0x36: {  	p1 =	seq.s32 s10, $0x1;
	s10 =	sld [smem:$0x3FB5];
	_ =	sdelay $0x3  }
0x37: {  	[smem:$0x3FB5] =	sst s10  }
0x38: {  	s10 =	sld [smem:$0x3FB6]  }
0x39: {  	_ = 	snop;
	(pc) =	sbr.ind lr, $3  }
0x3a: {  	_ = 	snop  }
0x3b: {  	_ = 	snop  }
0x3c: {  	p2 =	seq.s32 s10, $0x1;
	s10 =	sld [smem:$0x3FB5]  }
0x3d: {  	_ =	shalt  }
0x3e: {  	_ =	shalt  }
0x3f: {  	_ =	shalt  }
0x40: {  	_ =	shalt  }
0x41: {  	_ =	shalt  }
0x42: {  	_ =	shalt  }
0x43: {  	_ =	shalt  }
0x44: {  	_ =	shalt  }
0x45: {  	_ =	shalt  }
0x46: {  	_ =	shalt  }
0x47: {  	_ =	shalt  }
0x48: {  	_ =	shalt  }
0x49: {  	_ =	shalt  }
0x4a: {  	_ =	shalt  }
0x4b: {  	_ =	shalt  }
0x4c: {  	_ =	shalt  }
0x4d: {  	_ =	shalt  }
0x4e: {  	_ =	shalt  }
0x4f: {  	_ =	shalt  }
0x50: {  	_ =	shalt  }
0x51: {  	_ =	shalt  }
0x52: {  	_ =	shalt  }
0x53: {  	_ =	shalt  }
0x54: {  	_ =	shalt  }
0x55: {  	_ =	shalt  }
0x56: {  	_ =	shalt  }
0x57: {  	_ =	shalt  }
0x58: {  	_ =	shalt  }
0x59: {  	_ =	shalt  }
0x5a: {  	_ =	shalt  }
0x5b: {  	_ =	shalt  }
0x5c: {  	_ =	shalt  }
0x5d: {  	_ =	shalt  }
0x5e: {  	_ =	shalt  }
0x5f: {  	_ =	shalt  }
0x60: {  	_ =	shalt  }
0x61: {  	_ =	shalt  }
0x62: {  	_ =	shalt  }
0x63: {  	_ =	shalt  }
0x64: {  	_ =	shalt  }
0x65: {  	_ =	shalt  }
0x66: {  	_ =	shalt  }
0x67: {  	_ =	shalt  }
0x68: {  	_ =	shalt  }
0x69: {  	_ =	shalt  }
0x6a: {  	_ =	shalt  }
0x6b: {  	_ =	shalt  }
0x6c: {  	_ =	shalt  }
0x6d: {  	_ =	shalt  }
0x6e: {  	_ =	shalt  }
0x6f: {  	_ =	shalt  }
0x70: {  	_ =	shalt  }
0x71: {  	_ =	shalt  }
0x72: {  	_ =	shalt  }
0x73: {  	_ =	shalt  }
0x74: {  	_ =	shalt  }
0x75: {  	_ =	shalt  }
0x76: {  	_ =	shalt  }
0x77: {  	_ =	shalt  }
0x78: {  	_ =	shalt  }
0x79: {  	_ =	shalt  }
0x7a: {  	_ =	shalt  }
0x7b: {  	_ =	shalt  }
0x7c: {  	_ =	shalt  }
0x7d: {  	_ =	shalt  }
0x7e: {  	_ =	shalt  }
0x7f: {  	_ =	shalt  }
0x80: {  	_ =	shalt  }
0x81: {  	_ =	shalt  }
0x82: {  	_ =	shalt  }
0x83: {  	_ =	shalt  }
0x84: {  	_ =	shalt  }
0x85: {  	_ =	shalt  }
0x86: {  	_ =	shalt  }
0x87: {  	_ =	shalt  }
.Lfunc_end0:
.L_simem_size_0:
called_computation_lowered:
.L_overlay_start_0:
0x88: {  	s2 =	sld [smem:$0x3FD9]  }
0x89: {  	s3 =	sld [smem:$0x3FFE];
	_ =	sdelay $0x1  }
0x8a: {  	s1 =	srdreg.scid  }
0x8b: {  	s0 =	sand.u32 $0x1, s1  }
0x8c: {  	s16 =	sshll.u32 s0, $0xA;
	s2 =	sadd.s32 s3, s2  }
0x8d: {  	s2 =	sadd.s32 s2, s16  }
0x8e: {  	[smem:$0x3FC1] =	sst s2  }
0x8f: {  	_ = 	snop  }
0x90: {  	(tm) =	ssettm $0x1  }
0x91: {  	s17 =	sld [smem:$0x3FFB];
	_ =	sdelay $0x3  }
0x92: {  	_ =	strace s17  }
0x93: {  	s2 =	sld [smem:$0x3FFC];
	_ =	sdelay $0x3  }
0x94: {  	_ =	strace s2  }
0x95: {  	s2 =	sld [smem:$0x3FFD];
	_ =	sdelay $0x3  }
0x96: {  	_ =	strace s2  }
0x97: {  	_ =	strace $0x8FFFFFFF  }
0x98: {  	s18 =	sld [smem:$0x3FDB];
	_ =	sdelay $0x1  }
0x99: {  	s19 =	simm.s32 $_scs_section_size  }
0x9a: {  	s4 =	simm.s32 $_size__tile_overlayer_lowered;
	s5 =	simm.s32 $_tile_overlayer_lowered  }
0x9b: {  	s22 =	simm.s32 $0x1BFF;
	s21 =	sshll.u32 s5, $0x1;
	s2 =	sadd.s32 s19, s18  }
0x9c: {  	s6 =	simm.s32 $0x0;
	s20 =	sshll.u32 s4, $0x1;
	s4 =	sadd.s32 s21, s2  }
0x9d: {  	[timem:s6], [sflag:s22] =	dma.local [hbm:s4], s20  }
0x9e: {  	_ =	swait.ge [sflag:s22], s20  }
0x9f: {  	s3 =	ssub.s32 $0x0, s20;
	[sflag:s22] =	ssyncset.done $0x0  }
0xa0: {  	[sflag:s22] =	ssyncadd.s32 s3;
	_ =	sdelay $0x1  }
0xa1: {  	s23 =	simm.s32 $0x1B8B  }
0xa2: {  	_ =	swait.ge [sflag:s23], $0x1  }
0xa3: {  	[sflag:s23] =	ssyncset.done $0x0  }
0xa4: {  	s25 =	simm.s32 $0x1B8E;
	s24 =	sld [smem:$0x3FFE];
	[sflag:s23] =	ssyncadd.s32 $0xFFFFFFFF  }
0xa5: {  	s26 =	simm.s32 $execute0_lowered;
	[smem:$0x3FD2] =	sst s25  }
0xa6: {  	s4 =	sshll.u32 s26, $0x1;
	_ =	strace $0x80000046;
	[dreg:$0x1] =	wrdreg $0xFFFFFFFF  }
0xa7: {  	s28 =	simm.s32 $_size_execute0_lowered;
	s2 =	sadd.s32 s2, s4;
	[dreg:$0x0] =	wrdreg $0x0  }
0xa8: {  	s4 =	sshll.u32 s28, $0x1;
	[dreg:$0x2] =	wrdreg s2  }
0xa9: {  	[dreg:$0x3] =	wrdreg s4  }
0xaa: {  	[dreg:$0x4] =	wrdreg $0xC0  }
0xab: {  	_ =	task [dreg:s6], $0x5FFFF  }
0xac: {  	[dreg:$0x1] =	wrdreg $0xFFFFFFFF  }
0xad: {  	[dreg:$0x0] =	wrdreg $0x60  }
0xae: {  	[dreg:$0x2] =	wrdreg s24  }
0xaf: {  	[dreg:$0x3] =	wrdreg $0x9  }
0xb0: {  	_ =	task.clear_ibuf [dreg:s6], $0x4FFFF;
	_ =	strace $0x90000046  }
0xb1: {  	s29 =	simm.s32 $0x9;
	_ =	strace $0x80000048  }
0xb2: {  	_ =	swait.ge [sflag:s29], $0x1  }
0xb3: {  	[sflag:s29] =	ssyncadd.s32 $0xFFFFFFFF  }
0xb4: {  	_ =	strace $0x90000048  }
0xb5: {  	_ =	sfence  }
0xb6: {  	s30 =	sld [smem:$0x0];
	_ =	sdelay $0x2  }
0xb7: {  	s31 =	sshll.u32 s1, $0xD;
	s1 =	sshrl.u32 s1, $0x2  }
0xb8: {  	s3 =	sand.u32 $0x4000, s31;
	s1 =	sadd.s32 s1, s30  }
0xb9: {  	s0 =	sor.u32 s3, s0;
	s1 =	sshll.u32 s1, $0x11  }
0xba: {  	s0 =	sor.u32 s1, s0  }
0xbb: {  	s0 =	sadd.s32 $0x8F2B, s0  }
0xbc: {  	[sflag:s0] =	ssyncadd.remote.s32 $0x1  }
0xbd: {  	_ =	sfence.sel $0xFFFF  }
0xbe: {  	[dreg:$0x0] =	wrdreg $0xFFFFFFFF;
	(pc) =	sbr.abs _section_cstart, $3  }
0xbf: {  	[dreg:$0x1] =	wrdreg $0xFFFFFFFF  }
0xc0: {  	_ =	task.clear_ibuf [dreg:s6], $0x2FFFF;
	_ =	strace $0x9FFFFFFF  }
0xc1: {  	(tm) =	ssettm $0x7FFFFFFF  }
tec
execute0_lowered:
.L_overlay_start_1:
0x0: {  	(tag) =	ssettag $0x1  }
0x1: {  	s1 =	srdreg.scid;
	s0 =	stileid.u32  }
0x2: {  	s1 =	sand.u32 $0x1, s1;
	s2 =	sshll.u32 s0, $0x1  }
0x3: {  	s3 =	sor.u32 s1, s2  }
0x4: {  	s25 =	rddreg [dreg:$0x0];
	s4 =	sshll.u32 s3, $0x6  }
0x5: {  	s2 =	simm.s32 $0x0;
	s3 =	sshll.u32 s3, $0xD;
	s4 =	sadd.s32 s4, s25  }
0x6: {  	[smem:$0x7FF] =	sst s2;
	s31 =	sadd.s32 s3, s25;
	s4 =	sadd.s32 $0x1800, s4  }
0x7: {  	_ =	strace $0x80000047;
	s3 =	sadd.s32 $0x322000, s31;
	[dreg:$0x2] =	wrdreg s4  }
0x8: {  	s26 =	sadd.s32 $0x322800, s31;
	[dreg:$0x3] =	wrdreg s3  }
0x9: {  	[dreg:$0x4] =	wrdreg s26  }
0xa: {  	s3 =	simm.s32 $0x3;
	s4 =	rddreg [dreg:$0x2]  }
0xb: {  	[tilespmem:s2], [sflag:$0x3] =	stream.linear.gather [hbm4b:s4+s2], $0x200, $0x38;
	[tilespmem:$0x10200] =	vst v63  }
0xc: {  	_ =	swait.ge [sflag:s3], $0x200  }
0xd: {  	s5 =	simm.s32 $0x80;
	[sflag:s3] =	ssyncset.done $0x0  }
0xe: {  	s6 =	simm.s32 $0x200;
	s4 =	sadd.s32 $0x2000, s25;
	[sflag:s3] =	ssyncadd.s32 $0xFFFFFE00  }
0xf: {  	[tilespmem:s6], [sflag:$0x1] =	stream.indirect.gather [hbm4b:s4+s5], $0x80, s2, s5, $0xb8;
	[tilespmem:$0x10200] =	vst v63  }
0x10: {  	s7 =	simm.s32 $0x4200;
	s8 =	simm.s32 $0x1  }
0x11: {  	[tilespmem:s7], [sflag:$0x1] =	stream.indirect.gather [hbm4b:s4+s5], $0x80, s5, s5, $0xb8;
	[tilespmem:$0x10200] =	vst v63  }
0x12: {  	_ =	swait.ge [sflag:s8], $0x4000  }
0x13: {  	[sflag:s8] =	ssyncset.done $0x0  }
0x14: {  	s9 =	rddreg [dreg:$0x3];
	[sflag:s8] =	ssyncadd.s32 $0xFFFFC000  }
0x15: {  	[hbm4b:s9+s2] =	stream.linear.scatter [tilespmem:s6], [sflag:$0x2], $0x4000, $0x38;
	[tilespmem:$0x10200] =	vst v63  }
0x16: {  	s10 =	simm.s32 $0x8200;
	s9 =	simm.s32 $0x100  }
0x17: {  	[tilespmem:s10], [sflag:$0x1] =	stream.indirect.gather [hbm4b:s4+s5], $0x80, s9, s5, $0xb8;
	[tilespmem:$0x10200] =	vst v63  }
0x18: {  	_ =	swait.ge [sflag:s8], $0x4000  }
0x19: {  	[sflag:s8] =	ssyncset.done $0x0  }
0x1a: {  	s11 =	rddreg [dreg:$0x4];
	[sflag:s8] =	ssyncadd.s32 $0xFFFFC000  }
0x1b: {  	[hbm4b:s11+s2] =	stream.linear.scatter [tilespmem:s7], [sflag:$0x2], $0x4000, $0x38;
	[tilespmem:$0x10200] =	vst v63  }
0x1c: {  	s12 =	simm.s32 $0xC200;
	s11 =	simm.s32 $0x180  }
0x1d: {  	[tilespmem:s12], [sflag:$0x1] =	stream.indirect.gather [hbm4b:s4+s5], $0x80, s11, s5, $0xb8;
	[tilespmem:$0x10200] =	vst v63  }
0x1e: {  	_ =	swait.ge [sflag:s8], $0x4000  }
0x1f: {  	[sflag:s8] =	ssyncset.done $0x0  }
0x20: {  	s13 =	simm.s32 $0x2;
	s14 =	sadd.s32 $0x323000, s31;
	[sflag:s8] =	ssyncadd.s32 $0xFFFFC000  }
0x21: {  	[hbm4b:s14+s2] =	stream.linear.scatter [tilespmem:s10], [sflag:$0x2], $0x4000, $0x38;
	[tilespmem:$0x10200] =	vst v63  }
0x22: {  	_ =	swait.ge [sflag:s13], $0x4000  }
0x23: {  	[sflag:s13] =	ssyncset.done $0x0  }
0x24: {  	s15 =	sadd.s32 $0xCA000, s25;
	[sflag:s13] =	ssyncadd.s32 $0xFFFFC000  }
0x25: {  	[tilespmem:s6], [sflag:$0x1] =	stream.indirect.gather [hbm4b:s15+s5], $0x80, s2, s5, $0xb8;
	[tilespmem:$0x10200] =	vst v63  }
0x26: {  	_ =	swait.ge [sflag:s8], $0x4000  }
0x27: {  	[sflag:s8] =	ssyncset.done $0x0  }
0x28: {  	s16 =	sadd.s32 $0x323800, s31;
	[sflag:s8] =	ssyncadd.s32 $0xFFFFC000  }
0x29: {  	[hbm4b:s16+s2] =	stream.linear.scatter [tilespmem:s12], [sflag:$0x2], $0x4000, $0x38;
	[tilespmem:$0x10200] =	vst v63  }
0x2a: {  	_ =	swait.ge [sflag:s13], $0x4000  }
0x2b: {  	[sflag:s13] =	ssyncset.done $0x0  }
0x2c: {  	[sflag:s13] =	ssyncadd.s32 $0xFFFFC000  }
0x2d: {  	[tilespmem:s7], [sflag:$0x1] =	stream.indirect.gather [hbm4b:s15+s5], $0x80, s5, s5, $0xb8;
	[tilespmem:$0x10200] =	vst v63  }
0x2e: {  	_ =	swait.ge [sflag:s8], $0x4000  }
0x2f: {  	[sflag:s8] =	ssyncset.done $0x0  }
0x30: {  	s17 =	sadd.s32 $0x362000, s31;
	[sflag:s8] =	ssyncadd.s32 $0xFFFFC000  }
0x31: {  	[hbm4b:s17+s2] =	stream.linear.scatter [tilespmem:s6], [sflag:$0x2], $0x4000, $0x38;
	[tilespmem:$0x10200] =	vst v63  }
0x32: {  	_ =	swait.ge [sflag:s13], $0x4000  }
0x33: {  	[sflag:s13] =	ssyncset.done $0x0  }
0x34: {  	[sflag:s13] =	ssyncadd.s32 $0xFFFFC000  }
0x35: {  	[tilespmem:s10], [sflag:$0x1] =	stream.indirect.gather [hbm4b:s15+s5], $0x80, s9, s5, $0xb8;
	[tilespmem:$0x10200] =	vst v63  }
0x36: {  	_ =	swait.ge [sflag:s8], $0x4000  }
0x37: {  	[sflag:s8] =	ssyncset.done $0x0  }
0x38: {  	s18 =	sadd.s32 $0x362800, s31;
	[sflag:s8] =	ssyncadd.s32 $0xFFFFC000  }
0x39: {  	[hbm4b:s18+s2] =	stream.linear.scatter [tilespmem:s7], [sflag:$0x2], $0x4000, $0x38;
	[tilespmem:$0x10200] =	vst v63  }
0x3a: {  	_ =	swait.ge [sflag:s13], $0x4000  }
0x3b: {  	[sflag:s13] =	ssyncset.done $0x0  }
0x3c: {  	[sflag:s13] =	ssyncadd.s32 $0xFFFFC000  }
0x3d: {  	[tilespmem:s12], [sflag:$0x1] =	stream.indirect.gather [hbm4b:s15+s5], $0x80, s11, s5, $0xb8;
	[tilespmem:$0x10200] =	vst v63  }
0x3e: {  	_ =	swait.ge [sflag:s8], $0x4000  }
0x3f: {  	[sflag:s8] =	ssyncset.done $0x0  }
0x40: {  	s19 =	sadd.s32 $0x363000, s31;
	[sflag:s8] =	ssyncadd.s32 $0xFFFFC000  }
0x41: {  	[hbm4b:s19+s2] =	stream.linear.scatter [tilespmem:s10], [sflag:$0x2], $0x4000, $0x38;
	[tilespmem:$0x10200] =	vst v63  }
0x42: {  	_ =	swait.ge [sflag:s13], $0x4000  }
0x43: {  	[sflag:s13] =	ssyncset.done $0x0  }
0x44: {  	s20 =	sadd.s32 $0x192000, s25;
	[sflag:s13] =	ssyncadd.s32 $0xFFFFC000  }
0x45: {  	[tilespmem:s6], [sflag:$0x1] =	stream.indirect.gather [hbm4b:s20+s5], $0x80, s2, s5, $0xb8;
	[tilespmem:$0x10200] =	vst v63  }
0x46: {  	_ =	swait.ge [sflag:s8], $0x4000  }
0x47: {  	[sflag:s8] =	ssyncset.done $0x0  }
0x48: {  	s21 =	sadd.s32 $0x363800, s31;
	[sflag:s8] =	ssyncadd.s32 $0xFFFFC000  }
0x49: {  	[hbm4b:s21+s2] =	stream.linear.scatter [tilespmem:s12], [sflag:$0x2], $0x4000, $0x38;
	[tilespmem:$0x10200] =	vst v63  }
0x4a: {  	_ =	swait.ge [sflag:s13], $0x4000  }
0x4b: {  	[sflag:s13] =	ssyncset.done $0x0  }
0x4c: {  	[sflag:s13] =	ssyncadd.s32 $0xFFFFC000  }
0x4d: {  	[tilespmem:s7], [sflag:$0x1] =	stream.indirect.gather [hbm4b:s20+s5], $0x80, s5, s5, $0xb8;
	[tilespmem:$0x10200] =	vst v63  }
0x4e: {  	_ =	swait.ge [sflag:s8], $0x4000  }
0x4f: {  	[sflag:s8] =	ssyncset.done $0x0  }
0x50: {  	s22 =	sadd.s32 $0x3A2000, s31;
	[sflag:s8] =	ssyncadd.s32 $0xFFFFC000  }
0x51: {  	[hbm4b:s22+s2] =	stream.linear.scatter [tilespmem:s6], [sflag:$0x2], $0x4000, $0x38;
	[tilespmem:$0x10200] =	vst v63  }
0x52: {  	_ =	swait.ge [sflag:s13], $0x4000  }
0x53: {  	[sflag:s13] =	ssyncset.done $0x0  }
0x54: {  	[sflag:s13] =	ssyncadd.s32 $0xFFFFC000  }
0x55: {  	[tilespmem:s10], [sflag:$0x1] =	stream.indirect.gather [hbm4b:s20+s5], $0x80, s9, s5, $0xb8;
	[tilespmem:$0x10200] =	vst v63  }
0x56: {  	_ =	swait.ge [sflag:s8], $0x4000  }
0x57: {  	[sflag:s8] =	ssyncset.done $0x0  }
0x58: {  	s23 =	sadd.s32 $0x3A2800, s31;
	[sflag:s8] =	ssyncadd.s32 $0xFFFFC000  }
0x59: {  	[hbm4b:s23+s2] =	stream.linear.scatter [tilespmem:s7], [sflag:$0x2], $0x4000, $0x38;
	[tilespmem:$0x10200] =	vst v63  }
0x5a: {  	_ =	swait.ge [sflag:s13], $0x4000  }
0x5b: {  	[sflag:s13] =	ssyncset.done $0x0  }
0x5c: {  	[sflag:s13] =	ssyncadd.s32 $0xFFFFC000  }
0x5d: {  	[tilespmem:s12], [sflag:$0x1] =	stream.indirect.gather [hbm4b:s20+s5], $0x80, s11, s5, $0xb8;
	[tilespmem:$0x10200] =	vst v63  }
0x5e: {  	_ =	swait.ge [sflag:s8], $0x4000  }
0x5f: {  	[sflag:s8] =	ssyncset.done $0x0  }
0x60: {  	s24 =	sadd.s32 $0x3A3000, s31;
	[sflag:s8] =	ssyncadd.s32 $0xFFFFC000  }
0x61: {  	[hbm4b:s24+s2] =	stream.linear.scatter [tilespmem:s10], [sflag:$0x2], $0x4000, $0x38;
	[tilespmem:$0x10200] =	vst v63  }
0x62: {  	_ =	swait.ge [sflag:s13], $0x4000  }
0x63: {  	[sflag:s13] =	ssyncset.done $0x0  }
0x64: {  	s25 =	sadd.s32 $0x25A000, s25;
	[sflag:s13] =	ssyncadd.s32 $0xFFFFC000  }
0x65: {  	[tilespmem:s6], [sflag:$0x1] =	stream.indirect.gather [hbm4b:s25+s5], $0x80, s2, s5, $0xb8;
	[tilespmem:$0x10200] =	vst v63  }
0x66: {  	_ =	swait.ge [sflag:s8], $0x4000  }
0x67: {  	[sflag:s8] =	ssyncset.done $0x0  }
0x68: {  	s26 =	sadd.s32 $0x3A3800, s31;
	[sflag:s8] =	ssyncadd.s32 $0xFFFFC000  }
0x69: {  	[hbm4b:s26+s2] =	stream.linear.scatter [tilespmem:s12], [sflag:$0x2], $0x4000, $0x38;
	[tilespmem:$0x10200] =	vst v63  }
0x6a: {  	_ =	swait.ge [sflag:s13], $0x4000  }
0x6b: {  	[sflag:s13] =	ssyncset.done $0x0  }
0x6c: {  	[sflag:s13] =	ssyncadd.s32 $0xFFFFC000  }
0x6d: {  	[tilespmem:s7], [sflag:$0x1] =	stream.indirect.gather [hbm4b:s25+s5], $0x80, s5, s5, $0xb8;
	[tilespmem:$0x10200] =	vst v63  }
0x6e: {  	_ =	swait.ge [sflag:s8], $0x4000  }
0x6f: {  	[sflag:s8] =	ssyncset.done $0x0  }
0x70: {  	s28 =	sadd.s32 $0x3E2000, s31;
	[sflag:s8] =	ssyncadd.s32 $0xFFFFC000  }
0x71: {  	[hbm4b:s28+s2] =	stream.linear.scatter [tilespmem:s6], [sflag:$0x2], $0x4000, $0x38;
	[tilespmem:$0x10200] =	vst v63  }
0x72: {  	_ =	swait.ge [sflag:s13], $0x4000  }
0x73: {  	[sflag:s13] =	ssyncset.done $0x0  }
0x74: {  	[sflag:s13] =	ssyncadd.s32 $0xFFFFC000  }
0x75: {  	[tilespmem:s10], [sflag:$0x1] =	stream.indirect.gather [hbm4b:s25+s5], $0x80, s9, s5, $0xb8;
	[tilespmem:$0x10200] =	vst v63  }
0x76: {  	_ =	swait.ge [sflag:s8], $0x4000  }
0x77: {  	[sflag:s8] =	ssyncset.done $0x0  }
0x78: {  	s29 =	sadd.s32 $0x3E2800, s31;
	[sflag:s8] =	ssyncadd.s32 $0xFFFFC000  }
0x79: {  	[hbm4b:s29+s2] =	stream.linear.scatter [tilespmem:s7], [sflag:$0x2], $0x4000, $0x38;
	[tilespmem:$0x10200] =	vst v63  }
0x7a: {  	_ =	swait.ge [sflag:s13], $0x4000  }
0x7b: {  	[sflag:s13] =	ssyncset.done $0x0  }
0x7c: {  	[sflag:s13] =	ssyncadd.s32 $0xFFFFC000  }
0x7d: {  	[tilespmem:s12], [sflag:$0x1] =	stream.indirect.gather [hbm4b:s25+s5], $0x80, s11, s5, $0xb8;
	[tilespmem:$0x10200] =	vst v63  }
0x7e: {  	_ =	swait.ge [sflag:s8], $0x4000  }
0x7f: {  	[sflag:s8] =	ssyncset.done $0x0  }
0x80: {  	s30 =	sadd.s32 $0x3E3000, s31;
	[sflag:s8] =	ssyncadd.s32 $0xFFFFC000  }
0x81: {  	[hbm4b:s30+s2] =	stream.linear.scatter [tilespmem:s10], [sflag:$0x2], $0x4000, $0x38;
	[tilespmem:$0x10200] =	vst v63  }
0x82: {  	_ =	swait.ge [sflag:s8], $0x4000  }
0x83: {  	[sflag:s8] =	ssyncset.done $0x0  }
0x84: {  	s31 =	sadd.s32 $0x3E3800, s31;
	[sflag:s8] =	ssyncadd.s32 $0xFFFFC000  }
0x85: {  	[hbm4b:s31+s2] =	stream.linear.scatter [tilespmem:s12], [sflag:$0x2], $0x4000, $0x38;
	[tilespmem:$0x10200] =	vst v63  }
0x86: {  	s1 =	ssub.s32 $0x2, s1;
	_ =	swait.ge [sflag:s13], $0x4000  }
0x87: {  	s0 =	sshrl.u32 s1, $0x1;
	[sflag:s13] =	ssyncset.done $0x0  }
0x88: {  	s0 =	ssub.s32 s1, s0;
	[sflag:s13] =	ssyncadd.s32 $0xFFFFC000  }
0x89: {  	s0 =	smax.u32 s0, $0x1;
	_ =	swait.ge [sflag:s13], $0x4000  }
0x8a: {  	p0 =	sne.s32 s0, $0x1;
	[sflag:s13] =	ssyncset.done $0x0  }
.Ltmp0:
0x8b: {  	[sflag:s13] =	ssyncadd.s32 $0xFFFFC000;
	(pc) =	sbr.rel @!p0 .LBB2_2-.Ltmp0, $4  }
0x8c: {  	_ =	swait.ge [sflag:s13], $0x4000  }
0x8d: {  	[sflag:s13] =	ssyncset.done $0x0  }
0x8e: {  	[sflag:s13] =	ssyncadd.s32 $0xFFFFC000  }
0x8f: {  	s1 =	sadd.s32 $0xFFFFFFFF, s0;
	_ =	swait.ge [sflag:s13], $0x4000  }
.LBB2_1:
0x90: {  	[sflag:s13] =	ssyncset.done $0x0  }
0x91: {  	s0 =	rddreg [dreg:$0x2];
	[sflag:s13] =	ssyncadd.s32 $0xFFFFC000  }
0x92: {  	[tilespmem:s2], [sflag:$0x3] =	stream.linear.gather [hbm4b:s0+s2], $0x200, $0x38;
	[tilespmem:$0x10200] =	vst v63  }
0x93: {  	_ =	swait.ge [sflag:s3], $0x200  }
0x94: {  	[sflag:s3] =	ssyncset.done $0x0  }
0x95: {  	[sflag:s3] =	ssyncadd.s32 $0xFFFFFE00  }
0x96: {  	[tilespmem:s6], [sflag:$0x1] =	stream.indirect.gather [hbm4b:s4+s5], $0x80, s2, s5, $0xb8;
	[tilespmem:$0x10200] =	vst v63  }
0x97: {  	_ = 	snop  }
0x98: {  	[tilespmem:s7], [sflag:$0x1] =	stream.indirect.gather [hbm4b:s4+s5], $0x80, s5, s5, $0xb8;
	[tilespmem:$0x10200] =	vst v63  }
0x99: {  	_ =	swait.ge [sflag:s8], $0x4000  }
0x9a: {  	[sflag:s8] =	ssyncset.done $0x0  }
0x9b: {  	s0 =	rddreg [dreg:$0x3];
	[sflag:s8] =	ssyncadd.s32 $0xFFFFC000  }
0x9c: {  	[hbm4b:s0+s2] =	stream.linear.scatter [tilespmem:s6], [sflag:$0x2], $0x4000, $0x38;
	[tilespmem:$0x10200] =	vst v63  }
0x9d: {  	_ = 	snop  }
0x9e: {  	[tilespmem:s10], [sflag:$0x1] =	stream.indirect.gather [hbm4b:s4+s5], $0x80, s9, s5, $0xb8;
	[tilespmem:$0x10200] =	vst v63  }
0x9f: {  	_ =	swait.ge [sflag:s8], $0x4000  }
0xa0: {  	[sflag:s8] =	ssyncset.done $0x0  }
0xa1: {  	s0 =	rddreg [dreg:$0x4];
	[sflag:s8] =	ssyncadd.s32 $0xFFFFC000  }
0xa2: {  	[hbm4b:s0+s2] =	stream.linear.scatter [tilespmem:s7], [sflag:$0x2], $0x4000, $0x38;
	[tilespmem:$0x10200] =	vst v63  }
0xa3: {  	_ = 	snop  }
0xa4: {  	[tilespmem:s12], [sflag:$0x1] =	stream.indirect.gather [hbm4b:s4+s5], $0x80, s11, s5, $0xb8;
	[tilespmem:$0x10200] =	vst v63  }
0xa5: {  	_ =	swait.ge [sflag:s8], $0x4000  }
0xa6: {  	[sflag:s8] =	ssyncset.done $0x0  }
0xa7: {  	[sflag:s8] =	ssyncadd.s32 $0xFFFFC000  }
0xa8: {  	[hbm4b:s14+s2] =	stream.linear.scatter [tilespmem:s10], [sflag:$0x2], $0x4000, $0x38;
	[tilespmem:$0x10200] =	vst v63  }
0xa9: {  	_ =	swait.ge [sflag:s13], $0x4000  }
0xaa: {  	[sflag:s13] =	ssyncset.done $0x0  }
0xab: {  	[sflag:s13] =	ssyncadd.s32 $0xFFFFC000  }
0xac: {  	[tilespmem:s6], [sflag:$0x1] =	stream.indirect.gather [hbm4b:s15+s5], $0x80, s2, s5, $0xb8;
	[tilespmem:$0x10200] =	vst v63  }
0xad: {  	_ =	swait.ge [sflag:s8], $0x4000  }
0xae: {  	[sflag:s8] =	ssyncset.done $0x0  }
0xaf: {  	[sflag:s8] =	ssyncadd.s32 $0xFFFFC000  }
0xb0: {  	[hbm4b:s16+s2] =	stream.linear.scatter [tilespmem:s12], [sflag:$0x2], $0x4000, $0x38;
	[tilespmem:$0x10200] =	vst v63  }
0xb1: {  	_ =	swait.ge [sflag:s13], $0x4000  }
0xb2: {  	[sflag:s13] =	ssyncset.done $0x0  }
0xb3: {  	[sflag:s13] =	ssyncadd.s32 $0xFFFFC000  }
0xb4: {  	[tilespmem:s7], [sflag:$0x1] =	stream.indirect.gather [hbm4b:s15+s5], $0x80, s5, s5, $0xb8;
	[tilespmem:$0x10200] =	vst v63  }
0xb5: {  	_ =	swait.ge [sflag:s8], $0x4000  }
0xb6: {  	[sflag:s8] =	ssyncset.done $0x0  }
0xb7: {  	[sflag:s8] =	ssyncadd.s32 $0xFFFFC000  }
0xb8: {  	[hbm4b:s17+s2] =	stream.linear.scatter [tilespmem:s6], [sflag:$0x2], $0x4000, $0x38;
	[tilespmem:$0x10200] =	vst v63  }
0xb9: {  	_ =	swait.ge [sflag:s13], $0x4000  }
0xba: {  	[sflag:s13] =	ssyncset.done $0x0  }
0xbb: {  	[sflag:s13] =	ssyncadd.s32 $0xFFFFC000  }
0xbc: {  	[tilespmem:s10], [sflag:$0x1] =	stream.indirect.gather [hbm4b:s15+s5], $0x80, s9, s5, $0xb8;
	[tilespmem:$0x10200] =	vst v63  }
0xbd: {  	_ =	swait.ge [sflag:s8], $0x4000  }
0xbe: {  	[sflag:s8] =	ssyncset.done $0x0  }
0xbf: {  	[sflag:s8] =	ssyncadd.s32 $0xFFFFC000  }
0xc0: {  	[hbm4b:s18+s2] =	stream.linear.scatter [tilespmem:s7], [sflag:$0x2], $0x4000, $0x38;
	[tilespmem:$0x10200] =	vst v63  }
0xc1: {  	_ =	swait.ge [sflag:s13], $0x4000  }
0xc2: {  	[sflag:s13] =	ssyncset.done $0x0  }
0xc3: {  	[sflag:s13] =	ssyncadd.s32 $0xFFFFC000  }
0xc4: {  	[tilespmem:s12], [sflag:$0x1] =	stream.indirect.gather [hbm4b:s15+s5], $0x80, s11, s5, $0xb8;
	[tilespmem:$0x10200] =	vst v63  }
0xc5: {  	_ =	swait.ge [sflag:s8], $0x4000  }
0xc6: {  	[sflag:s8] =	ssyncset.done $0x0  }
0xc7: {  	[sflag:s8] =	ssyncadd.s32 $0xFFFFC000  }
0xc8: {  	[hbm4b:s19+s2] =	stream.linear.scatter [tilespmem:s10], [sflag:$0x2], $0x4000, $0x38;
	[tilespmem:$0x10200] =	vst v63  }
0xc9: {  	_ =	swait.ge [sflag:s13], $0x4000  }
0xca: {  	[sflag:s13] =	ssyncset.done $0x0  }
0xcb: {  	[sflag:s13] =	ssyncadd.s32 $0xFFFFC000  }
0xcc: {  	[tilespmem:s6], [sflag:$0x1] =	stream.indirect.gather [hbm4b:s20+s5], $0x80, s2, s5, $0xb8;
	[tilespmem:$0x10200] =	vst v63  }
0xcd: {  	_ =	swait.ge [sflag:s8], $0x4000  }
0xce: {  	[sflag:s8] =	ssyncset.done $0x0  }
0xcf: {  	[sflag:s8] =	ssyncadd.s32 $0xFFFFC000  }
0xd0: {  	[hbm4b:s21+s2] =	stream.linear.scatter [tilespmem:s12], [sflag:$0x2], $0x4000, $0x38;
	[tilespmem:$0x10200] =	vst v63  }
0xd1: {  	_ =	swait.ge [sflag:s13], $0x4000  }
0xd2: {  	[sflag:s13] =	ssyncset.done $0x0  }
0xd3: {  	[sflag:s13] =	ssyncadd.s32 $0xFFFFC000  }
0xd4: {  	[tilespmem:s7], [sflag:$0x1] =	stream.indirect.gather [hbm4b:s20+s5], $0x80, s5, s5, $0xb8;
	[tilespmem:$0x10200] =	vst v63  }
0xd5: {  	_ =	swait.ge [sflag:s8], $0x4000  }
0xd6: {  	[sflag:s8] =	ssyncset.done $0x0  }
0xd7: {  	[sflag:s8] =	ssyncadd.s32 $0xFFFFC000  }
0xd8: {  	[hbm4b:s22+s2] =	stream.linear.scatter [tilespmem:s6], [sflag:$0x2], $0x4000, $0x38;
	[tilespmem:$0x10200] =	vst v63  }
0xd9: {  	_ =	swait.ge [sflag:s13], $0x4000  }
0xda: {  	[sflag:s13] =	ssyncset.done $0x0  }
0xdb: {  	[sflag:s13] =	ssyncadd.s32 $0xFFFFC000  }
0xdc: {  	[tilespmem:s10], [sflag:$0x1] =	stream.indirect.gather [hbm4b:s20+s5], $0x80, s9, s5, $0xb8;
	[tilespmem:$0x10200] =	vst v63  }
0xdd: {  	_ =	swait.ge [sflag:s8], $0x4000  }
0xde: {  	[sflag:s8] =	ssyncset.done $0x0  }
0xdf: {  	[sflag:s8] =	ssyncadd.s32 $0xFFFFC000  }
0xe0: {  	[hbm4b:s23+s2] =	stream.linear.scatter [tilespmem:s7], [sflag:$0x2], $0x4000, $0x38;
	[tilespmem:$0x10200] =	vst v63  }
0xe1: {  	_ =	swait.ge [sflag:s13], $0x4000  }
0xe2: {  	[sflag:s13] =	ssyncset.done $0x0  }
0xe3: {  	[sflag:s13] =	ssyncadd.s32 $0xFFFFC000  }
0xe4: {  	[tilespmem:s12], [sflag:$0x1] =	stream.indirect.gather [hbm4b:s20+s5], $0x80, s11, s5, $0xb8;
	[tilespmem:$0x10200] =	vst v63  }
0xe5: {  	_ =	swait.ge [sflag:s8], $0x4000  }
0xe6: {  	[sflag:s8] =	ssyncset.done $0x0  }
0xe7: {  	[sflag:s8] =	ssyncadd.s32 $0xFFFFC000  }
0xe8: {  	[hbm4b:s24+s2] =	stream.linear.scatter [tilespmem:s10], [sflag:$0x2], $0x4000, $0x38;
	[tilespmem:$0x10200] =	vst v63  }
0xe9: {  	_ =	swait.ge [sflag:s13], $0x4000  }
0xea: {  	[sflag:s13] =	ssyncset.done $0x0  }
0xeb: {  	[sflag:s13] =	ssyncadd.s32 $0xFFFFC000  }
0xec: {  	[tilespmem:s6], [sflag:$0x1] =	stream.indirect.gather [hbm4b:s25+s5], $0x80, s2, s5, $0xb8;
	[tilespmem:$0x10200] =	vst v63  }
0xed: {  	_ =	swait.ge [sflag:s8], $0x4000  }
0xee: {  	[sflag:s8] =	ssyncset.done $0x0  }
0xef: {  	[sflag:s8] =	ssyncadd.s32 $0xFFFFC000  }
0xf0: {  	[hbm4b:s26+s2] =	stream.linear.scatter [tilespmem:s12], [sflag:$0x2], $0x4000, $0x38;
	[tilespmem:$0x10200] =	vst v63  }
0xf1: {  	_ =	swait.ge [sflag:s13], $0x4000  }
0xf2: {  	[sflag:s13] =	ssyncset.done $0x0  }
0xf3: {  	[sflag:s13] =	ssyncadd.s32 $0xFFFFC000  }
0xf4: {  	[tilespmem:s7], [sflag:$0x1] =	stream.indirect.gather [hbm4b:s25+s5], $0x80, s5, s5, $0xb8;
	[tilespmem:$0x10200] =	vst v63  }
0xf5: {  	_ =	swait.ge [sflag:s8], $0x4000  }
0xf6: {  	[sflag:s8] =	ssyncset.done $0x0  }
0xf7: {  	[sflag:s8] =	ssyncadd.s32 $0xFFFFC000  }
0xf8: {  	[hbm4b:s28+s2] =	stream.linear.scatter [tilespmem:s6], [sflag:$0x2], $0x4000, $0x38;
	[tilespmem:$0x10200] =	vst v63  }
0xf9: {  	_ =	swait.ge [sflag:s13], $0x4000  }
0xfa: {  	[sflag:s13] =	ssyncset.done $0x0  }
0xfb: {  	[sflag:s13] =	ssyncadd.s32 $0xFFFFC000  }
0xfc: {  	[tilespmem:s10], [sflag:$0x1] =	stream.indirect.gather [hbm4b:s25+s5], $0x80, s9, s5, $0xb8;
	[tilespmem:$0x10200] =	vst v63  }
0xfd: {  	_ =	swait.ge [sflag:s8], $0x4000  }
0xfe: {  	[sflag:s8] =	ssyncset.done $0x0  }
0xff: {  	[sflag:s8] =	ssyncadd.s32 $0xFFFFC000  }
0x100: {  	[hbm4b:s29+s2] =	stream.linear.scatter [tilespmem:s7], [sflag:$0x2], $0x4000, $0x38;
	[tilespmem:$0x10200] =	vst v63  }
0x101: {  	_ =	swait.ge [sflag:s13], $0x4000  }
0x102: {  	[sflag:s13] =	ssyncset.done $0x0  }
0x103: {  	[sflag:s13] =	ssyncadd.s32 $0xFFFFC000  }
0x104: {  	[tilespmem:s12], [sflag:$0x1] =	stream.indirect.gather [hbm4b:s25+s5], $0x80, s11, s5, $0xb8;
	[tilespmem:$0x10200] =	vst v63  }
0x105: {  	_ =	swait.ge [sflag:s8], $0x4000  }
0x106: {  	[sflag:s8] =	ssyncset.done $0x0  }
0x107: {  	[sflag:s8] =	ssyncadd.s32 $0xFFFFC000  }
0x108: {  	[hbm4b:s30+s2] =	stream.linear.scatter [tilespmem:s10], [sflag:$0x2], $0x4000, $0x38;
	[tilespmem:$0x10200] =	vst v63  }
0x109: {  	_ =	swait.ge [sflag:s8], $0x4000  }
0x10a: {  	[sflag:s8] =	ssyncset.done $0x0  }
0x10b: {  	[sflag:s8] =	ssyncadd.s32 $0xFFFFC000  }
0x10c: {  	[hbm4b:s31+s2] =	stream.linear.scatter [tilespmem:s12], [sflag:$0x2], $0x4000, $0x38;
	[tilespmem:$0x10200] =	vst v63  }
0x10d: {  	_ =	swait.ge [sflag:s13], $0x4000  }
0x10e: {  	[sflag:s13] =	ssyncset.done $0x0  }
0x10f: {  	[sflag:s13] =	ssyncadd.s32 $0xFFFFC000  }
0x110: {  	_ =	swait.ge [sflag:s13], $0x4000  }
0x111: {  	p0 =	sne.s32 s1, $0x1;
	[sflag:s13] =	ssyncset.done $0x0  }
.Ltmp1:
0x112: {  	[sflag:s13] =	ssyncadd.s32 $0xFFFFC000;
	(pc) =	sbr.rel @p0 .LBB2_1-.Ltmp1, $4  }
0x113: {  	_ =	swait.ge [sflag:s13], $0x4000  }
0x114: {  	[sflag:s13] =	ssyncset.done $0x0  }
0x115: {  	[sflag:s13] =	ssyncadd.s32 $0xFFFFC000  }
0x116: {  	s1 =	sadd.s32 $0xFFFFFFFF, s1;
	_ =	swait.ge [sflag:s13], $0x4000  }
.LBB2_2:
0x117: {  	[sflag:s13] =	ssyncset.done $0x0  }
0x118: {  	[sflag:s13] =	ssyncadd.s32 $0xFFFFC000  }
0x119: {  	_ =	sfence.sel $0x180000  }
0x11a: {  	[bflag:$0x0] =	sbarrier.arrive $0xFFFF  }
0x11b: {  	_ =	strace $0x90000047  }
0x11c: {  	s0 =	stileid.u32;
	[bflag:$0x2] =	sbarrier.arrive $0xFFFF  }
0x11d: {  	p0 =	sne.s32 s0, $0x0;
	s0 =	rddreg [dreg:$0x1]  }
0x11e: {  	s0 =	sadd.s32 @!p0 $0x100000, s0  }
0x11f: {  	[sflag:s0] =	ssyncadd.tile.s32 @!p0 $0x1;
	_ =	shalt  }
.Lfunc_end2:
_tile_overlayer_lowered:
.L_overlay_start_2:
0x120: {  	(tag) =	ssettag $0x2  }
0x121: {  	s0 =	rddreg [dreg:$0x0];
	s2 =	stileid.u32  }
0x122: {  	s1 =	rddreg [dreg:$0x1];
	p0 =	sne.s32 s2, $0x0  }
0x123: {  	s3 =	rddreg [dreg:$0x2];
	[bflag:$0x3] =	sbarrier.arrive $0xFFFF;
	s2 =	simm.s32 @!p0 $0x1C03  }
0x124: {  	[timem:s3], [sflag:s2] =	dma.local @!p0 [hbm:s0], s1  }
0x125: {  	s0 =	simm.s32 @!p0 $0x3  }
0x126: {  	_ =	swait.ge @!p0 [sflag:s0], s1  }
0x127: {  	s1 =	ssub.s32 @!p0 $0x0, s1;
	[sflag:s0] =	ssyncset.done @!p0 $0x0  }
0x128: {  	[sflag:s0] =	ssyncadd.s32 @!p0 s1  }
0x129: {  	[bflag:$0x3] =	sbarrier.arrive $0xFFFF  }
0x12a: {  	_ =	shalt  }

</sc_bundles>
